<compile_context>
chip_gen: v7x
topology: tpu7x:2x2x1
jax: 0.10.2.dev20260603
libtpu: 0.0.44.dev20260713+nightly
codegen_flags: <defaults>
</compile_context>

<pallas_src>
import functools

import jax
import jax.numpy as jnp
import numpy as np
from jax import lax
from jax.experimental import pallas as pl
from jax.experimental.pallas import tpu as pltpu
from jax.experimental.pallas import tpu_sc as plsc

_CARDS = [100000] * 26
_F = len(_CARDS)
_D = 32
_B = 16384
_R = sum(_CARDS)

_NC, _NS, _L = 2, 16, 16
_NW = _NC * _NS

_TCOLS = -(-_R // 128)
_RP = _TCOLS * 32
_TC_PER_W = -(-_TCOLS // _NW)

_PAIRS = _F * (_B // 128)
_PER_W = _PAIRS // _NW


_PACK_G = 1
_PACK_STEPS = -(-(-(-_TCOLS // _PACK_G)) // _NW)
_PACK_CMAX = _TCOLS - _PACK_G


def _pack_body(emb_hbm, out_hbm, in_v, out_v, sem_i, sem_o):
    cid = lax.axis_index("c")
    sid = lax.axis_index("s")
    wid = sid * _NC + cid
    g0 = wid * _PACK_STEPS
    lanes = lax.iota(jnp.int32, _L)

    def c0_of(t):
        return jnp.minimum((g0 + t) * _PACK_G, _PACK_CMAX)

    def fire_in(t):
        pltpu.async_copy(emb_hbm.at[:, pl.ds(c0_of(t) * 128, _PACK_G * 128)],
                         in_v.at[t & 1], sem_i)

    def fire_out(t):
        pltpu.async_copy(out_v.at[t & 1],
                         out_hbm.at[pl.ds(c0_of(t) * 32, _PACK_G * 32), :],
                         sem_o)

    fire_in(0)
    fire_in(1)

    def step(t, carry):
        b = t & 1
        pltpu.make_async_copy(
            emb_hbm.at[:, pl.ds(c0_of(t) * 128, _PACK_G * 128)], in_v.at[b],
            sem_i).wait()
        bvec = jnp.full((_L,), b, jnp.int32)

        @plsc.parallel_loop(0, _PACK_G * 32, unroll=4)
        def _line(q):
            for k in range(8):
                val = plsc.load_gather(
                    in_v, [bvec, lanes + 16 * (k & 1),
                           jnp.full((_L,), 4 * q + k // 2, jnp.int32)])
                out_v[b, q, pl.ds(k * _L, _L)] = val

        @pl.when(t >= 2)
        def _():
            pltpu.make_async_copy(
                out_v.at[b],
                out_hbm.at[pl.ds(c0_of(t - 2) * 32, _PACK_G * 32), :],
                sem_o).wait()
        fire_out(t)

        @pl.when(t + 2 < _PACK_STEPS)
        def _():
            fire_in(t + 2)
        return carry

    lax.fori_loop(0, _PACK_STEPS, step, 0)
    for t in (_PACK_STEPS - 2, _PACK_STEPS - 1):
        pltpu.make_async_copy(
            out_v.at[t & 1],
            out_hbm.at[pl.ds(c0_of(t) * 32, _PACK_G * 32), :], sem_o).wait()


def _gather_body(x_hbm, bias_hbm, emb_hbm, out_hbm,
                 x_v, idx_v, slot_v, wide_v, tiles_v, bias_v, sem_g, sem_f):
    cid = lax.axis_index("c")
    sid = lax.axis_index("s")
    wid = sid * _NC + cid
    out2 = out_hbm.reshape(_F * _D, _B)

    pltpu.sync_copy(x_hbm.at[pl.ds(wid * _PER_W * 128, _PER_W * 128)], x_v)
    pltpu.sync_copy(bias_hbm, bias_v)
    lanes = lax.iota(jnp.int32, _L)

    def prep(t):
        p = wid * _PER_W + t
        off = ((p // 128) * 100000).astype(jnp.float32)
        g = lax.rem(t, 3)
        for k in range(8):
            r = (x_v[pl.ds(t * 128 + k * _L, _L)] + off).astype(jnp.int32)
            idx_v[g, pl.ds(k * _L, _L)] = r >> 2
            slot_v[pl.ds(g * 128 + k * _L, _L)] = (r & 3) << 5
        pltpu.async_copy(emb_hbm.at[idx_v.at[g]], wide_v.at[g], sem_g)

    prep(0)
    prep(1)

    def step(t, carry):
        b = t & 1
        g = lax.rem(t, 3)
        p = wid * _PER_W + t
        f = p // 128
        tc = p % 128

        @pl.when(t + 2 < _PER_W)
        def _():
            prep(t + 2)
        pltpu.make_async_copy(emb_hbm.at[idx_v.at[g]], wide_v.at[g],
                              sem_g).wait()

        @pl.when(t >= 2)
        def _():
            for tr in range(4):
                pltpu.make_async_copy(
                    tiles_v.at[b, pl.ds(tr * 8, 8), :],
                    out2.at[pl.ds(((p - 2) // 128) * _D + tr * 8, 8),
                            pl.ds(((p - 2) % 128) * 128, 128)],
                    sem_f).wait()

        buf = jnp.full((_L,), g, jnp.int32)
        slots = [slot_v[pl.ds(g * 128 + k * _L, _L)] for k in range(8)]

        @plsc.parallel_loop(0, _D, unroll=4)
        def _pick(j):
            bvec = bias_v[pl.ds((f * _D + j) * _L, _L)]
            for k in range(8):
                val = plsc.load_gather(
                    wide_v, [buf, k * _L + lanes, slots[k] + j])
                tiles_v[b, j, pl.ds(k * _L, _L)] = val + bvec

        for tr in range(4):
            pltpu.async_copy(
                tiles_v.at[b, pl.ds(tr * 8, 8), :],
                out2.at[pl.ds(f * _D + tr * 8, 8), pl.ds(tc * 128, 128)],
                sem_f)
        return carry

    lax.fori_loop(0, _PER_W, step, 0)
    for t in (_PER_W - 2, _PER_W - 1):
        p = wid * _PER_W + t
        for tr in range(4):
            pltpu.make_async_copy(
                tiles_v.at[t & 1, pl.ds(tr * 8, 8), :],
                out2.at[pl.ds((p // 128) * _D + tr * 8, 8),
                        pl.ds((p % 128) * 128, 128)],
                sem_f).wait()


@jax.jit
def kernel(x, emb, bias):
    x_flat = x.T.reshape(_F * _B)
    bias_bc = jnp.repeat(bias.reshape(_F * _D), _L)

    mesh = plsc.VectorSubcoreMesh(core_axis_name="c", subcore_axis_name="s")
    params = pltpu.CompilerParams(use_tc_tiling_on_sc=True,
                                  needs_layout_passes=False)
    pack = functools.partial(
        pl.kernel,
        out_type=jax.ShapeDtypeStruct((_RP, 128), jnp.float32),
        mesh=mesh,
        compiler_params=params,
        scratch_types=[
            pltpu.VMEM((2, _D, _PACK_G * 128), jnp.float32),
            pltpu.VMEM((2, _PACK_G * 32, 128), jnp.float32),
            pltpu.SemaphoreType.DMA,
            pltpu.SemaphoreType.DMA,
        ],
    )(_pack_body)
    gather = functools.partial(
        pl.kernel,
        out_type=jax.ShapeDtypeStruct((_F, _D, _B), jnp.float32),
        mesh=mesh,
        compiler_params=params,
        scratch_types=[
            pltpu.VMEM((_PER_W * 128,), jnp.float32),
            pltpu.VMEM((3, 128), jnp.int32),
            pltpu.VMEM((3 * 128,), jnp.int32),
            pltpu.VMEM((3, 128, 128), jnp.float32),
            pltpu.VMEM((2, _D, 128), jnp.float32),
            pltpu.VMEM((_F * _D * _L,), jnp.float32),
            pltpu.SemaphoreType.DMA,
            pltpu.SemaphoreType.DMA,
        ],
    )(_gather_body)

    t_pack = pack(emb.T)
    out_t = gather(x_flat, bias_bc, t_pack)
    return jnp.transpose(out_t, (2, 0, 1))

# --- scband reference (transcript-rebuilt; emitter-appended) ---
"""Pipeline reference for scband-categorical-embedding-40742059770238 (READ-ONLY COPY).

The authoritative reference and input builder live on the scoring server;
editing this copy changes nothing except your own understanding.
"""

import jax, jax.numpy as jnp
import numpy as np

CARDS = [100000] * 26
D_CAT = 32
BATCH = 16384

def setup_inputs(seed: int = 0) -> dict:
    key = jax.random.key(seed)
    k1, k2, k3 = jax.random.split(key, 3)
    # x: integer category codes per feature, stored as float32 (module rounds then casts)
    x = jax.random.randint(k1, (BATCH, len(CARDS)), 0, CARDS[0]).astype(jnp.float32)
    n_rows = int(sum(CARDS))
    bound = 1.0 / np.sqrt(D_CAT)
    emb = jax.random.uniform(k2, (n_rows, D_CAT), minval=-bound, maxval=bound, dtype=jnp.float32)
    bias = jax.random.uniform(k3, (len(CARDS), D_CAT), minval=-bound, maxval=bound, dtype=jnp.float32)
    return {"x": x, "emb": emb, "bias": bias}

def reference(x, emb, bias):
    # category_offsets buffer: cumsum([0] + cardinalities[:-1])
    offsets = jnp.asarray(np.concatenate([[0], np.cumsum(CARDS[:-1])]), dtype=jnp.float32)
    # _raw_embedding: round(x + offsets) -> long -> embedding lookup -> + bias
    idx = jnp.round(x + offsets[None, :]).astype(jnp.int32)
    out = jnp.take(emb, idx, axis=0) + bias[None, :, :]
    # mask is None -> MaskEmbedding is identity; flat=False -> return stacked (B, F, d_cat)
    return out

if __name__ == "__main__":
    import jax
    _d = setup_inputs()
    print(jax.jit(kernel)(*tuple(_d.values())))

</pallas_src>

<mosaic_0001>
#map = affine_map<(d0, d1) -> (0)>
#map1 = affine_map<(d0, d1) -> (0, 0)>
#map2 = affine_map<(d0, d1) -> (0, 0, 0)>
module attributes {stable_mosaic.version = 14 : i64} {
  func.func @_gather_body(%arg0: i32, %arg1: i32, %arg2: memref<425984xf32, #tpu.memory_space<hbm>>, %arg3: memref<13312xf32, #tpu.memory_space<hbm>>, %arg4: memref<650016x128xf32, #tpu.memory_space<hbm>>, %arg5: memref<26x32x16384xf32, #tpu.memory_space<hbm>>, %arg6: memref<13312xf32, #tpu.memory_space<vmem>>, %arg7: memref<3x128xi32, #tpu.memory_space<vmem>>, %arg8: memref<384xi32, #tpu.memory_space<vmem>>, %arg9: memref<3x128x128xf32, #tpu.memory_space<vmem>>, %arg10: memref<2x32x128xf32, #tpu.memory_space<vmem>>, %arg11: memref<13312xf32, #tpu.memory_space<vmem>>, %arg12: memref<!tpu.dma_semaphore, #tpu.memory_space<semaphore_mem>>, %arg13: memref<!tpu.dma_semaphore, #tpu.memory_space<semaphore_mem>>) attributes {dimension_semantics = [#tpu.dimension_semantics<core_parallel>, #tpu.dimension_semantics<subcore_parallel>], iteration_bounds = array<i64: 2, 16>, scalar_prefetch = 0 : i64, scratch_operands = 8 : i64, tpu.core_type = #tpu.core_type<sc_vector_subcore>, window_params = [{transform_indices = #map}, {transform_indices = #map}, {transform_indices = #map1}, {transform_indices = #map2}]} {
    %mul3A = arith.constant 2 : i32
    %mul3A_0 = arith.muli %arg1, %mul3A : i32
    %add3A = arith.addi %mul3A_0, %arg0 : i32
    %mul3A_1 = arith.constant 104 : i32
    %mul3A_2 = arith.muli %add3A, %mul3A_1 : i32
    %mul3A_3 = arith.constant 128 : i32
    %mul3A_4 = arith.muli %mul3A_2, %mul3A_3 : i32
    "tpu.region"() ({
      %run_scoped3A = tpu.sem_alloc : memref<!tpu.dma_semaphore, #tpu.memory_space<semaphore_mem>>
      %dma_start3A_929 = tpu.memref_slice %arg2[%mul3A_4] : memref<425984xf32, #tpu.memory_space<hbm>> -> memref<13312xf32, #tpu.memory_space<hbm>>
      %dma_start3A_930 = tpu.memref_slice %arg2[%mul3A_4] : memref<425984xf32, #tpu.memory_space<hbm>> -> memref<13312xf32, #tpu.memory_space<hbm>>
      tpu.enqueue_dma source(%dma_start3A_930 : memref<13312xf32, #tpu.memory_space<hbm>>) target(%arg6 : memref<13312xf32, #tpu.memory_space<vmem>>) target_semaphore(%run_scoped3A : memref<!tpu.dma_semaphore, #tpu.memory_space<semaphore_mem>>)
      %dma_wait3A_931 = tpu.memref_slice %arg2[%mul3A_4] : memref<425984xf32, #tpu.memory_space<hbm>> -> memref<13312xf32, #tpu.memory_space<hbm>>
      %dma_wait3A_932 = tpu.memref_slice %arg2[%mul3A_4] : memref<425984xf32, #tpu.memory_space<hbm>> -> memref<13312xf32, #tpu.memory_space<hbm>>
      tpu.wait_dma2 semaphore(%run_scoped3A : memref<!tpu.dma_semaphore, #tpu.memory_space<semaphore_mem>>) src(%dma_wait3A_932 : memref<13312xf32, #tpu.memory_space<hbm>>) dst(%arg6 : memref<13312xf32, #tpu.memory_space<vmem>>)
      tpu.yield
    }) : () -> ()
    "tpu.region"() ({
      %run_scoped3A = tpu.sem_alloc : memref<!tpu.dma_semaphore, #tpu.memory_space<semaphore_mem>>
      tpu.enqueue_dma source(%arg3 : memref<13312xf32, #tpu.memory_space<hbm>>) target(%arg11 : memref<13312xf32, #tpu.memory_space<vmem>>) target_semaphore(%run_scoped3A : memref<!tpu.dma_semaphore, #tpu.memory_space<semaphore_mem>>)
      tpu.wait_dma2 semaphore(%run_scoped3A : memref<!tpu.dma_semaphore, #tpu.memory_space<semaphore_mem>>) src(%arg3 : memref<13312xf32, #tpu.memory_space<hbm>>) dst(%arg11 : memref<13312xf32, #tpu.memory_space<vmem>>)
      tpu.yield
    }) : () -> ()
    %iota3A = tpu.iota {dimensions = array<i32: 0>} : vector<16xi32>
    %mul3A_5 = arith.constant 104 : i32
    %mul3A_6 = arith.muli %add3A, %mul3A_5 : i32
    %add3A_7 = arith.constant 0 : i32
    %add3A_8 = arith.addi %mul3A_6, %add3A_7 : i32
    %jit3A = arith.constant 128 : i32
    %div3A = arith.divsi %add3A_8, %jit3A : i32
    %sign3A = arith.constant 0 : i32
    %sign3A_9 = arith.cmpi sgt, %add3A_8, %sign3A : i32
    %sign3A_10 = arith.extui %sign3A_9 : i1 to i32
    %sign3A_11 = arith.constant 0 : i32
    %sign3A_12 = arith.cmpi slt, %add3A_8, %sign3A_11 : i32
    %sign3A_13 = arith.extui %sign3A_12 : i1 to i32
    %sign3A_14 = arith.subi %sign3A_10, %sign3A_13 : i32
    %sign3A_15 = arith.constant 0 : i32
    %sign3A_16 = arith.cmpi sgt, %jit3A, %sign3A_15 : i32
    %sign3A_17 = arith.extui %sign3A_16 : i1 to i32
    %sign3A_18 = arith.constant 0 : i32
    %sign3A_19 = arith.cmpi slt, %jit3A, %sign3A_18 : i32
    %sign3A_20 = arith.extui %sign3A_19 : i1 to i32
    %sign3A_21 = arith.subi %sign3A_17, %sign3A_20 : i32
    %ne3A = arith.cmpi ne, %sign3A_14, %sign3A_21 : i32
    %rem3A = arith.remsi %add3A_8, %jit3A : i32
    %ne3A_22 = arith.constant 0 : i32
    %ne3A_23 = arith.cmpi ne, %rem3A, %ne3A_22 : i32
    %and3A = arith.andi %ne3A, %ne3A_23 : i1
    %sub3A = arith.constant 1 : i32
    %sub3A_24 = arith.subi %div3A, %sub3A : i32
    %select_n3A = arith.select %and3A, %sub3A_24, %div3A : i32
    %mul3A_25 = arith.constant 100000 : i32
    %mul3A_26 = arith.muli %select_n3A, %mul3A_25 : i32
    %convert_element_type3A = arith.sitofp %mul3A_26 : i32 to f32
    %rem3A_27 = arith.constant 0 : i32
    %rem3A_28 = arith.constant 3 : i32
    %rem3A_29 = arith.remsi %rem3A_27, %rem3A_28 : i32
    %get3A = arith.constant 0 : index
    %get3A_30 = tpu.vector_load %arg6[%get3A] {strides = array<i32>} : memref<13312xf32, #tpu.memory_space<vmem>>, vector<16xf32>,
    %add3A_31 = vector.broadcast %convert_element_type3A : f32 to vector<16xf32>
    %add3A_32 = arith.addf %get3A_30, %add3A_31 : vector<16xf32>
    %convert_element_type3A_33 = arith.fptosi %add3A_32 : vector<16xf32> to vector<16xi32>
    %shift_right_arithmetic3A = arith.constant 2 : i32
    %shift_right_arithmetic3A_34 = vector.broadcast %shift_right_arithmetic3A : i32 to vector<16xi32>
    %shift_right_arithmetic3A_35 = arith.shrsi %convert_element_type3A_33, %shift_right_arithmetic3A_34 : vector<16xi32>
    %swap3A = arith.index_cast %rem3A_29 : i32 to index
    %swap3A_36 = arith.constant 0 : index
    %swap3A_37 = tpu.vector_load %arg7[%swap3A, %swap3A_36] {strides = array<i32>} : memref<3x128xi32, #tpu.memory_space<vmem>>, vector<16xi32>,
    tpu.vector_store %arg7[%swap3A, %swap3A_36], %shift_right_arithmetic3A_35 {strides = array<i32>} : memref<3x128xi32, #tpu.memory_space<vmem>>, vector<16xi32>,
    %and3A_38 = arith.constant 3 : i32
    %and3A_39 = vector.broadcast %and3A_38 : i32 to vector<16xi32>
    %and3A_40 = arith.andi %convert_element_type3A_33, %and3A_39 : vector<16xi32>
    %shift_left3A = arith.constant 5 : i32
    %shift_left3A_41 = vector.broadcast %shift_left3A : i32 to vector<16xi32>
    %shift_left3A_42 = arith.shli %and3A_40, %shift_left3A_41 : vector<16xi32>
    %mul3A_43 = arith.constant 128 : i32
    %mul3A_44 = arith.muli %rem3A_29, %mul3A_43 : i32
    %add3A_45 = arith.constant 0 : i32
    %add3A_46 = arith.addi %mul3A_44, %add3A_45 : i32
    %swap3A_47 = arith.index_cast %add3A_46 : i32 to index
    %swap3A_48 = tpu.vector_load %arg8[%swap3A_47] {strides = array<i32>} : memref<384xi32, #tpu.memory_space<vmem>>, vector<16xi32>,
    tpu.vector_store %arg8[%swap3A_47], %shift_left3A_42 {strides = array<i32>} : memref<384xi32, #tpu.memory_space<vmem>>, vector<16xi32>,
    %get3A_49 = arith.constant 16 : index
    %get3A_50 = tpu.vector_load %arg6[%get3A_49] {strides = array<i32>} : memref<13312xf32, #tpu.memory_space<vmem>>, vector<16xf32>,
    %add3A_51 = vector.broadcast %convert_element_type3A : f32 to vector<16xf32>
    %add3A_52 = arith.addf %get3A_50, %add3A_51 : vector<16xf32>
    %convert_element_type3A_53 = arith.fptosi %add3A_52 : vector<16xf32> to vector<16xi32>
    %shift_right_arithmetic3A_54 = arith.constant 2 : i32
    %shift_right_arithmetic3A_55 = vector.broadcast %shift_right_arithmetic3A_54 : i32 to vector<16xi32>
    %shift_right_arithmetic3A_56 = arith.shrsi %convert_element_type3A_53, %shift_right_arithmetic3A_55 : vector<16xi32>
    %swap3A_57 = arith.index_cast %rem3A_29 : i32 to index
    %swap3A_58 = arith.constant 16 : index
    %swap3A_59 = tpu.vector_load %arg7[%swap3A_57, %swap3A_58] {strides = array<i32>} : memref<3x128xi32, #tpu.memory_space<vmem>>, vector<16xi32>,
    tpu.vector_store %arg7[%swap3A_57, %swap3A_58], %shift_right_arithmetic3A_56 {strides = array<i32>} : memref<3x128xi32, #tpu.memory_space<vmem>>, vector<16xi32>,
    %and3A_60 = arith.constant 3 : i32
    %and3A_61 = vector.broadcast %and3A_60 : i32 to vector<16xi32>
    %and3A_62 = arith.andi %convert_element_type3A_53, %and3A_61 : vector<16xi32>
    %shift_left3A_63 = arith.constant 5 : i32
    %shift_left3A_64 = vector.broadcast %shift_left3A_63 : i32 to vector<16xi32>
    %shift_left3A_65 = arith.shli %and3A_62, %shift_left3A_64 : vector<16xi32>
    %mul3A_66 = arith.constant 128 : i32
    %mul3A_67 = arith.muli %rem3A_29, %mul3A_66 : i32
    %add3A_68 = arith.constant 16 : i32
    %add3A_69 = arith.addi %mul3A_67, %add3A_68 : i32
    %swap3A_70 = arith.index_cast %add3A_69 : i32 to index
    %swap3A_71 = tpu.vector_load %arg8[%swap3A_70] {strides = array<i32>} : memref<384xi32, #tpu.memory_space<vmem>>, vector<16xi32>,
    tpu.vector_store %arg8[%swap3A_70], %shift_left3A_65 {strides = array<i32>} : memref<384xi32, #tpu.memory_space<vmem>>, vector<16xi32>,
    %get3A_72 = arith.constant 32 : index
    %get3A_73 = tpu.vector_load %arg6[%get3A_72] {strides = array<i32>} : memref<13312xf32, #tpu.memory_space<vmem>>, vector<16xf32>,
    %add3A_74 = vector.broadcast %convert_element_type3A : f32 to vector<16xf32>
    %add3A_75 = arith.addf %get3A_73, %add3A_74 : vector<16xf32>
    %convert_element_type3A_76 = arith.fptosi %add3A_75 : vector<16xf32> to vector<16xi32>
    %shift_right_arithmetic3A_77 = arith.constant 2 : i32
    %shift_right_arithmetic3A_78 = vector.broadcast %shift_right_arithmetic3A_77 : i32 to vector<16xi32>
    %shift_right_arithmetic3A_79 = arith.shrsi %convert_element_type3A_76, %shift_right_arithmetic3A_78 : vector<16xi32>
    %swap3A_80 = arith.index_cast %rem3A_29 : i32 to index
    %swap3A_81 = arith.constant 32 : index
    %swap3A_82 = tpu.vector_load %arg7[%swap3A_80, %swap3A_81] {strides = array<i32>} : memref<3x128xi32, #tpu.memory_space<vmem>>, vector<16xi32>,
    tpu.vector_store %arg7[%swap3A_80, %swap3A_81], %shift_right_arithmetic3A_79 {strides = array<i32>} : memref<3x128xi32, #tpu.memory_space<vmem>>, vector<16xi32>,
    %and3A_83 = arith.constant 3 : i32
    %and3A_84 = vector.broadcast %and3A_83 : i32 to vector<16xi32>
    %and3A_85 = arith.andi %convert_element_type3A_76, %and3A_84 : vector<16xi32>
    %shift_left3A_86 = arith.constant 5 : i32
    %shift_left3A_87 = vector.broadcast %shift_left3A_86 : i32 to vector<16xi32>
    %shift_left3A_88 = arith.shli %and3A_85, %shift_left3A_87 : vector<16xi32>
    %mul3A_89 = arith.constant 128 : i32
    %mul3A_90 = arith.muli %rem3A_29, %mul3A_89 : i32
    %add3A_91 = arith.constant 32 : i32
    %add3A_92 = arith.addi %mul3A_90, %add3A_91 : i32
    %swap3A_93 = arith.index_cast %add3A_92 : i32 to index
    %swap3A_94 = tpu.vector_load %arg8[%swap3A_93] {strides = array<i32>} : memref<384xi32, #tpu.memory_space<vmem>>, vector<16xi32>,
    tpu.vector_store %arg8[%swap3A_93], %shift_left3A_88 {strides = array<i32>} : memref<384xi32, #tpu.memory_space<vmem>>, vector<16xi32>,
    %get3A_95 = arith.constant 48 : index
    %get3A_96 = tpu.vector_load %arg6[%get3A_95] {strides = array<i32>} : memref<13312xf32, #tpu.memory_space<vmem>>, vector<16xf32>,
    %add3A_97 = vector.broadcast %convert_element_type3A : f32 to vector<16xf32>
    %add3A_98 = arith.addf %get3A_96, %add3A_97 : vector<16xf32>
    %convert_element_type3A_99 = arith.fptosi %add3A_98 : vector<16xf32> to vector<16xi32>
    %shift_right_arithmetic3A_100 = arith.constant 2 : i32
    %shift_right_arithmetic3A_101 = vector.broadcast %shift_right_arithmetic3A_100 : i32 to vector<16xi32>
    %shift_right_arithmetic3A_102 = arith.shrsi %convert_element_type3A_99, %shift_right_arithmetic3A_101 : vector<16xi32>
    %swap3A_103 = arith.index_cast %rem3A_29 : i32 to index
    %swap3A_104 = arith.constant 48 : index
    %swap3A_105 = tpu.vector_load %arg7[%swap3A_103, %swap3A_104] {strides = array<i32>} : memref<3x128xi32, #tpu.memory_space<vmem>>, vector<16xi32>,
    tpu.vector_store %arg7[%swap3A_103, %swap3A_104], %shift_right_arithmetic3A_102 {strides = array<i32>} : memref<3x128xi32, #tpu.memory_space<vmem>>, vector<16xi32>,
    %and3A_106 = arith.constant 3 : i32
    %and3A_107 = vector.broadcast %and3A_106 : i32 to vector<16xi32>
    %and3A_108 = arith.andi %convert_element_type3A_99, %and3A_107 : vector<16xi32>
    %shift_left3A_109 = arith.constant 5 : i32
    %shift_left3A_110 = vector.broadcast %shift_left3A_109 : i32 to vector<16xi32>
    %shift_left3A_111 = arith.shli %and3A_108, %shift_left3A_110 : vector<16xi32>
    %mul3A_112 = arith.constant 128 : i32
    %mul3A_113 = arith.muli %rem3A_29, %mul3A_112 : i32
    %add3A_114 = arith.constant 48 : i32
    %add3A_115 = arith.addi %mul3A_113, %add3A_114 : i32
    %swap3A_116 = arith.index_cast %add3A_115 : i32 to index
    %swap3A_117 = tpu.vector_load %arg8[%swap3A_116] {strides = array<i32>} : memref<384xi32, #tpu.memory_space<vmem>>, vector<16xi32>,
    tpu.vector_store %arg8[%swap3A_116], %shift_left3A_111 {strides = array<i32>} : memref<384xi32, #tpu.memory_space<vmem>>, vector<16xi32>,
    %get3A_118 = arith.constant 64 : index
    %get3A_119 = tpu.vector_load %arg6[%get3A_118] {strides = array<i32>} : memref<13312xf32, #tpu.memory_space<vmem>>, vector<16xf32>,
    %add3A_120 = vector.broadcast %convert_element_type3A : f32 to vector<16xf32>
    %add3A_121 = arith.addf %get3A_119, %add3A_120 : vector<16xf32>
    %convert_element_type3A_122 = arith.fptosi %add3A_121 : vector<16xf32> to vector<16xi32>
    %shift_right_arithmetic3A_123 = arith.constant 2 : i32
    %shift_right_arithmetic3A_124 = vector.broadcast %shift_right_arithmetic3A_123 : i32 to vector<16xi32>
    %shift_right_arithmetic3A_125 = arith.shrsi %convert_element_type3A_122, %shift_right_arithmetic3A_124 : vector<16xi32>
    %swap3A_126 = arith.index_cast %rem3A_29 : i32 to index
    %swap3A_127 = arith.constant 64 : index
    %swap3A_128 = tpu.vector_load %arg7[%swap3A_126, %swap3A_127] {strides = array<i32>} : memref<3x128xi32, #tpu.memory_space<vmem>>, vector<16xi32>,
    tpu.vector_store %arg7[%swap3A_126, %swap3A_127], %shift_right_arithmetic3A_125 {strides = array<i32>} : memref<3x128xi32, #tpu.memory_space<vmem>>, vector<16xi32>,
    %and3A_129 = arith.constant 3 : i32
    %and3A_130 = vector.broadcast %and3A_129 : i32 to vector<16xi32>
    %and3A_131 = arith.andi %convert_element_type3A_122, %and3A_130 : vector<16xi32>
    %shift_left3A_132 = arith.constant 5 : i32
    %shift_left3A_133 = vector.broadcast %shift_left3A_132 : i32 to vector<16xi32>
    %shift_left3A_134 = arith.shli %and3A_131, %shift_left3A_133 : vector<16xi32>
    %mul3A_135 = arith.constant 128 : i32
    %mul3A_136 = arith.muli %rem3A_29, %mul3A_135 : i32
    %add3A_137 = arith.constant 64 : i32
    %add3A_138 = arith.addi %mul3A_136, %add3A_137 : i32
    %swap3A_139 = arith.index_cast %add3A_138 : i32 to index
    %swap3A_140 = tpu.vector_load %arg8[%swap3A_139] {strides = array<i32>} : memref<384xi32, #tpu.memory_space<vmem>>, vector<16xi32>,
    tpu.vector_store %arg8[%swap3A_139], %shift_left3A_134 {strides = array<i32>} : memref<384xi32, #tpu.memory_space<vmem>>, vector<16xi32>,
    %get3A_141 = arith.constant 80 : index
    %get3A_142 = tpu.vector_load %arg6[%get3A_141] {strides = array<i32>} : memref<13312xf32, #tpu.memory_space<vmem>>, vector<16xf32>,
    %add3A_143 = vector.broadcast %convert_element_type3A : f32 to vector<16xf32>
    %add3A_144 = arith.addf %get3A_142, %add3A_143 : vector<16xf32>
    %convert_element_type3A_145 = arith.fptosi %add3A_144 : vector<16xf32> to vector<16xi32>
    %shift_right_arithmetic3A_146 = arith.constant 2 : i32
    %shift_right_arithmetic3A_147 = vector.broadcast %shift_right_arithmetic3A_146 : i32 to vector<16xi32>
    %shift_right_arithmetic3A_148 = arith.shrsi %convert_element_type3A_145, %shift_right_arithmetic3A_147 : vector<16xi32>
    %swap3A_149 = arith.index_cast %rem3A_29 : i32 to index
    %swap3A_150 = arith.constant 80 : index
    %swap3A_151 = tpu.vector_load %arg7[%swap3A_149, %swap3A_150] {strides = array<i32>} : memref<3x128xi32, #tpu.memory_space<vmem>>, vector<16xi32>,
    tpu.vector_store %arg7[%swap3A_149, %swap3A_150], %shift_right_arithmetic3A_148 {strides = array<i32>} : memref<3x128xi32, #tpu.memory_space<vmem>>, vector<16xi32>,
    %and3A_152 = arith.constant 3 : i32
    %and3A_153 = vector.broadcast %and3A_152 : i32 to vector<16xi32>
    %and3A_154 = arith.andi %convert_element_type3A_145, %and3A_153 : vector<16xi32>
    %shift_left3A_155 = arith.constant 5 : i32
    %shift_left3A_156 = vector.broadcast %shift_left3A_155 : i32 to vector<16xi32>
    %shift_left3A_157 = arith.shli %and3A_154, %shift_left3A_156 : vector<16xi32>
    %mul3A_158 = arith.constant 128 : i32
    %mul3A_159 = arith.muli %rem3A_29, %mul3A_158 : i32
    %add3A_160 = arith.constant 80 : i32
    %add3A_161 = arith.addi %mul3A_159, %add3A_160 : i32
    %swap3A_162 = arith.index_cast %add3A_161 : i32 to index
    %swap3A_163 = tpu.vector_load %arg8[%swap3A_162] {strides = array<i32>} : memref<384xi32, #tpu.memory_space<vmem>>, vector<16xi32>,
    tpu.vector_store %arg8[%swap3A_162], %shift_left3A_157 {strides = array<i32>} : memref<384xi32, #tpu.memory_space<vmem>>, vector<16xi32>,
    %get3A_164 = arith.constant 96 : index
    %get3A_165 = tpu.vector_load %arg6[%get3A_164] {strides = array<i32>} : memref<13312xf32, #tpu.memory_space<vmem>>, vector<16xf32>,
    %add3A_166 = vector.broadcast %convert_element_type3A : f32 to vector<16xf32>
    %add3A_167 = arith.addf %get3A_165, %add3A_166 : vector<16xf32>
    %convert_element_type3A_168 = arith.fptosi %add3A_167 : vector<16xf32> to vector<16xi32>
    %shift_right_arithmetic3A_169 = arith.constant 2 : i32
    %shift_right_arithmetic3A_170 = vector.broadcast %shift_right_arithmetic3A_169 : i32 to vector<16xi32>
    %shift_right_arithmetic3A_171 = arith.shrsi %convert_element_type3A_168, %shift_right_arithmetic3A_170 : vector<16xi32>
    %swap3A_172 = arith.index_cast %rem3A_29 : i32 to index
    %swap3A_173 = arith.constant 96 : index
    %swap3A_174 = tpu.vector_load %arg7[%swap3A_172, %swap3A_173] {strides = array<i32>} : memref<3x128xi32, #tpu.memory_space<vmem>>, vector<16xi32>,
    tpu.vector_store %arg7[%swap3A_172, %swap3A_173], %shift_right_arithmetic3A_171 {strides = array<i32>} : memref<3x128xi32, #tpu.memory_space<vmem>>, vector<16xi32>,
    %and3A_175 = arith.constant 3 : i32
    %and3A_176 = vector.broadcast %and3A_175 : i32 to vector<16xi32>
    %and3A_177 = arith.andi %convert_element_type3A_168, %and3A_176 : vector<16xi32>
    %shift_left3A_178 = arith.constant 5 : i32
    %shift_left3A_179 = vector.broadcast %shift_left3A_178 : i32 to vector<16xi32>
    %shift_left3A_180 = arith.shli %and3A_177, %shift_left3A_179 : vector<16xi32>
    %mul3A_181 = arith.constant 128 : i32
    %mul3A_182 = arith.muli %rem3A_29, %mul3A_181 : i32
    %add3A_183 = arith.constant 96 : i32
    %add3A_184 = arith.addi %mul3A_182, %add3A_183 : i32
    %swap3A_185 = arith.index_cast %add3A_184 : i32 to index
    %swap3A_186 = tpu.vector_load %arg8[%swap3A_185] {strides = array<i32>} : memref<384xi32, #tpu.memory_space<vmem>>, vector<16xi32>,
    tpu.vector_store %arg8[%swap3A_185], %shift_left3A_180 {strides = array<i32>} : memref<384xi32, #tpu.memory_space<vmem>>, vector<16xi32>,
    %get3A_187 = arith.constant 112 : index
    %get3A_188 = tpu.vector_load %arg6[%get3A_187] {strides = array<i32>} : memref<13312xf32, #tpu.memory_space<vmem>>, vector<16xf32>,
    %add3A_189 = vector.broadcast %convert_element_type3A : f32 to vector<16xf32>
    %add3A_190 = arith.addf %get3A_188, %add3A_189 : vector<16xf32>
    %convert_element_type3A_191 = arith.fptosi %add3A_190 : vector<16xf32> to vector<16xi32>
    %shift_right_arithmetic3A_192 = arith.constant 2 : i32
    %shift_right_arithmetic3A_193 = vector.broadcast %shift_right_arithmetic3A_192 : i32 to vector<16xi32>
    %shift_right_arithmetic3A_194 = arith.shrsi %convert_element_type3A_191, %shift_right_arithmetic3A_193 : vector<16xi32>
    %swap3A_195 = arith.index_cast %rem3A_29 : i32 to index
    %swap3A_196 = arith.constant 112 : index
    %swap3A_197 = tpu.vector_load %arg7[%swap3A_195, %swap3A_196] {strides = array<i32>} : memref<3x128xi32, #tpu.memory_space<vmem>>, vector<16xi32>,
    tpu.vector_store %arg7[%swap3A_195, %swap3A_196], %shift_right_arithmetic3A_194 {strides = array<i32>} : memref<3x128xi32, #tpu.memory_space<vmem>>, vector<16xi32>,
    %and3A_198 = arith.constant 3 : i32
    %and3A_199 = vector.broadcast %and3A_198 : i32 to vector<16xi32>
    %and3A_200 = arith.andi %convert_element_type3A_191, %and3A_199 : vector<16xi32>
    %shift_left3A_201 = arith.constant 5 : i32
    %shift_left3A_202 = vector.broadcast %shift_left3A_201 : i32 to vector<16xi32>
    %shift_left3A_203 = arith.shli %and3A_200, %shift_left3A_202 : vector<16xi32>
    %mul3A_204 = arith.constant 128 : i32
    %mul3A_205 = arith.muli %rem3A_29, %mul3A_204 : i32
    %add3A_206 = arith.constant 112 : i32
    %add3A_207 = arith.addi %mul3A_205, %add3A_206 : i32
    %swap3A_208 = arith.index_cast %add3A_207 : i32 to index
    %swap3A_209 = tpu.vector_load %arg8[%swap3A_208] {strides = array<i32>} : memref<384xi32, #tpu.memory_space<vmem>>, vector<16xi32>,
    tpu.vector_store %arg8[%swap3A_208], %shift_left3A_203 {strides = array<i32>} : memref<384xi32, #tpu.memory_space<vmem>>, vector<16xi32>,
    %dma_start3A = arith.constant 0 : i32
    %dma_start3A_210 = arith.constant 0 : i32
    %dma_start3A_211 = tpu.memref_slice %arg9[%rem3A_29, %dma_start3A, %dma_start3A_210] : memref<3x128x128xf32, #tpu.memory_space<vmem>> -> memref<1x128x128xf32, #tpu.memory_space<vmem>>
    %dma_start3A_212 = tpu.memref_squeeze %dma_start3A_211 : memref<1x128x128xf32, #tpu.memory_space<vmem>> -> memref<128x128xf32, #tpu.memory_space<vmem>>
    %dma_start3A_213 = arith.constant 0 : i32
    %dma_start3A_214 = tpu.memref_slice %arg7[%rem3A_29, %dma_start3A_213] : memref<3x128xi32, #tpu.memory_space<vmem>> -> memref<1x128xi32, #tpu.memory_space<vmem>>
    %dma_start3A_215 = tpu.memref_squeeze %dma_start3A_214 : memref<1x128xi32, #tpu.memory_space<vmem>> -> memref<128xi32, #tpu.memory_space<vmem>>
    %dma_start3A_216 = arith.constant 0 : i32
    %dma_start3A_217 = arith.constant 0 : i32
    %dma_start3A_218 = tpu.memref_slice %arg4[%dma_start3A_216, %dma_start3A_217] : memref<650016x128xf32, #tpu.memory_space<hbm>> -> memref<650016x128xf32, #tpu.memory_space<hbm>>
    tpu.enqueue_indirect_dma source(%dma_start3A_218 : memref<650016x128xf32, #tpu.memory_space<hbm>>) target(%dma_start3A_212 : memref<128x128xf32, #tpu.memory_space<vmem>>) offsets(%dma_start3A_215 : memref<128xi32, #tpu.memory_space<vmem>>) semaphore(%arg12 : memref<!tpu.dma_semaphore, #tpu.memory_space<semaphore_mem>>)
    %mul3A_219 = arith.constant 104 : i32
    %mul3A_220 = arith.muli %add3A, %mul3A_219 : i32
    %add3A_221 = arith.constant 1 : i32
    %add3A_222 = arith.addi %mul3A_220, %add3A_221 : i32
    %jit3A_223 = arith.constant 128 : i32
    %div3A_224 = arith.divsi %add3A_222, %jit3A_223 : i32
    %sign3A_225 = arith.constant 0 : i32
    %sign3A_226 = arith.cmpi sgt, %add3A_222, %sign3A_225 : i32
    %sign3A_227 = arith.extui %sign3A_226 : i1 to i32
    %sign3A_228 = arith.constant 0 : i32
    %sign3A_229 = arith.cmpi slt, %add3A_222, %sign3A_228 : i32
    %sign3A_230 = arith.extui %sign3A_229 : i1 to i32
    %sign3A_231 = arith.subi %sign3A_227, %sign3A_230 : i32
    %sign3A_232 = arith.constant 0 : i32
    %sign3A_233 = arith.cmpi sgt, %jit3A_223, %sign3A_232 : i32
    %sign3A_234 = arith.extui %sign3A_233 : i1 to i32
    %sign3A_235 = arith.constant 0 : i32
    %sign3A_236 = arith.cmpi slt, %jit3A_223, %sign3A_235 : i32
    %sign3A_237 = arith.extui %sign3A_236 : i1 to i32
    %sign3A_238 = arith.subi %sign3A_234, %sign3A_237 : i32
    %ne3A_239 = arith.cmpi ne, %sign3A_231, %sign3A_238 : i32
    %rem3A_240 = arith.remsi %add3A_222, %jit3A_223 : i32
    %ne3A_241 = arith.constant 0 : i32
    %ne3A_242 = arith.cmpi ne, %rem3A_240, %ne3A_241 : i32
    %and3A_243 = arith.andi %ne3A_239, %ne3A_242 : i1
    %sub3A_244 = arith.constant 1 : i32
    %sub3A_245 = arith.subi %div3A_224, %sub3A_244 : i32
    %select_n3A_246 = arith.select %and3A_243, %sub3A_245, %div3A_224 : i32
    %mul3A_247 = arith.constant 100000 : i32
    %mul3A_248 = arith.muli %select_n3A_246, %mul3A_247 : i32
    %convert_element_type3A_249 = arith.sitofp %mul3A_248 : i32 to f32
    %rem3A_250 = arith.constant 1 : i32
    %rem3A_251 = arith.constant 3 : i32
    %rem3A_252 = arith.remsi %rem3A_250, %rem3A_251 : i32
    %get3A_253 = arith.constant 128 : index
    %get3A_254 = tpu.vector_load %arg6[%get3A_253] {strides = array<i32>} : memref<13312xf32, #tpu.memory_space<vmem>>, vector<16xf32>,
    %add3A_255 = vector.broadcast %convert_element_type3A_249 : f32 to vector<16xf32>
    %add3A_256 = arith.addf %get3A_254, %add3A_255 : vector<16xf32>
    %convert_element_type3A_257 = arith.fptosi %add3A_256 : vector<16xf32> to vector<16xi32>
    %shift_right_arithmetic3A_258 = arith.constant 2 : i32
    %shift_right_arithmetic3A_259 = vector.broadcast %shift_right_arithmetic3A_258 : i32 to vector<16xi32>
    %shift_right_arithmetic3A_260 = arith.shrsi %convert_element_type3A_257, %shift_right_arithmetic3A_259 : vector<16xi32>
    %swap3A_261 = arith.index_cast %rem3A_252 : i32 to index
    %swap3A_262 = arith.constant 0 : index
    %swap3A_263 = tpu.vector_load %arg7[%swap3A_261, %swap3A_262] {strides = array<i32>} : memref<3x128xi32, #tpu.memory_space<vmem>>, vector<16xi32>,
    tpu.vector_store %arg7[%swap3A_261, %swap3A_262], %shift_right_arithmetic3A_260 {strides = array<i32>} : memref<3x128xi32, #tpu.memory_space<vmem>>, vector<16xi32>,
    %and3A_264 = arith.constant 3 : i32
    %and3A_265 = vector.broadcast %and3A_264 : i32 to vector<16xi32>
    %and3A_266 = arith.andi %convert_element_type3A_257, %and3A_265 : vector<16xi32>
    %shift_left3A_267 = arith.constant 5 : i32
    %shift_left3A_268 = vector.broadcast %shift_left3A_267 : i32 to vector<16xi32>
    %shift_left3A_269 = arith.shli %and3A_266, %shift_left3A_268 : vector<16xi32>
    %mul3A_270 = arith.constant 128 : i32
    %mul3A_271 = arith.muli %rem3A_252, %mul3A_270 : i32
    %add3A_272 = arith.constant 0 : i32
    %add3A_273 = arith.addi %mul3A_271, %add3A_272 : i32
    %swap3A_274 = arith.index_cast %add3A_273 : i32 to index
    %swap3A_275 = tpu.vector_load %arg8[%swap3A_274] {strides = array<i32>} : memref<384xi32, #tpu.memory_space<vmem>>, vector<16xi32>,
    tpu.vector_store %arg8[%swap3A_274], %shift_left3A_269 {strides = array<i32>} : memref<384xi32, #tpu.memory_space<vmem>>, vector<16xi32>,
    %get3A_276 = arith.constant 144 : index
    %get3A_277 = tpu.vector_load %arg6[%get3A_276] {strides = array<i32>} : memref<13312xf32, #tpu.memory_space<vmem>>, vector<16xf32>,
    %add3A_278 = vector.broadcast %convert_element_type3A_249 : f32 to vector<16xf32>
    %add3A_279 = arith.addf %get3A_277, %add3A_278 : vector<16xf32>
    %convert_element_type3A_280 = arith.fptosi %add3A_279 : vector<16xf32> to vector<16xi32>
    %shift_right_arithmetic3A_281 = arith.constant 2 : i32
    %shift_right_arithmetic3A_282 = vector.broadcast %shift_right_arithmetic3A_281 : i32 to vector<16xi32>
    %shift_right_arithmetic3A_283 = arith.shrsi %convert_element_type3A_280, %shift_right_arithmetic3A_282 : vector<16xi32>
    %swap3A_284 = arith.index_cast %rem3A_252 : i32 to index
    %swap3A_285 = arith.constant 16 : index
    %swap3A_286 = tpu.vector_load %arg7[%swap3A_284, %swap3A_285] {strides = array<i32>} : memref<3x128xi32, #tpu.memory_space<vmem>>, vector<16xi32>,
    tpu.vector_store %arg7[%swap3A_284, %swap3A_285], %shift_right_arithmetic3A_283 {strides = array<i32>} : memref<3x128xi32, #tpu.memory_space<vmem>>, vector<16xi32>,
    %and3A_287 = arith.constant 3 : i32
    %and3A_288 = vector.broadcast %and3A_287 : i32 to vector<16xi32>
    %and3A_289 = arith.andi %convert_element_type3A_280, %and3A_288 : vector<16xi32>
    %shift_left3A_290 = arith.constant 5 : i32
    %shift_left3A_291 = vector.broadcast %shift_left3A_290 : i32 to vector<16xi32>
    %shift_left3A_292 = arith.shli %and3A_289, %shift_left3A_291 : vector<16xi32>
    %mul3A_293 = arith.constant 128 : i32
    %mul3A_294 = arith.muli %rem3A_252, %mul3A_293 : i32
    %add3A_295 = arith.constant 16 : i32
    %add3A_296 = arith.addi %mul3A_294, %add3A_295 : i32
    %swap3A_297 = arith.index_cast %add3A_296 : i32 to index
    %swap3A_298 = tpu.vector_load %arg8[%swap3A_297] {strides = array<i32>} : memref<384xi32, #tpu.memory_space<vmem>>, vector<16xi32>,
    tpu.vector_store %arg8[%swap3A_297], %shift_left3A_292 {strides = array<i32>} : memref<384xi32, #tpu.memory_space<vmem>>, vector<16xi32>,
    %get3A_299 = arith.constant 160 : index
    %get3A_300 = tpu.vector_load %arg6[%get3A_299] {strides = array<i32>} : memref<13312xf32, #tpu.memory_space<vmem>>, vector<16xf32>,
    %add3A_301 = vector.broadcast %convert_element_type3A_249 : f32 to vector<16xf32>
    %add3A_302 = arith.addf %get3A_300, %add3A_301 : vector<16xf32>
    %convert_element_type3A_303 = arith.fptosi %add3A_302 : vector<16xf32> to vector<16xi32>
    %shift_right_arithmetic3A_304 = arith.constant 2 : i32
    %shift_right_arithmetic3A_305 = vector.broadcast %shift_right_arithmetic3A_304 : i32 to vector<16xi32>
    %shift_right_arithmetic3A_306 = arith.shrsi %convert_element_type3A_303, %shift_right_arithmetic3A_305 : vector<16xi32>
    %swap3A_307 = arith.index_cast %rem3A_252 : i32 to index
    %swap3A_308 = arith.constant 32 : index
    %swap3A_309 = tpu.vector_load %arg7[%swap3A_307, %swap3A_308] {strides = array<i32>} : memref<3x128xi32, #tpu.memory_space<vmem>>, vector<16xi32>,
    tpu.vector_store %arg7[%swap3A_307, %swap3A_308], %shift_right_arithmetic3A_306 {strides = array<i32>} : memref<3x128xi32, #tpu.memory_space<vmem>>, vector<16xi32>,
    %and3A_310 = arith.constant 3 : i32
    %and3A_311 = vector.broadcast %and3A_310 : i32 to vector<16xi32>
    %and3A_312 = arith.andi %convert_element_type3A_303, %and3A_311 : vector<16xi32>
    %shift_left3A_313 = arith.constant 5 : i32
    %shift_left3A_314 = vector.broadcast %shift_left3A_313 : i32 to vector<16xi32>
    %shift_left3A_315 = arith.shli %and3A_312, %shift_left3A_314 : vector<16xi32>
    %mul3A_316 = arith.constant 128 : i32
    %mul3A_317 = arith.muli %rem3A_252, %mul3A_316 : i32
    %add3A_318 = arith.constant 32 : i32
    %add3A_319 = arith.addi %mul3A_317, %add3A_318 : i32
    %swap3A_320 = arith.index_cast %add3A_319 : i32 to index
    %swap3A_321 = tpu.vector_load %arg8[%swap3A_320] {strides = array<i32>} : memref<384xi32, #tpu.memory_space<vmem>>, vector<16xi32>,
    tpu.vector_store %arg8[%swap3A_320], %shift_left3A_315 {strides = array<i32>} : memref<384xi32, #tpu.memory_space<vmem>>, vector<16xi32>,
    %get3A_322 = arith.constant 176 : index
    %get3A_323 = tpu.vector_load %arg6[%get3A_322] {strides = array<i32>} : memref<13312xf32, #tpu.memory_space<vmem>>, vector<16xf32>,
    %add3A_324 = vector.broadcast %convert_element_type3A_249 : f32 to vector<16xf32>
    %add3A_325 = arith.addf %get3A_323, %add3A_324 : vector<16xf32>
    %convert_element_type3A_326 = arith.fptosi %add3A_325 : vector<16xf32> to vector<16xi32>
    %shift_right_arithmetic3A_327 = arith.constant 2 : i32
    %shift_right_arithmetic3A_328 = vector.broadcast %shift_right_arithmetic3A_327 : i32 to vector<16xi32>
    %shift_right_arithmetic3A_329 = arith.shrsi %convert_element_type3A_326, %shift_right_arithmetic3A_328 : vector<16xi32>
    %swap3A_330 = arith.index_cast %rem3A_252 : i32 to index
    %swap3A_331 = arith.constant 48 : index
    %swap3A_332 = tpu.vector_load %arg7[%swap3A_330, %swap3A_331] {strides = array<i32>} : memref<3x128xi32, #tpu.memory_space<vmem>>, vector<16xi32>,
    tpu.vector_store %arg7[%swap3A_330, %swap3A_331], %shift_right_arithmetic3A_329 {strides = array<i32>} : memref<3x128xi32, #tpu.memory_space<vmem>>, vector<16xi32>,
    %and3A_333 = arith.constant 3 : i32
    %and3A_334 = vector.broadcast %and3A_333 : i32 to vector<16xi32>
    %and3A_335 = arith.andi %convert_element_type3A_326, %and3A_334 : vector<16xi32>
    %shift_left3A_336 = arith.constant 5 : i32
    %shift_left3A_337 = vector.broadcast %shift_left3A_336 : i32 to vector<16xi32>
    %shift_left3A_338 = arith.shli %and3A_335, %shift_left3A_337 : vector<16xi32>
    %mul3A_339 = arith.constant 128 : i32
    %mul3A_340 = arith.muli %rem3A_252, %mul3A_339 : i32
    %add3A_341 = arith.constant 48 : i32
    %add3A_342 = arith.addi %mul3A_340, %add3A_341 : i32
    %swap3A_343 = arith.index_cast %add3A_342 : i32 to index
    %swap3A_344 = tpu.vector_load %arg8[%swap3A_343] {strides = array<i32>} : memref<384xi32, #tpu.memory_space<vmem>>, vector<16xi32>,
    tpu.vector_store %arg8[%swap3A_343], %shift_left3A_338 {strides = array<i32>} : memref<384xi32, #tpu.memory_space<vmem>>, vector<16xi32>,
    %get3A_345 = arith.constant 192 : index
    %get3A_346 = tpu.vector_load %arg6[%get3A_345] {strides = array<i32>} : memref<13312xf32, #tpu.memory_space<vmem>>, vector<16xf32>,
    %add3A_347 = vector.broadcast %convert_element_type3A_249 : f32 to vector<16xf32>
    %add3A_348 = arith.addf %get3A_346, %add3A_347 : vector<16xf32>
    %convert_element_type3A_349 = arith.fptosi %add3A_348 : vector<16xf32> to vector<16xi32>
    %shift_right_arithmetic3A_350 = arith.constant 2 : i32
    %shift_right_arithmetic3A_351 = vector.broadcast %shift_right_arithmetic3A_350 : i32 to vector<16xi32>
    %shift_right_arithmetic3A_352 = arith.shrsi %convert_element_type3A_349, %shift_right_arithmetic3A_351 : vector<16xi32>
    %swap3A_353 = arith.index_cast %rem3A_252 : i32 to index
    %swap3A_354 = arith.constant 64 : index
    %swap3A_355 = tpu.vector_load %arg7[%swap3A_353, %swap3A_354] {strides = array<i32>} : memref<3x128xi32, #tpu.memory_space<vmem>>, vector<16xi32>,
    tpu.vector_store %arg7[%swap3A_353, %swap3A_354], %shift_right_arithmetic3A_352 {strides = array<i32>} : memref<3x128xi32, #tpu.memory_space<vmem>>, vector<16xi32>,
    %and3A_356 = arith.constant 3 : i32
    %and3A_357 = vector.broadcast %and3A_356 : i32 to vector<16xi32>
    %and3A_358 = arith.andi %convert_element_type3A_349, %and3A_357 : vector<16xi32>
    %shift_left3A_359 = arith.constant 5 : i32
    %shift_left3A_360 = vector.broadcast %shift_left3A_359 : i32 to vector<16xi32>
    %shift_left3A_361 = arith.shli %and3A_358, %shift_left3A_360 : vector<16xi32>
    %mul3A_362 = arith.constant 128 : i32
    %mul3A_363 = arith.muli %rem3A_252, %mul3A_362 : i32
    %add3A_364 = arith.constant 64 : i32
    %add3A_365 = arith.addi %mul3A_363, %add3A_364 : i32
    %swap3A_366 = arith.index_cast %add3A_365 : i32 to index
    %swap3A_367 = tpu.vector_load %arg8[%swap3A_366] {strides = array<i32>} : memref<384xi32, #tpu.memory_space<vmem>>, vector<16xi32>,
    tpu.vector_store %arg8[%swap3A_366], %shift_left3A_361 {strides = array<i32>} : memref<384xi32, #tpu.memory_space<vmem>>, vector<16xi32>,
    %get3A_368 = arith.constant 208 : index
    %get3A_369 = tpu.vector_load %arg6[%get3A_368] {strides = array<i32>} : memref<13312xf32, #tpu.memory_space<vmem>>, vector<16xf32>,
    %add3A_370 = vector.broadcast %convert_element_type3A_249 : f32 to vector<16xf32>
    %add3A_371 = arith.addf %get3A_369, %add3A_370 : vector<16xf32>
    %convert_element_type3A_372 = arith.fptosi %add3A_371 : vector<16xf32> to vector<16xi32>
    %shift_right_arithmetic3A_373 = arith.constant 2 : i32
    %shift_right_arithmetic3A_374 = vector.broadcast %shift_right_arithmetic3A_373 : i32 to vector<16xi32>
    %shift_right_arithmetic3A_375 = arith.shrsi %convert_element_type3A_372, %shift_right_arithmetic3A_374 : vector<16xi32>
    %swap3A_376 = arith.index_cast %rem3A_252 : i32 to index
    %swap3A_377 = arith.constant 80 : index
    %swap3A_378 = tpu.vector_load %arg7[%swap3A_376, %swap3A_377] {strides = array<i32>} : memref<3x128xi32, #tpu.memory_space<vmem>>, vector<16xi32>,
    tpu.vector_store %arg7[%swap3A_376, %swap3A_377], %shift_right_arithmetic3A_375 {strides = array<i32>} : memref<3x128xi32, #tpu.memory_space<vmem>>, vector<16xi32>,
    %and3A_379 = arith.constant 3 : i32
    %and3A_380 = vector.broadcast %and3A_379 : i32 to vector<16xi32>
    %and3A_381 = arith.andi %convert_element_type3A_372, %and3A_380 : vector<16xi32>
    %shift_left3A_382 = arith.constant 5 : i32
    %shift_left3A_383 = vector.broadcast %shift_left3A_382 : i32 to vector<16xi32>
    %shift_left3A_384 = arith.shli %and3A_381, %shift_left3A_383 : vector<16xi32>
    %mul3A_385 = arith.constant 128 : i32
    %mul3A_386 = arith.muli %rem3A_252, %mul3A_385 : i32
    %add3A_387 = arith.constant 80 : i32
    %add3A_388 = arith.addi %mul3A_386, %add3A_387 : i32
    %swap3A_389 = arith.index_cast %add3A_388 : i32 to index
    %swap3A_390 = tpu.vector_load %arg8[%swap3A_389] {strides = array<i32>} : memref<384xi32, #tpu.memory_space<vmem>>, vector<16xi32>,
    tpu.vector_store %arg8[%swap3A_389], %shift_left3A_384 {strides = array<i32>} : memref<384xi32, #tpu.memory_space<vmem>>, vector<16xi32>,
    %get3A_391 = arith.constant 224 : index
    %get3A_392 = tpu.vector_load %arg6[%get3A_391] {strides = array<i32>} : memref<13312xf32, #tpu.memory_space<vmem>>, vector<16xf32>,
    %add3A_393 = vector.broadcast %convert_element_type3A_249 : f32 to vector<16xf32>
    %add3A_394 = arith.addf %get3A_392, %add3A_393 : vector<16xf32>
    %convert_element_type3A_395 = arith.fptosi %add3A_394 : vector<16xf32> to vector<16xi32>
    %shift_right_arithmetic3A_396 = arith.constant 2 : i32
    %shift_right_arithmetic3A_397 = vector.broadcast %shift_right_arithmetic3A_396 : i32 to vector<16xi32>
    %shift_right_arithmetic3A_398 = arith.shrsi %convert_element_type3A_395, %shift_right_arithmetic3A_397 : vector<16xi32>
    %swap3A_399 = arith.index_cast %rem3A_252 : i32 to index
    %swap3A_400 = arith.constant 96 : index
    %swap3A_401 = tpu.vector_load %arg7[%swap3A_399, %swap3A_400] {strides = array<i32>} : memref<3x128xi32, #tpu.memory_space<vmem>>, vector<16xi32>,
    tpu.vector_store %arg7[%swap3A_399, %swap3A_400], %shift_right_arithmetic3A_398 {strides = array<i32>} : memref<3x128xi32, #tpu.memory_space<vmem>>, vector<16xi32>,
    %and3A_402 = arith.constant 3 : i32
    %and3A_403 = vector.broadcast %and3A_402 : i32 to vector<16xi32>
    %and3A_404 = arith.andi %convert_element_type3A_395, %and3A_403 : vector<16xi32>
    %shift_left3A_405 = arith.constant 5 : i32
    %shift_left3A_406 = vector.broadcast %shift_left3A_405 : i32 to vector<16xi32>
    %shift_left3A_407 = arith.shli %and3A_404, %shift_left3A_406 : vector<16xi32>
    %mul3A_408 = arith.constant 128 : i32
    %mul3A_409 = arith.muli %rem3A_252, %mul3A_408 : i32
    %add3A_410 = arith.constant 96 : i32
    %add3A_411 = arith.addi %mul3A_409, %add3A_410 : i32
    %swap3A_412 = arith.index_cast %add3A_411 : i32 to index
    %swap3A_413 = tpu.vector_load %arg8[%swap3A_412] {strides = array<i32>} : memref<384xi32, #tpu.memory_space<vmem>>, vector<16xi32>,
    tpu.vector_store %arg8[%swap3A_412], %shift_left3A_407 {strides = array<i32>} : memref<384xi32, #tpu.memory_space<vmem>>, vector<16xi32>,
    %get3A_414 = arith.constant 240 : index
    %get3A_415 = tpu.vector_load %arg6[%get3A_414] {strides = array<i32>} : memref<13312xf32, #tpu.memory_space<vmem>>, vector<16xf32>,
    %add3A_416 = vector.broadcast %convert_element_type3A_249 : f32 to vector<16xf32>
    %add3A_417 = arith.addf %get3A_415, %add3A_416 : vector<16xf32>
    %convert_element_type3A_418 = arith.fptosi %add3A_417 : vector<16xf32> to vector<16xi32>
    %shift_right_arithmetic3A_419 = arith.constant 2 : i32
    %shift_right_arithmetic3A_420 = vector.broadcast %shift_right_arithmetic3A_419 : i32 to vector<16xi32>
    %shift_right_arithmetic3A_421 = arith.shrsi %convert_element_type3A_418, %shift_right_arithmetic3A_420 : vector<16xi32>
    %swap3A_422 = arith.index_cast %rem3A_252 : i32 to index
    %swap3A_423 = arith.constant 112 : index
    %swap3A_424 = tpu.vector_load %arg7[%swap3A_422, %swap3A_423] {strides = array<i32>} : memref<3x128xi32, #tpu.memory_space<vmem>>, vector<16xi32>,
    tpu.vector_store %arg7[%swap3A_422, %swap3A_423], %shift_right_arithmetic3A_421 {strides = array<i32>} : memref<3x128xi32, #tpu.memory_space<vmem>>, vector<16xi32>,
    %and3A_425 = arith.constant 3 : i32
    %and3A_426 = vector.broadcast %and3A_425 : i32 to vector<16xi32>
    %and3A_427 = arith.andi %convert_element_type3A_418, %and3A_426 : vector<16xi32>
    %shift_left3A_428 = arith.constant 5 : i32
    %shift_left3A_429 = vector.broadcast %shift_left3A_428 : i32 to vector<16xi32>
    %shift_left3A_430 = arith.shli %and3A_427, %shift_left3A_429 : vector<16xi32>
    %mul3A_431 = arith.constant 128 : i32
    %mul3A_432 = arith.muli %rem3A_252, %mul3A_431 : i32
    %add3A_433 = arith.constant 112 : i32
    %add3A_434 = arith.addi %mul3A_432, %add3A_433 : i32
    %swap3A_435 = arith.index_cast %add3A_434 : i32 to index
    %swap3A_436 = tpu.vector_load %arg8[%swap3A_435] {strides = array<i32>} : memref<384xi32, #tpu.memory_space<vmem>>, vector<16xi32>,
    tpu.vector_store %arg8[%swap3A_435], %shift_left3A_430 {strides = array<i32>} : memref<384xi32, #tpu.memory_space<vmem>>, vector<16xi32>,
    %dma_start3A_437 = arith.constant 0 : i32
    %dma_start3A_438 = arith.constant 0 : i32
    %dma_start3A_439 = tpu.memref_slice %arg9[%rem3A_252, %dma_start3A_437, %dma_start3A_438] : memref<3x128x128xf32, #tpu.memory_space<vmem>> -> memref<1x128x128xf32, #tpu.memory_space<vmem>>
    %dma_start3A_440 = tpu.memref_squeeze %dma_start3A_439 : memref<1x128x128xf32, #tpu.memory_space<vmem>> -> memref<128x128xf32, #tpu.memory_space<vmem>>
    %dma_start3A_441 = arith.constant 0 : i32
    %dma_start3A_442 = tpu.memref_slice %arg7[%rem3A_252, %dma_start3A_441] : memref<3x128xi32, #tpu.memory_space<vmem>> -> memref<1x128xi32, #tpu.memory_space<vmem>>
    %dma_start3A_443 = tpu.memref_squeeze %dma_start3A_442 : memref<1x128xi32, #tpu.memory_space<vmem>> -> memref<128xi32, #tpu.memory_space<vmem>>
    %dma_start3A_444 = arith.constant 0 : i32
    %dma_start3A_445 = arith.constant 0 : i32
    %dma_start3A_446 = tpu.memref_slice %arg4[%dma_start3A_444, %dma_start3A_445] : memref<650016x128xf32, #tpu.memory_space<hbm>> -> memref<650016x128xf32, #tpu.memory_space<hbm>>
    tpu.enqueue_indirect_dma source(%dma_start3A_446 : memref<650016x128xf32, #tpu.memory_space<hbm>>) target(%dma_start3A_440 : memref<128x128xf32, #tpu.memory_space<vmem>>) offsets(%dma_start3A_443 : memref<128xi32, #tpu.memory_space<vmem>>) semaphore(%arg12 : memref<!tpu.dma_semaphore, #tpu.memory_space<semaphore_mem>>)
    %scan3A = arith.constant 0 : i32
    %scan3A_447 = arith.constant 0 : i32
    %scan3A_448 = arith.constant 104 : i32
    %scan3A_449 = arith.addi %scan3A_447, %scan3A_448 : i32
    %scan3A_450 = arith.constant 1 : i32
    scf.for %scan3A_929 = %scan3A_447 to %scan3A_449 step %scan3A_450  : i32 {
      %and3A_930 = arith.constant 1 : i32
      %and3A_931 = arith.andi %scan3A_929, %and3A_930 : i32
      %rem3A_932 = arith.constant 3 : i32
      %rem3A_933 = arith.remsi %scan3A_929, %rem3A_932 : i32
      %mul3A_934 = arith.constant 104 : i32
      %mul3A_935 = arith.muli %add3A, %mul3A_934 : i32
      %add3A_936 = arith.addi %mul3A_935, %scan3A_929 : i32
      %jit3A_937 = arith.constant 128 : i32
      %div3A_938 = arith.divsi %add3A_936, %jit3A_937 : i32
      %sign3A_939 = arith.constant 0 : i32
      %sign3A_940 = arith.cmpi sgt, %add3A_936, %sign3A_939 : i32
      %sign3A_941 = arith.extui %sign3A_940 : i1 to i32
      %sign3A_942 = arith.constant 0 : i32
      %sign3A_943 = arith.cmpi slt, %add3A_936, %sign3A_942 : i32
      %sign3A_944 = arith.extui %sign3A_943 : i1 to i32
      %sign3A_945 = arith.subi %sign3A_941, %sign3A_944 : i32
      %sign3A_946 = arith.constant 0 : i32
      %sign3A_947 = arith.cmpi sgt, %jit3A_937, %sign3A_946 : i32
      %sign3A_948 = arith.extui %sign3A_947 : i1 to i32
      %sign3A_949 = arith.constant 0 : i32
      %sign3A_950 = arith.cmpi slt, %jit3A_937, %sign3A_949 : i32
      %sign3A_951 = arith.extui %sign3A_950 : i1 to i32
      %sign3A_952 = arith.subi %sign3A_948, %sign3A_951 : i32
      %ne3A_953 = arith.cmpi ne, %sign3A_945, %sign3A_952 : i32
      %rem3A_954 = arith.remsi %add3A_936, %jit3A_937 : i32
      %ne3A_955 = arith.constant 0 : i32
      %ne3A_956 = arith.cmpi ne, %rem3A_954, %ne3A_955 : i32
      %and3A_957 = arith.andi %ne3A_953, %ne3A_956 : i1
      %sub3A_958 = arith.constant 1 : i32
      %sub3A_959 = arith.subi %div3A_938, %sub3A_958 : i32
      %select_n3A_960 = arith.select %and3A_957, %sub3A_959, %div3A_938 : i32
      %jit3A_961 = arith.constant 128 : i32
      %eq3A_962 = arith.constant 0 : i32
      %eq3A_963 = arith.cmpi eq, %jit3A_961, %eq3A_962 : i32
      %jit3A_964 = arith.constant 1 : i32
      %select_n3A_965 = arith.select %eq3A_963, %jit3A_964, %jit3A_961 : i32
      %rem3A_966 = arith.remsi %add3A_936, %select_n3A_965 : i32
      %ne3A_967 = arith.constant 0 : i32
      %ne3A_968 = arith.cmpi ne, %rem3A_966, %ne3A_967 : i32
      %lt3A_969 = arith.constant 0 : i32
      %lt3A_970 = arith.cmpi slt, %rem3A_966, %lt3A_969 : i32
      %lt3A_971 = arith.constant 0 : i32
      %lt3A_972 = arith.cmpi slt, %select_n3A_965, %lt3A_971 : i32
      %ne3A_973 = arith.xori %lt3A_970, %lt3A_972 : i1
      %and3A_974 = arith.andi %ne3A_973, %ne3A_968 : i1
      %add3A_975 = arith.addi %rem3A_966, %select_n3A_965 : i32
      %select_n3A_976 = arith.select %and3A_974, %add3A_975, %rem3A_966 : i32
      %add3A_977 = arith.constant 2 : i32
      %add3A_978 = arith.addi %scan3A_929, %add3A_977 : i32
      %lt3A_979 = arith.constant 104 : i32
      %lt3A_980 = arith.cmpi slt, %add3A_978, %lt3A_979 : i32
      %convert_element_type3A_981 = arith.extui %lt3A_980 : i1 to i32
      %cond3A = arith.constant 0 : i32
      %cond3A_982 = arith.cmpi ne, %convert_element_type3A_981, %cond3A : i32
      scf.if %cond3A_982 {
        %add3A_1119 = arith.constant 2 : i32
        %add3A_1120 = arith.addi %scan3A_929, %add3A_1119 : i32
        %mul3A_1121 = arith.constant 104 : i32
        %mul3A_1122 = arith.muli %add3A, %mul3A_1121 : i32
        %add3A_1123 = arith.addi %mul3A_1122, %add3A_1120 : i32
        %jit3A_1124 = arith.constant 128 : i32
        %div3A_1125 = arith.divsi %add3A_1123, %jit3A_1124 : i32
        %sign3A_1126 = arith.constant 0 : i32
        %sign3A_1127 = arith.cmpi sgt, %add3A_1123, %sign3A_1126 : i32
        %sign3A_1128 = arith.extui %sign3A_1127 : i1 to i32
        %sign3A_1129 = arith.constant 0 : i32
        %sign3A_1130 = arith.cmpi slt, %add3A_1123, %sign3A_1129 : i32
        %sign3A_1131 = arith.extui %sign3A_1130 : i1 to i32
        %sign3A_1132 = arith.subi %sign3A_1128, %sign3A_1131 : i32
        %sign3A_1133 = arith.constant 0 : i32
        %sign3A_1134 = arith.cmpi sgt, %jit3A_1124, %sign3A_1133 : i32
        %sign3A_1135 = arith.extui %sign3A_1134 : i1 to i32
        %sign3A_1136 = arith.constant 0 : i32
        %sign3A_1137 = arith.cmpi slt, %jit3A_1124, %sign3A_1136 : i32
        %sign3A_1138 = arith.extui %sign3A_1137 : i1 to i32
        %sign3A_1139 = arith.subi %sign3A_1135, %sign3A_1138 : i32
        %ne3A_1140 = arith.cmpi ne, %sign3A_1132, %sign3A_1139 : i32
        %rem3A_1141 = arith.remsi %add3A_1123, %jit3A_1124 : i32
        %ne3A_1142 = arith.constant 0 : i32
        %ne3A_1143 = arith.cmpi ne, %rem3A_1141, %ne3A_1142 : i32
        %and3A_1144 = arith.andi %ne3A_1140, %ne3A_1143 : i1
        %sub3A_1145 = arith.constant 1 : i32
        %sub3A_1146 = arith.subi %div3A_1125, %sub3A_1145 : i32
        %select_n3A_1147 = arith.select %and3A_1144, %sub3A_1146, %div3A_1125 : i32
        %mul3A_1148 = arith.constant 100000 : i32
        %mul3A_1149 = arith.muli %select_n3A_1147, %mul3A_1148 : i32
        %convert_element_type3A_1150 = arith.sitofp %mul3A_1149 : i32 to f32
        %rem3A_1151 = arith.constant 3 : i32
        %rem3A_1152 = arith.remsi %add3A_1120, %rem3A_1151 : i32
        %mul3A_1153 = arith.constant 128 : i32
        %mul3A_1154 = arith.muli %add3A_1120, %mul3A_1153 : i32
        %add3A_1155 = arith.constant 0 : i32
        %add3A_1156 = arith.addi %mul3A_1154, %add3A_1155 : i32
        %get3A_1157 = arith.index_cast %add3A_1156 : i32 to index
        %get3A_1158 = tpu.vector_load %arg6[%get3A_1157] {strides = array<i32>} : memref<13312xf32, #tpu.memory_space<vmem>>, vector<16xf32>,
        %add3A_1159 = vector.broadcast %convert_element_type3A_1150 : f32 to vector<16xf32>
        %add3A_1160 = arith.addf %get3A_1158, %add3A_1159 : vector<16xf32>
        %convert_element_type3A_1161 = arith.fptosi %add3A_1160 : vector<16xf32> to vector<16xi32>
        %shift_right_arithmetic3A_1162 = arith.constant 2 : i32
        %shift_right_arithmetic3A_1163 = vector.broadcast %shift_right_arithmetic3A_1162 : i32 to vector<16xi32>
        %shift_right_arithmetic3A_1164 = arith.shrsi %convert_element_type3A_1161, %shift_right_arithmetic3A_1163 : vector<16xi32>
        %swap3A_1165 = arith.index_cast %rem3A_1152 : i32 to index
        %swap3A_1166 = arith.constant 0 : index
        %swap3A_1167 = tpu.vector_load %arg7[%swap3A_1165, %swap3A_1166] {strides = array<i32>} : memref<3x128xi32, #tpu.memory_space<vmem>>, vector<16xi32>,
        tpu.vector_store %arg7[%swap3A_1165, %swap3A_1166], %shift_right_arithmetic3A_1164 {strides = array<i32>} : memref<3x128xi32, #tpu.memory_space<vmem>>, vector<16xi32>,
        %and3A_1168 = arith.constant 3 : i32
        %and3A_1169 = vector.broadcast %and3A_1168 : i32 to vector<16xi32>
        %and3A_1170 = arith.andi %convert_element_type3A_1161, %and3A_1169 : vector<16xi32>
        %shift_left3A_1171 = arith.constant 5 : i32
        %shift_left3A_1172 = vector.broadcast %shift_left3A_1171 : i32 to vector<16xi32>
        %shift_left3A_1173 = arith.shli %and3A_1170, %shift_left3A_1172 : vector<16xi32>
        %mul3A_1174 = arith.constant 128 : i32
        %mul3A_1175 = arith.muli %rem3A_1152, %mul3A_1174 : i32
        %add3A_1176 = arith.constant 0 : i32
        %add3A_1177 = arith.addi %mul3A_1175, %add3A_1176 : i32
        %swap3A_1178 = arith.index_cast %add3A_1177 : i32 to index
        %swap3A_1179 = tpu.vector_load %arg8[%swap3A_1178] {strides = array<i32>} : memref<384xi32, #tpu.memory_space<vmem>>, vector<16xi32>,
        tpu.vector_store %arg8[%swap3A_1178], %shift_left3A_1173 {strides = array<i32>} : memref<384xi32, #tpu.memory_space<vmem>>, vector<16xi32>,
        %mul3A_1180 = arith.constant 128 : i32
        %mul3A_1181 = arith.muli %add3A_1120, %mul3A_1180 : i32
        %add3A_1182 = arith.constant 16 : i32
        %add3A_1183 = arith.addi %mul3A_1181, %add3A_1182 : i32
        %get3A_1184 = arith.index_cast %add3A_1183 : i32 to index
        %get3A_1185 = tpu.vector_load %arg6[%get3A_1184] {strides = array<i32>} : memref<13312xf32, #tpu.memory_space<vmem>>, vector<16xf32>,
        %add3A_1186 = vector.broadcast %convert_element_type3A_1150 : f32 to vector<16xf32>
        %add3A_1187 = arith.addf %get3A_1185, %add3A_1186 : vector<16xf32>
        %convert_element_type3A_1188 = arith.fptosi %add3A_1187 : vector<16xf32> to vector<16xi32>
        %shift_right_arithmetic3A_1189 = arith.constant 2 : i32
        %shift_right_arithmetic3A_1190 = vector.broadcast %shift_right_arithmetic3A_1189 : i32 to vector<16xi32>
        %shift_right_arithmetic3A_1191 = arith.shrsi %convert_element_type3A_1188, %shift_right_arithmetic3A_1190 : vector<16xi32>
        %swap3A_1192 = arith.index_cast %rem3A_1152 : i32 to index
        %swap3A_1193 = arith.constant 16 : index
        %swap3A_1194 = tpu.vector_load %arg7[%swap3A_1192, %swap3A_1193] {strides = array<i32>} : memref<3x128xi32, #tpu.memory_space<vmem>>, vector<16xi32>,
        tpu.vector_store %arg7[%swap3A_1192, %swap3A_1193], %shift_right_arithmetic3A_1191 {strides = array<i32>} : memref<3x128xi32, #tpu.memory_space<vmem>>, vector<16xi32>,
        %and3A_1195 = arith.constant 3 : i32
        %and3A_1196 = vector.broadcast %and3A_1195 : i32 to vector<16xi32>
        %and3A_1197 = arith.andi %convert_element_type3A_1188, %and3A_1196 : vector<16xi32>
        %shift_left3A_1198 = arith.constant 5 : i32
        %shift_left3A_1199 = vector.broadcast %shift_left3A_1198 : i32 to vector<16xi32>
        %shift_left3A_1200 = arith.shli %and3A_1197, %shift_left3A_1199 : vector<16xi32>
        %mul3A_1201 = arith.constant 128 : i32
        %mul3A_1202 = arith.muli %rem3A_1152, %mul3A_1201 : i32
        %add3A_1203 = arith.constant 16 : i32
        %add3A_1204 = arith.addi %mul3A_1202, %add3A_1203 : i32
        %swap3A_1205 = arith.index_cast %add3A_1204 : i32 to index
        %swap3A_1206 = tpu.vector_load %arg8[%swap3A_1205] {strides = array<i32>} : memref<384xi32, #tpu.memory_space<vmem>>, vector<16xi32>,
        tpu.vector_store %arg8[%swap3A_1205], %shift_left3A_1200 {strides = array<i32>} : memref<384xi32, #tpu.memory_space<vmem>>, vector<16xi32>,
        %mul3A_1207 = arith.constant 128 : i32
        %mul3A_1208 = arith.muli %add3A_1120, %mul3A_1207 : i32
        %add3A_1209 = arith.constant 32 : i32
        %add3A_1210 = arith.addi %mul3A_1208, %add3A_1209 : i32
        %get3A_1211 = arith.index_cast %add3A_1210 : i32 to index
        %get3A_1212 = tpu.vector_load %arg6[%get3A_1211] {strides = array<i32>} : memref<13312xf32, #tpu.memory_space<vmem>>, vector<16xf32>,
        %add3A_1213 = vector.broadcast %convert_element_type3A_1150 : f32 to vector<16xf32>
        %add3A_1214 = arith.addf %get3A_1212, %add3A_1213 : vector<16xf32>
        %convert_element_type3A_1215 = arith.fptosi %add3A_1214 : vector<16xf32> to vector<16xi32>
        %shift_right_arithmetic3A_1216 = arith.constant 2 : i32
        %shift_right_arithmetic3A_1217 = vector.broadcast %shift_right_arithmetic3A_1216 : i32 to vector<16xi32>
        %shift_right_arithmetic3A_1218 = arith.shrsi %convert_element_type3A_1215, %shift_right_arithmetic3A_1217 : vector<16xi32>
        %swap3A_1219 = arith.index_cast %rem3A_1152 : i32 to index
        %swap3A_1220 = arith.constant 32 : index
        %swap3A_1221 = tpu.vector_load %arg7[%swap3A_1219, %swap3A_1220] {strides = array<i32>} : memref<3x128xi32, #tpu.memory_space<vmem>>, vector<16xi32>,
        tpu.vector_store %arg7[%swap3A_1219, %swap3A_1220], %shift_right_arithmetic3A_1218 {strides = array<i32>} : memref<3x128xi32, #tpu.memory_space<vmem>>, vector<16xi32>,
        %and3A_1222 = arith.constant 3 : i32
        %and3A_1223 = vector.broadcast %and3A_1222 : i32 to vector<16xi32>
        %and3A_1224 = arith.andi %convert_element_type3A_1215, %and3A_1223 : vector<16xi32>
        %shift_left3A_1225 = arith.constant 5 : i32
        %shift_left3A_1226 = vector.broadcast %shift_left3A_1225 : i32 to vector<16xi32>
        %shift_left3A_1227 = arith.shli %and3A_1224, %shift_left3A_1226 : vector<16xi32>
        %mul3A_1228 = arith.constant 128 : i32
        %mul3A_1229 = arith.muli %rem3A_1152, %mul3A_1228 : i32
        %add3A_1230 = arith.constant 32 : i32
        %add3A_1231 = arith.addi %mul3A_1229, %add3A_1230 : i32
        %swap3A_1232 = arith.index_cast %add3A_1231 : i32 to index
        %swap3A_1233 = tpu.vector_load %arg8[%swap3A_1232] {strides = array<i32>} : memref<384xi32, #tpu.memory_space<vmem>>, vector<16xi32>,
        tpu.vector_store %arg8[%swap3A_1232], %shift_left3A_1227 {strides = array<i32>} : memref<384xi32, #tpu.memory_space<vmem>>, vector<16xi32>,
        %mul3A_1234 = arith.constant 128 : i32
        %mul3A_1235 = arith.muli %add3A_1120, %mul3A_1234 : i32
        %add3A_1236 = arith.constant 48 : i32
        %add3A_1237 = arith.addi %mul3A_1235, %add3A_1236 : i32
        %get3A_1238 = arith.index_cast %add3A_1237 : i32 to index
        %get3A_1239 = tpu.vector_load %arg6[%get3A_1238] {strides = array<i32>} : memref<13312xf32, #tpu.memory_space<vmem>>, vector<16xf32>,
        %add3A_1240 = vector.broadcast %convert_element_type3A_1150 : f32 to vector<16xf32>
        %add3A_1241 = arith.addf %get3A_1239, %add3A_1240 : vector<16xf32>
        %convert_element_type3A_1242 = arith.fptosi %add3A_1241 : vector<16xf32> to vector<16xi32>
        %shift_right_arithmetic3A_1243 = arith.constant 2 : i32
        %shift_right_arithmetic3A_1244 = vector.broadcast %shift_right_arithmetic3A_1243 : i32 to vector<16xi32>
        %shift_right_arithmetic3A_1245 = arith.shrsi %convert_element_type3A_1242, %shift_right_arithmetic3A_1244 : vector<16xi32>
        %swap3A_1246 = arith.index_cast %rem3A_1152 : i32 to index
        %swap3A_1247 = arith.constant 48 : index
        %swap3A_1248 = tpu.vector_load %arg7[%swap3A_1246, %swap3A_1247] {strides = array<i32>} : memref<3x128xi32, #tpu.memory_space<vmem>>, vector<16xi32>,
        tpu.vector_store %arg7[%swap3A_1246, %swap3A_1247], %shift_right_arithmetic3A_1245 {strides = array<i32>} : memref<3x128xi32, #tpu.memory_space<vmem>>, vector<16xi32>,
        %and3A_1249 = arith.constant 3 : i32
        %and3A_1250 = vector.broadcast %and3A_1249 : i32 to vector<16xi32>
        %and3A_1251 = arith.andi %convert_element_type3A_1242, %and3A_1250 : vector<16xi32>
        %shift_left3A_1252 = arith.constant 5 : i32
        %shift_left3A_1253 = vector.broadcast %shift_left3A_1252 : i32 to vector<16xi32>
        %shift_left3A_1254 = arith.shli %and3A_1251, %shift_left3A_1253 : vector<16xi32>
        %mul3A_1255 = arith.constant 128 : i32
        %mul3A_1256 = arith.muli %rem3A_1152, %mul3A_1255 : i32
        %add3A_1257 = arith.constant 48 : i32
        %add3A_1258 = arith.addi %mul3A_1256, %add3A_1257 : i32
        %swap3A_1259 = arith.index_cast %add3A_1258 : i32 to index
        %swap3A_1260 = tpu.vector_load %arg8[%swap3A_1259] {strides = array<i32>} : memref<384xi32, #tpu.memory_space<vmem>>, vector<16xi32>,
        tpu.vector_store %arg8[%swap3A_1259], %shift_left3A_1254 {strides = array<i32>} : memref<384xi32, #tpu.memory_space<vmem>>, vector<16xi32>,
        %mul3A_1261 = arith.constant 128 : i32
        %mul3A_1262 = arith.muli %add3A_1120, %mul3A_1261 : i32
        %add3A_1263 = arith.constant 64 : i32
        %add3A_1264 = arith.addi %mul3A_1262, %add3A_1263 : i32
        %get3A_1265 = arith.index_cast %add3A_1264 : i32 to index
        %get3A_1266 = tpu.vector_load %arg6[%get3A_1265] {strides = array<i32>} : memref<13312xf32, #tpu.memory_space<vmem>>, vector<16xf32>,
        %add3A_1267 = vector.broadcast %convert_element_type3A_1150 : f32 to vector<16xf32>
        %add3A_1268 = arith.addf %get3A_1266, %add3A_1267 : vector<16xf32>
        %convert_element_type3A_1269 = arith.fptosi %add3A_1268 : vector<16xf32> to vector<16xi32>
        %shift_right_arithmetic3A_1270 = arith.constant 2 : i32
        %shift_right_arithmetic3A_1271 = vector.broadcast %shift_right_arithmetic3A_1270 : i32 to vector<16xi32>
        %shift_right_arithmetic3A_1272 = arith.shrsi %convert_element_type3A_1269, %shift_right_arithmetic3A_1271 : vector<16xi32>
        %swap3A_1273 = arith.index_cast %rem3A_1152 : i32 to index
        %swap3A_1274 = arith.constant 64 : index
        %swap3A_1275 = tpu.vector_load %arg7[%swap3A_1273, %swap3A_1274] {strides = array<i32>} : memref<3x128xi32, #tpu.memory_space<vmem>>, vector<16xi32>,
        tpu.vector_store %arg7[%swap3A_1273, %swap3A_1274], %shift_right_arithmetic3A_1272 {strides = array<i32>} : memref<3x128xi32, #tpu.memory_space<vmem>>, vector<16xi32>,
        %and3A_1276 = arith.constant 3 : i32
        %and3A_1277 = vector.broadcast %and3A_1276 : i32 to vector<16xi32>
        %and3A_1278 = arith.andi %convert_element_type3A_1269, %and3A_1277 : vector<16xi32>
        %shift_left3A_1279 = arith.constant 5 : i32
        %shift_left3A_1280 = vector.broadcast %shift_left3A_1279 : i32 to vector<16xi32>
        %shift_left3A_1281 = arith.shli %and3A_1278, %shift_left3A_1280 : vector<16xi32>
        %mul3A_1282 = arith.constant 128 : i32
        %mul3A_1283 = arith.muli %rem3A_1152, %mul3A_1282 : i32
        %add3A_1284 = arith.constant 64 : i32
        %add3A_1285 = arith.addi %mul3A_1283, %add3A_1284 : i32
        %swap3A_1286 = arith.index_cast %add3A_1285 : i32 to index
        %swap3A_1287 = tpu.vector_load %arg8[%swap3A_1286] {strides = array<i32>} : memref<384xi32, #tpu.memory_space<vmem>>, vector<16xi32>,
        tpu.vector_store %arg8[%swap3A_1286], %shift_left3A_1281 {strides = array<i32>} : memref<384xi32, #tpu.memory_space<vmem>>, vector<16xi32>,
        %mul3A_1288 = arith.constant 128 : i32
        %mul3A_1289 = arith.muli %add3A_1120, %mul3A_1288 : i32
        %add3A_1290 = arith.constant 80 : i32
        %add3A_1291 = arith.addi %mul3A_1289, %add3A_1290 : i32
        %get3A_1292 = arith.index_cast %add3A_1291 : i32 to index
        %get3A_1293 = tpu.vector_load %arg6[%get3A_1292] {strides = array<i32>} : memref<13312xf32, #tpu.memory_space<vmem>>, vector<16xf32>,
        %add3A_1294 = vector.broadcast %convert_element_type3A_1150 : f32 to vector<16xf32>
        %add3A_1295 = arith.addf %get3A_1293, %add3A_1294 : vector<16xf32>
        %convert_element_type3A_1296 = arith.fptosi %add3A_1295 : vector<16xf32> to vector<16xi32>
        %shift_right_arithmetic3A_1297 = arith.constant 2 : i32
        %shift_right_arithmetic3A_1298 = vector.broadcast %shift_right_arithmetic3A_1297 : i32 to vector<16xi32>
        %shift_right_arithmetic3A_1299 = arith.shrsi %convert_element_type3A_1296, %shift_right_arithmetic3A_1298 : vector<16xi32>
        %swap3A_1300 = arith.index_cast %rem3A_1152 : i32 to index
        %swap3A_1301 = arith.constant 80 : index
        %swap3A_1302 = tpu.vector_load %arg7[%swap3A_1300, %swap3A_1301] {strides = array<i32>} : memref<3x128xi32, #tpu.memory_space<vmem>>, vector<16xi32>,
        tpu.vector_store %arg7[%swap3A_1300, %swap3A_1301], %shift_right_arithmetic3A_1299 {strides = array<i32>} : memref<3x128xi32, #tpu.memory_space<vmem>>, vector<16xi32>,
        %and3A_1303 = arith.constant 3 : i32
        %and3A_1304 = vector.broadcast %and3A_1303 : i32 to vector<16xi32>
        %and3A_1305 = arith.andi %convert_element_type3A_1296, %and3A_1304 : vector<16xi32>
        %shift_left3A_1306 = arith.constant 5 : i32
        %shift_left3A_1307 = vector.broadcast %shift_left3A_1306 : i32 to vector<16xi32>
        %shift_left3A_1308 = arith.shli %and3A_1305, %shift_left3A_1307 : vector<16xi32>
        %mul3A_1309 = arith.constant 128 : i32
        %mul3A_1310 = arith.muli %rem3A_1152, %mul3A_1309 : i32
        %add3A_1311 = arith.constant 80 : i32
        %add3A_1312 = arith.addi %mul3A_1310, %add3A_1311 : i32
        %swap3A_1313 = arith.index_cast %add3A_1312 : i32 to index
        %swap3A_1314 = tpu.vector_load %arg8[%swap3A_1313] {strides = array<i32>} : memref<384xi32, #tpu.memory_space<vmem>>, vector<16xi32>,
        tpu.vector_store %arg8[%swap3A_1313], %shift_left3A_1308 {strides = array<i32>} : memref<384xi32, #tpu.memory_space<vmem>>, vector<16xi32>,
        %mul3A_1315 = arith.constant 128 : i32
        %mul3A_1316 = arith.muli %add3A_1120, %mul3A_1315 : i32
        %add3A_1317 = arith.constant 96 : i32
        %add3A_1318 = arith.addi %mul3A_1316, %add3A_1317 : i32
        %get3A_1319 = arith.index_cast %add3A_1318 : i32 to index
        %get3A_1320 = tpu.vector_load %arg6[%get3A_1319] {strides = array<i32>} : memref<13312xf32, #tpu.memory_space<vmem>>, vector<16xf32>,
        %add3A_1321 = vector.broadcast %convert_element_type3A_1150 : f32 to vector<16xf32>
        %add3A_1322 = arith.addf %get3A_1320, %add3A_1321 : vector<16xf32>
        %convert_element_type3A_1323 = arith.fptosi %add3A_1322 : vector<16xf32> to vector<16xi32>
        %shift_right_arithmetic3A_1324 = arith.constant 2 : i32
        %shift_right_arithmetic3A_1325 = vector.broadcast %shift_right_arithmetic3A_1324 : i32 to vector<16xi32>
        %shift_right_arithmetic3A_1326 = arith.shrsi %convert_element_type3A_1323, %shift_right_arithmetic3A_1325 : vector<16xi32>
        %swap3A_1327 = arith.index_cast %rem3A_1152 : i32 to index
        %swap3A_1328 = arith.constant 96 : index
        %swap3A_1329 = tpu.vector_load %arg7[%swap3A_1327, %swap3A_1328] {strides = array<i32>} : memref<3x128xi32, #tpu.memory_space<vmem>>, vector<16xi32>,
        tpu.vector_store %arg7[%swap3A_1327, %swap3A_1328], %shift_right_arithmetic3A_1326 {strides = array<i32>} : memref<3x128xi32, #tpu.memory_space<vmem>>, vector<16xi32>,
        %and3A_1330 = arith.constant 3 : i32
        %and3A_1331 = vector.broadcast %and3A_1330 : i32 to vector<16xi32>
        %and3A_1332 = arith.andi %convert_element_type3A_1323, %and3A_1331 : vector<16xi32>
        %shift_left3A_1333 = arith.constant 5 : i32
        %shift_left3A_1334 = vector.broadcast %shift_left3A_1333 : i32 to vector<16xi32>
        %shift_left3A_1335 = arith.shli %and3A_1332, %shift_left3A_1334 : vector<16xi32>
        %mul3A_1336 = arith.constant 128 : i32
        %mul3A_1337 = arith.muli %rem3A_1152, %mul3A_1336 : i32
        %add3A_1338 = arith.constant 96 : i32
        %add3A_1339 = arith.addi %mul3A_1337, %add3A_1338 : i32
        %swap3A_1340 = arith.index_cast %add3A_1339 : i32 to index
        %swap3A_1341 = tpu.vector_load %arg8[%swap3A_1340] {strides = array<i32>} : memref<384xi32, #tpu.memory_space<vmem>>, vector<16xi32>,
        tpu.vector_store %arg8[%swap3A_1340], %shift_left3A_1335 {strides = array<i32>} : memref<384xi32, #tpu.memory_space<vmem>>, vector<16xi32>,
        %mul3A_1342 = arith.constant 128 : i32
        %mul3A_1343 = arith.muli %add3A_1120, %mul3A_1342 : i32
        %add3A_1344 = arith.constant 112 : i32
        %add3A_1345 = arith.addi %mul3A_1343, %add3A_1344 : i32
        %get3A_1346 = arith.index_cast %add3A_1345 : i32 to index
        %get3A_1347 = tpu.vector_load %arg6[%get3A_1346] {strides = array<i32>} : memref<13312xf32, #tpu.memory_space<vmem>>, vector<16xf32>,
        %add3A_1348 = vector.broadcast %convert_element_type3A_1150 : f32 to vector<16xf32>
        %add3A_1349 = arith.addf %get3A_1347, %add3A_1348 : vector<16xf32>
        %convert_element_type3A_1350 = arith.fptosi %add3A_1349 : vector<16xf32> to vector<16xi32>
        %shift_right_arithmetic3A_1351 = arith.constant 2 : i32
        %shift_right_arithmetic3A_1352 = vector.broadcast %shift_right_arithmetic3A_1351 : i32 to vector<16xi32>
        %shift_right_arithmetic3A_1353 = arith.shrsi %convert_element_type3A_1350, %shift_right_arithmetic3A_1352 : vector<16xi32>
        %swap3A_1354 = arith.index_cast %rem3A_1152 : i32 to index
        %swap3A_1355 = arith.constant 112 : index
        %swap3A_1356 = tpu.vector_load %arg7[%swap3A_1354, %swap3A_1355] {strides = array<i32>} : memref<3x128xi32, #tpu.memory_space<vmem>>, vector<16xi32>,
        tpu.vector_store %arg7[%swap3A_1354, %swap3A_1355], %shift_right_arithmetic3A_1353 {strides = array<i32>} : memref<3x128xi32, #tpu.memory_space<vmem>>, vector<16xi32>,
        %and3A_1357 = arith.constant 3 : i32
        %and3A_1358 = vector.broadcast %and3A_1357 : i32 to vector<16xi32>
        %and3A_1359 = arith.andi %convert_element_type3A_1350, %and3A_1358 : vector<16xi32>
        %shift_left3A_1360 = arith.constant 5 : i32
        %shift_left3A_1361 = vector.broadcast %shift_left3A_1360 : i32 to vector<16xi32>
        %shift_left3A_1362 = arith.shli %and3A_1359, %shift_left3A_1361 : vector<16xi32>
        %mul3A_1363 = arith.constant 128 : i32
        %mul3A_1364 = arith.muli %rem3A_1152, %mul3A_1363 : i32
        %add3A_1365 = arith.constant 112 : i32
        %add3A_1366 = arith.addi %mul3A_1364, %add3A_1365 : i32
        %swap3A_1367 = arith.index_cast %add3A_1366 : i32 to index
        %swap3A_1368 = tpu.vector_load %arg8[%swap3A_1367] {strides = array<i32>} : memref<384xi32, #tpu.memory_space<vmem>>, vector<16xi32>,
        tpu.vector_store %arg8[%swap3A_1367], %shift_left3A_1362 {strides = array<i32>} : memref<384xi32, #tpu.memory_space<vmem>>, vector<16xi32>,
        %dma_start3A_1369 = arith.constant 0 : i32
        %dma_start3A_1370 = arith.constant 0 : i32
        %dma_start3A_1371 = tpu.memref_slice %arg9[%rem3A_1152, %dma_start3A_1369, %dma_start3A_1370] : memref<3x128x128xf32, #tpu.memory_space<vmem>> -> memref<1x128x128xf32, #tpu.memory_space<vmem>>
        %dma_start3A_1372 = tpu.memref_squeeze %dma_start3A_1371 : memref<1x128x128xf32, #tpu.memory_space<vmem>> -> memref<128x128xf32, #tpu.memory_space<vmem>>
        %dma_start3A_1373 = arith.constant 0 : i32
        %dma_start3A_1374 = tpu.memref_slice %arg7[%rem3A_1152, %dma_start3A_1373] : memref<3x128xi32, #tpu.memory_space<vmem>> -> memref<1x128xi32, #tpu.memory_space<vmem>>
        %dma_start3A_1375 = tpu.memref_squeeze %dma_start3A_1374 : memref<1x128xi32, #tpu.memory_space<vmem>> -> memref<128xi32, #tpu.memory_space<vmem>>
        %dma_start3A_1376 = arith.constant 0 : i32
        %dma_start3A_1377 = arith.constant 0 : i32
        %dma_start3A_1378 = tpu.memref_slice %arg4[%dma_start3A_1376, %dma_start3A_1377] : memref<650016x128xf32, #tpu.memory_space<hbm>> -> memref<650016x128xf32, #tpu.memory_space<hbm>>
        tpu.enqueue_indirect_dma source(%dma_start3A_1378 : memref<650016x128xf32, #tpu.memory_space<hbm>>) target(%dma_start3A_1372 : memref<128x128xf32, #tpu.memory_space<vmem>>) offsets(%dma_start3A_1375 : memref<128xi32, #tpu.memory_space<vmem>>) semaphore(%arg12 : memref<!tpu.dma_semaphore, #tpu.memory_space<semaphore_mem>>)
      } else {
      }
      %dma_wait3A_983 = arith.constant 0 : i32
      %dma_wait3A_984 = arith.constant 0 : i32
      %dma_wait3A_985 = tpu.memref_slice %arg9[%rem3A_933, %dma_wait3A_983, %dma_wait3A_984] : memref<3x128x128xf32, #tpu.memory_space<vmem>> -> memref<1x128x128xf32, #tpu.memory_space<vmem>>
      %dma_wait3A_986 = tpu.memref_squeeze %dma_wait3A_985 : memref<1x128x128xf32, #tpu.memory_space<vmem>> -> memref<128x128xf32, #tpu.memory_space<vmem>>
      %dma_wait3A_987 = arith.constant 0 : i32
      %dma_wait3A_988 = tpu.memref_slice %arg7[%rem3A_933, %dma_wait3A_987] : memref<3x128xi32, #tpu.memory_space<vmem>> -> memref<1x128xi32, #tpu.memory_space<vmem>>
      %dma_wait3A_989 = tpu.memref_squeeze %dma_wait3A_988 : memref<1x128xi32, #tpu.memory_space<vmem>> -> memref<128xi32, #tpu.memory_space<vmem>>
      %dma_wait3A_990 = arith.constant 0 : i32
      %dma_wait3A_991 = arith.constant 0 : i32
      %dma_wait3A_992 = tpu.memref_slice %arg4[%dma_wait3A_990, %dma_wait3A_991] : memref<650016x128xf32, #tpu.memory_space<hbm>> -> memref<650016x128xf32, #tpu.memory_space<hbm>>
      tpu.wait_indirect_dma semaphore(%arg12 : memref<!tpu.dma_semaphore, #tpu.memory_space<semaphore_mem>>) src(%dma_wait3A_992 : memref<650016x128xf32, #tpu.memory_space<hbm>>) dst(%dma_wait3A_986 : memref<128x128xf32, #tpu.memory_space<vmem>>)
      %ge3A = arith.constant 2 : i32
      %ge3A_993 = arith.cmpi sge, %scan3A_929, %ge3A : i32
      %convert_element_type3A_994 = arith.extui %ge3A_993 : i1 to i32
      %cond3A_995 = arith.constant 0 : i32
      %cond3A_996 = arith.cmpi ne, %convert_element_type3A_994, %cond3A_995 : i32
      scf.if %cond3A_996 {
        %sub3A_1119 = arith.constant 2 : i32
        %sub3A_1120 = arith.subi %add3A_936, %sub3A_1119 : i32
        %jit3A_1121 = arith.constant 128 : i32
        %div3A_1122 = arith.divsi %sub3A_1120, %jit3A_1121 : i32
        %sign3A_1123 = arith.constant 0 : i32
        %sign3A_1124 = arith.cmpi sgt, %sub3A_1120, %sign3A_1123 : i32
        %sign3A_1125 = arith.extui %sign3A_1124 : i1 to i32
        %sign3A_1126 = arith.constant 0 : i32
        %sign3A_1127 = arith.cmpi slt, %sub3A_1120, %sign3A_1126 : i32
        %sign3A_1128 = arith.extui %sign3A_1127 : i1 to i32
        %sign3A_1129 = arith.subi %sign3A_1125, %sign3A_1128 : i32
        %sign3A_1130 = arith.constant 0 : i32
        %sign3A_1131 = arith.cmpi sgt, %jit3A_1121, %sign3A_1130 : i32
        %sign3A_1132 = arith.extui %sign3A_1131 : i1 to i32
        %sign3A_1133 = arith.constant 0 : i32
        %sign3A_1134 = arith.cmpi slt, %jit3A_1121, %sign3A_1133 : i32
        %sign3A_1135 = arith.extui %sign3A_1134 : i1 to i32
        %sign3A_1136 = arith.subi %sign3A_1132, %sign3A_1135 : i32
        %ne3A_1137 = arith.cmpi ne, %sign3A_1129, %sign3A_1136 : i32
        %rem3A_1138 = arith.remsi %sub3A_1120, %jit3A_1121 : i32
        %ne3A_1139 = arith.constant 0 : i32
        %ne3A_1140 = arith.cmpi ne, %rem3A_1138, %ne3A_1139 : i32
        %and3A_1141 = arith.andi %ne3A_1137, %ne3A_1140 : i1
        %sub3A_1142 = arith.constant 1 : i32
        %sub3A_1143 = arith.subi %div3A_1122, %sub3A_1142 : i32
        %select_n3A_1144 = arith.select %and3A_1141, %sub3A_1143, %div3A_1122 : i32
        %mul3A_1145 = arith.constant 32 : i32
        %mul3A_1146 = arith.muli %select_n3A_1144, %mul3A_1145 : i32
        %add3A_1147 = arith.constant 0 : i32
        %add3A_1148 = arith.addi %mul3A_1146, %add3A_1147 : i32
        %sub3A_1149 = arith.constant 2 : i32
        %sub3A_1150 = arith.subi %add3A_936, %sub3A_1149 : i32
        %jit3A_1151 = arith.constant 128 : i32
        %eq3A_1152 = arith.constant 0 : i32
        %eq3A_1153 = arith.cmpi eq, %jit3A_1151, %eq3A_1152 : i32
        %jit3A_1154 = arith.constant 1 : i32
        %select_n3A_1155 = arith.select %eq3A_1153, %jit3A_1154, %jit3A_1151 : i32
        %rem3A_1156 = arith.remsi %sub3A_1150, %select_n3A_1155 : i32
        %ne3A_1157 = arith.constant 0 : i32
        %ne3A_1158 = arith.cmpi ne, %rem3A_1156, %ne3A_1157 : i32
        %lt3A_1159 = arith.constant 0 : i32
        %lt3A_1160 = arith.cmpi slt, %rem3A_1156, %lt3A_1159 : i32
        %lt3A_1161 = arith.constant 0 : i32
        %lt3A_1162 = arith.cmpi slt, %select_n3A_1155, %lt3A_1161 : i32
        %ne3A_1163 = arith.xori %lt3A_1160, %lt3A_1162 : i1
        %and3A_1164 = arith.andi %ne3A_1163, %ne3A_1158 : i1
        %add3A_1165 = arith.addi %rem3A_1156, %select_n3A_1155 : i32
        %select_n3A_1166 = arith.select %and3A_1164, %add3A_1165, %rem3A_1156 : i32
        %mul3A_1167 = arith.constant 128 : i32
        %mul3A_1168 = arith.muli %select_n3A_1166, %mul3A_1167 : i32
        %dma_wait3A_1169 = arith.constant 0 : i32
        %dma_wait3A_1170 = arith.constant 0 : i32
        %dma_wait3A_1171 = tpu.memref_slice %arg10[%and3A_931, %dma_wait3A_1169, %dma_wait3A_1170] : memref<2x32x128xf32, #tpu.memory_space<vmem>> -> memref<1x8x128xf32, #tpu.memory_space<vmem>>
        %dma_wait3A_1172 = tpu.memref_squeeze %dma_wait3A_1171 : memref<1x8x128xf32, #tpu.memory_space<vmem>> -> memref<8x128xf32, #tpu.memory_space<vmem>>
        %dma_wait3A_1173 = tpu.memref_reshape %arg5 : memref<26x32x16384xf32, #tpu.memory_space<hbm>> -> memref<832x16384xf32, #tpu.memory_space<hbm>>
        %dma_wait3A_1174 = tpu.memref_slice %dma_wait3A_1173[%add3A_1148, %mul3A_1168] : memref<832x16384xf32, #tpu.memory_space<hbm>> -> memref<8x128xf32, #tpu.memory_space<hbm>>
        %dma_wait3A_1175 = tpu.memref_reshape %arg5 : memref<26x32x16384xf32, #tpu.memory_space<hbm>> -> memref<832x16384xf32, #tpu.memory_space<hbm>>
        %dma_wait3A_1176 = tpu.memref_slice %dma_wait3A_1175[%add3A_1148, %mul3A_1168] : memref<832x16384xf32, #tpu.memory_space<hbm>> -> memref<8x128xf32, #tpu.memory_space<hbm>>
        %dma_wait3A_1177 = arith.constant 0 : i32
        %dma_wait3A_1178 = arith.constant 0 : i32
        %dma_wait3A_1179 = tpu.memref_slice %arg10[%and3A_931, %dma_wait3A_1177, %dma_wait3A_1178] : memref<2x32x128xf32, #tpu.memory_space<vmem>> -> memref<1x8x128xf32, #tpu.memory_space<vmem>>
        %dma_wait3A_1180 = tpu.memref_squeeze %dma_wait3A_1179 : memref<1x8x128xf32, #tpu.memory_space<vmem>> -> memref<8x128xf32, #tpu.memory_space<vmem>>
        tpu.wait_dma2 semaphore(%arg13 : memref<!tpu.dma_semaphore, #tpu.memory_space<semaphore_mem>>) src(%dma_wait3A_1180 : memref<8x128xf32, #tpu.memory_space<vmem>>) dst(%dma_wait3A_1176 : memref<8x128xf32, #tpu.memory_space<hbm>>)
        %sub3A_1181 = arith.constant 2 : i32
        %sub3A_1182 = arith.subi %add3A_936, %sub3A_1181 : i32
        %jit3A_1183 = arith.constant 128 : i32
        %div3A_1184 = arith.divsi %sub3A_1182, %jit3A_1183 : i32
        %sign3A_1185 = arith.constant 0 : i32
        %sign3A_1186 = arith.cmpi sgt, %sub3A_1182, %sign3A_1185 : i32
        %sign3A_1187 = arith.extui %sign3A_1186 : i1 to i32
        %sign3A_1188 = arith.constant 0 : i32
        %sign3A_1189 = arith.cmpi slt, %sub3A_1182, %sign3A_1188 : i32
        %sign3A_1190 = arith.extui %sign3A_1189 : i1 to i32
        %sign3A_1191 = arith.subi %sign3A_1187, %sign3A_1190 : i32
        %sign3A_1192 = arith.constant 0 : i32
        %sign3A_1193 = arith.cmpi sgt, %jit3A_1183, %sign3A_1192 : i32
        %sign3A_1194 = arith.extui %sign3A_1193 : i1 to i32
        %sign3A_1195 = arith.constant 0 : i32
        %sign3A_1196 = arith.cmpi slt, %jit3A_1183, %sign3A_1195 : i32
        %sign3A_1197 = arith.extui %sign3A_1196 : i1 to i32
        %sign3A_1198 = arith.subi %sign3A_1194, %sign3A_1197 : i32
        %ne3A_1199 = arith.cmpi ne, %sign3A_1191, %sign3A_1198 : i32
        %rem3A_1200 = arith.remsi %sub3A_1182, %jit3A_1183 : i32
        %ne3A_1201 = arith.constant 0 : i32
        %ne3A_1202 = arith.cmpi ne, %rem3A_1200, %ne3A_1201 : i32
        %and3A_1203 = arith.andi %ne3A_1199, %ne3A_1202 : i1
        %sub3A_1204 = arith.constant 1 : i32
        %sub3A_1205 = arith.subi %div3A_1184, %sub3A_1204 : i32
        %select_n3A_1206 = arith.select %and3A_1203, %sub3A_1205, %div3A_1184 : i32
        %mul3A_1207 = arith.constant 32 : i32
        %mul3A_1208 = arith.muli %select_n3A_1206, %mul3A_1207 : i32
        %add3A_1209 = arith.constant 8 : i32
        %add3A_1210 = arith.addi %mul3A_1208, %add3A_1209 : i32
        %sub3A_1211 = arith.constant 2 : i32
        %sub3A_1212 = arith.subi %add3A_936, %sub3A_1211 : i32
        %jit3A_1213 = arith.constant 128 : i32
        %eq3A_1214 = arith.constant 0 : i32
        %eq3A_1215 = arith.cmpi eq, %jit3A_1213, %eq3A_1214 : i32
        %jit3A_1216 = arith.constant 1 : i32
        %select_n3A_1217 = arith.select %eq3A_1215, %jit3A_1216, %jit3A_1213 : i32
        %rem3A_1218 = arith.remsi %sub3A_1212, %select_n3A_1217 : i32
        %ne3A_1219 = arith.constant 0 : i32
        %ne3A_1220 = arith.cmpi ne, %rem3A_1218, %ne3A_1219 : i32
        %lt3A_1221 = arith.constant 0 : i32
        %lt3A_1222 = arith.cmpi slt, %rem3A_1218, %lt3A_1221 : i32
        %lt3A_1223 = arith.constant 0 : i32
        %lt3A_1224 = arith.cmpi slt, %select_n3A_1217, %lt3A_1223 : i32
        %ne3A_1225 = arith.xori %lt3A_1222, %lt3A_1224 : i1
        %and3A_1226 = arith.andi %ne3A_1225, %ne3A_1220 : i1
        %add3A_1227 = arith.addi %rem3A_1218, %select_n3A_1217 : i32
        %select_n3A_1228 = arith.select %and3A_1226, %add3A_1227, %rem3A_1218 : i32
        %mul3A_1229 = arith.constant 128 : i32
        %mul3A_1230 = arith.muli %select_n3A_1228, %mul3A_1229 : i32
        %dma_wait3A_1231 = arith.constant 8 : i32
        %dma_wait3A_1232 = arith.constant 0 : i32
        %dma_wait3A_1233 = tpu.memref_slice %arg10[%and3A_931, %dma_wait3A_1231, %dma_wait3A_1232] : memref<2x32x128xf32, #tpu.memory_space<vmem>> -> memref<1x8x128xf32, #tpu.memory_space<vmem>>
        %dma_wait3A_1234 = tpu.memref_squeeze %dma_wait3A_1233 : memref<1x8x128xf32, #tpu.memory_space<vmem>> -> memref<8x128xf32, #tpu.memory_space<vmem>>
        %dma_wait3A_1235 = tpu.memref_reshape %arg5 : memref<26x32x16384xf32, #tpu.memory_space<hbm>> -> memref<832x16384xf32, #tpu.memory_space<hbm>>
        %dma_wait3A_1236 = tpu.memref_slice %dma_wait3A_1235[%add3A_1210, %mul3A_1230] : memref<832x16384xf32, #tpu.memory_space<hbm>> -> memref<8x128xf32, #tpu.memory_space<hbm>>
        %dma_wait3A_1237 = tpu.memref_reshape %arg5 : memref<26x32x16384xf32, #tpu.memory_space<hbm>> -> memref<832x16384xf32, #tpu.memory_space<hbm>>
        %dma_wait3A_1238 = tpu.memref_slice %dma_wait3A_1237[%add3A_1210, %mul3A_1230] : memref<832x16384xf32, #tpu.memory_space<hbm>> -> memref<8x128xf32, #tpu.memory_space<hbm>>
        %dma_wait3A_1239 = arith.constant 8 : i32
        %dma_wait3A_1240 = arith.constant 0 : i32
        %dma_wait3A_1241 = tpu.memref_slice %arg10[%and3A_931, %dma_wait3A_1239, %dma_wait3A_1240] : memref<2x32x128xf32, #tpu.memory_space<vmem>> -> memref<1x8x128xf32, #tpu.memory_space<vmem>>
        %dma_wait3A_1242 = tpu.memref_squeeze %dma_wait3A_1241 : memref<1x8x128xf32, #tpu.memory_space<vmem>> -> memref<8x128xf32, #tpu.memory_space<vmem>>
        tpu.wait_dma2 semaphore(%arg13 : memref<!tpu.dma_semaphore, #tpu.memory_space<semaphore_mem>>) src(%dma_wait3A_1242 : memref<8x128xf32, #tpu.memory_space<vmem>>) dst(%dma_wait3A_1238 : memref<8x128xf32, #tpu.memory_space<hbm>>)
        %sub3A_1243 = arith.constant 2 : i32
        %sub3A_1244 = arith.subi %add3A_936, %sub3A_1243 : i32
        %jit3A_1245 = arith.constant 128 : i32
        %div3A_1246 = arith.divsi %sub3A_1244, %jit3A_1245 : i32
        %sign3A_1247 = arith.constant 0 : i32
        %sign3A_1248 = arith.cmpi sgt, %sub3A_1244, %sign3A_1247 : i32
        %sign3A_1249 = arith.extui %sign3A_1248 : i1 to i32
        %sign3A_1250 = arith.constant 0 : i32
        %sign3A_1251 = arith.cmpi slt, %sub3A_1244, %sign3A_1250 : i32
        %sign3A_1252 = arith.extui %sign3A_1251 : i1 to i32
        %sign3A_1253 = arith.subi %sign3A_1249, %sign3A_1252 : i32
        %sign3A_1254 = arith.constant 0 : i32
        %sign3A_1255 = arith.cmpi sgt, %jit3A_1245, %sign3A_1254 : i32
        %sign3A_1256 = arith.extui %sign3A_1255 : i1 to i32
        %sign3A_1257 = arith.constant 0 : i32
        %sign3A_1258 = arith.cmpi slt, %jit3A_1245, %sign3A_1257 : i32
        %sign3A_1259 = arith.extui %sign3A_1258 : i1 to i32
        %sign3A_1260 = arith.subi %sign3A_1256, %sign3A_1259 : i32
        %ne3A_1261 = arith.cmpi ne, %sign3A_1253, %sign3A_1260 : i32
        %rem3A_1262 = arith.remsi %sub3A_1244, %jit3A_1245 : i32
        %ne3A_1263 = arith.constant 0 : i32
        %ne3A_1264 = arith.cmpi ne, %rem3A_1262, %ne3A_1263 : i32
        %and3A_1265 = arith.andi %ne3A_1261, %ne3A_1264 : i1
        %sub3A_1266 = arith.constant 1 : i32
        %sub3A_1267 = arith.subi %div3A_1246, %sub3A_1266 : i32
        %select_n3A_1268 = arith.select %and3A_1265, %sub3A_1267, %div3A_1246 : i32
        %mul3A_1269 = arith.constant 32 : i32
        %mul3A_1270 = arith.muli %select_n3A_1268, %mul3A_1269 : i32
        %add3A_1271 = arith.constant 16 : i32
        %add3A_1272 = arith.addi %mul3A_1270, %add3A_1271 : i32
        %sub3A_1273 = arith.constant 2 : i32
        %sub3A_1274 = arith.subi %add3A_936, %sub3A_1273 : i32
        %jit3A_1275 = arith.constant 128 : i32
        %eq3A_1276 = arith.constant 0 : i32
        %eq3A_1277 = arith.cmpi eq, %jit3A_1275, %eq3A_1276 : i32
        %jit3A_1278 = arith.constant 1 : i32
        %select_n3A_1279 = arith.select %eq3A_1277, %jit3A_1278, %jit3A_1275 : i32
        %rem3A_1280 = arith.remsi %sub3A_1274, %select_n3A_1279 : i32
        %ne3A_1281 = arith.constant 0 : i32
        %ne3A_1282 = arith.cmpi ne, %rem3A_1280, %ne3A_1281 : i32
        %lt3A_1283 = arith.constant 0 : i32
        %lt3A_1284 = arith.cmpi slt, %rem3A_1280, %lt3A_1283 : i32
        %lt3A_1285 = arith.constant 0 : i32
        %lt3A_1286 = arith.cmpi slt, %select_n3A_1279, %lt3A_1285 : i32
        %ne3A_1287 = arith.xori %lt3A_1284, %lt3A_1286 : i1
        %and3A_1288 = arith.andi %ne3A_1287, %ne3A_1282 : i1
        %add3A_1289 = arith.addi %rem3A_1280, %select_n3A_1279 : i32
        %select_n3A_1290 = arith.select %and3A_1288, %add3A_1289, %rem3A_1280 : i32
        %mul3A_1291 = arith.constant 128 : i32
        %mul3A_1292 = arith.muli %select_n3A_1290, %mul3A_1291 : i32
        %dma_wait3A_1293 = arith.constant 16 : i32
        %dma_wait3A_1294 = arith.constant 0 : i32
        %dma_wait3A_1295 = tpu.memref_slice %arg10[%and3A_931, %dma_wait3A_1293, %dma_wait3A_1294] : memref<2x32x128xf32, #tpu.memory_space<vmem>> -> memref<1x8x128xf32, #tpu.memory_space<vmem>>
        %dma_wait3A_1296 = tpu.memref_squeeze %dma_wait3A_1295 : memref<1x8x128xf32, #tpu.memory_space<vmem>> -> memref<8x128xf32, #tpu.memory_space<vmem>>
        %dma_wait3A_1297 = tpu.memref_reshape %arg5 : memref<26x32x16384xf32, #tpu.memory_space<hbm>> -> memref<832x16384xf32, #tpu.memory_space<hbm>>
        %dma_wait3A_1298 = tpu.memref_slice %dma_wait3A_1297[%add3A_1272, %mul3A_1292] : memref<832x16384xf32, #tpu.memory_space<hbm>> -> memref<8x128xf32, #tpu.memory_space<hbm>>
        %dma_wait3A_1299 = tpu.memref_reshape %arg5 : memref<26x32x16384xf32, #tpu.memory_space<hbm>> -> memref<832x16384xf32, #tpu.memory_space<hbm>>
        %dma_wait3A_1300 = tpu.memref_slice %dma_wait3A_1299[%add3A_1272, %mul3A_1292] : memref<832x16384xf32, #tpu.memory_space<hbm>> -> memref<8x128xf32, #tpu.memory_space<hbm>>
        %dma_wait3A_1301 = arith.constant 16 : i32
        %dma_wait3A_1302 = arith.constant 0 : i32
        %dma_wait3A_1303 = tpu.memref_slice %arg10[%and3A_931, %dma_wait3A_1301, %dma_wait3A_1302] : memref<2x32x128xf32, #tpu.memory_space<vmem>> -> memref<1x8x128xf32, #tpu.memory_space<vmem>>
        %dma_wait3A_1304 = tpu.memref_squeeze %dma_wait3A_1303 : memref<1x8x128xf32, #tpu.memory_space<vmem>> -> memref<8x128xf32, #tpu.memory_space<vmem>>
        tpu.wait_dma2 semaphore(%arg13 : memref<!tpu.dma_semaphore, #tpu.memory_space<semaphore_mem>>) src(%dma_wait3A_1304 : memref<8x128xf32, #tpu.memory_space<vmem>>) dst(%dma_wait3A_1300 : memref<8x128xf32, #tpu.memory_space<hbm>>)
        %sub3A_1305 = arith.constant 2 : i32
        %sub3A_1306 = arith.subi %add3A_936, %sub3A_1305 : i32
        %jit3A_1307 = arith.constant 128 : i32
        %div3A_1308 = arith.divsi %sub3A_1306, %jit3A_1307 : i32
        %sign3A_1309 = arith.constant 0 : i32
        %sign3A_1310 = arith.cmpi sgt, %sub3A_1306, %sign3A_1309 : i32
        %sign3A_1311 = arith.extui %sign3A_1310 : i1 to i32
        %sign3A_1312 = arith.constant 0 : i32
        %sign3A_1313 = arith.cmpi slt, %sub3A_1306, %sign3A_1312 : i32
        %sign3A_1314 = arith.extui %sign3A_1313 : i1 to i32
        %sign3A_1315 = arith.subi %sign3A_1311, %sign3A_1314 : i32
        %sign3A_1316 = arith.constant 0 : i32
        %sign3A_1317 = arith.cmpi sgt, %jit3A_1307, %sign3A_1316 : i32
        %sign3A_1318 = arith.extui %sign3A_1317 : i1 to i32
        %sign3A_1319 = arith.constant 0 : i32
        %sign3A_1320 = arith.cmpi slt, %jit3A_1307, %sign3A_1319 : i32
        %sign3A_1321 = arith.extui %sign3A_1320 : i1 to i32
        %sign3A_1322 = arith.subi %sign3A_1318, %sign3A_1321 : i32
        %ne3A_1323 = arith.cmpi ne, %sign3A_1315, %sign3A_1322 : i32
        %rem3A_1324 = arith.remsi %sub3A_1306, %jit3A_1307 : i32
        %ne3A_1325 = arith.constant 0 : i32
        %ne3A_1326 = arith.cmpi ne, %rem3A_1324, %ne3A_1325 : i32
        %and3A_1327 = arith.andi %ne3A_1323, %ne3A_1326 : i1
        %sub3A_1328 = arith.constant 1 : i32
        %sub3A_1329 = arith.subi %div3A_1308, %sub3A_1328 : i32
        %select_n3A_1330 = arith.select %and3A_1327, %sub3A_1329, %div3A_1308 : i32
        %mul3A_1331 = arith.constant 32 : i32
        %mul3A_1332 = arith.muli %select_n3A_1330, %mul3A_1331 : i32
        %add3A_1333 = arith.constant 24 : i32
        %add3A_1334 = arith.addi %mul3A_1332, %add3A_1333 : i32
        %sub3A_1335 = arith.constant 2 : i32
        %sub3A_1336 = arith.subi %add3A_936, %sub3A_1335 : i32
        %jit3A_1337 = arith.constant 128 : i32
        %eq3A_1338 = arith.constant 0 : i32
        %eq3A_1339 = arith.cmpi eq, %jit3A_1337, %eq3A_1338 : i32
        %jit3A_1340 = arith.constant 1 : i32
        %select_n3A_1341 = arith.select %eq3A_1339, %jit3A_1340, %jit3A_1337 : i32
        %rem3A_1342 = arith.remsi %sub3A_1336, %select_n3A_1341 : i32
        %ne3A_1343 = arith.constant 0 : i32
        %ne3A_1344 = arith.cmpi ne, %rem3A_1342, %ne3A_1343 : i32
        %lt3A_1345 = arith.constant 0 : i32
        %lt3A_1346 = arith.cmpi slt, %rem3A_1342, %lt3A_1345 : i32
        %lt3A_1347 = arith.constant 0 : i32
        %lt3A_1348 = arith.cmpi slt, %select_n3A_1341, %lt3A_1347 : i32
        %ne3A_1349 = arith.xori %lt3A_1346, %lt3A_1348 : i1
        %and3A_1350 = arith.andi %ne3A_1349, %ne3A_1344 : i1
        %add3A_1351 = arith.addi %rem3A_1342, %select_n3A_1341 : i32
        %select_n3A_1352 = arith.select %and3A_1350, %add3A_1351, %rem3A_1342 : i32
        %mul3A_1353 = arith.constant 128 : i32
        %mul3A_1354 = arith.muli %select_n3A_1352, %mul3A_1353 : i32
        %dma_wait3A_1355 = arith.constant 24 : i32
        %dma_wait3A_1356 = arith.constant 0 : i32
        %dma_wait3A_1357 = tpu.memref_slice %arg10[%and3A_931, %dma_wait3A_1355, %dma_wait3A_1356] : memref<2x32x128xf32, #tpu.memory_space<vmem>> -> memref<1x8x128xf32, #tpu.memory_space<vmem>>
        %dma_wait3A_1358 = tpu.memref_squeeze %dma_wait3A_1357 : memref<1x8x128xf32, #tpu.memory_space<vmem>> -> memref<8x128xf32, #tpu.memory_space<vmem>>
        %dma_wait3A_1359 = tpu.memref_reshape %arg5 : memref<26x32x16384xf32, #tpu.memory_space<hbm>> -> memref<832x16384xf32, #tpu.memory_space<hbm>>
        %dma_wait3A_1360 = tpu.memref_slice %dma_wait3A_1359[%add3A_1334, %mul3A_1354] : memref<832x16384xf32, #tpu.memory_space<hbm>> -> memref<8x128xf32, #tpu.memory_space<hbm>>
        %dma_wait3A_1361 = tpu.memref_reshape %arg5 : memref<26x32x16384xf32, #tpu.memory_space<hbm>> -> memref<832x16384xf32, #tpu.memory_space<hbm>>
        %dma_wait3A_1362 = tpu.memref_slice %dma_wait3A_1361[%add3A_1334, %mul3A_1354] : memref<832x16384xf32, #tpu.memory_space<hbm>> -> memref<8x128xf32, #tpu.memory_space<hbm>>
        %dma_wait3A_1363 = arith.constant 24 : i32
        %dma_wait3A_1364 = arith.constant 0 : i32
        %dma_wait3A_1365 = tpu.memref_slice %arg10[%and3A_931, %dma_wait3A_1363, %dma_wait3A_1364] : memref<2x32x128xf32, #tpu.memory_space<vmem>> -> memref<1x8x128xf32, #tpu.memory_space<vmem>>
        %dma_wait3A_1366 = tpu.memref_squeeze %dma_wait3A_1365 : memref<1x8x128xf32, #tpu.memory_space<vmem>> -> memref<8x128xf32, #tpu.memory_space<vmem>>
        tpu.wait_dma2 semaphore(%arg13 : memref<!tpu.dma_semaphore, #tpu.memory_space<semaphore_mem>>) src(%dma_wait3A_1366 : memref<8x128xf32, #tpu.memory_space<vmem>>) dst(%dma_wait3A_1362 : memref<8x128xf32, #tpu.memory_space<hbm>>)
      } else {
      }
      %broadcast_in_dim3A = vector.broadcast %rem3A_933 : i32 to vector<16xi32>
      %mul3A_997 = arith.constant 128 : i32
      %mul3A_998 = arith.muli %rem3A_933, %mul3A_997 : i32
      %add3A_999 = arith.constant 0 : i32
      %add3A_1000 = arith.addi %mul3A_998, %add3A_999 : i32
      %get3A_1001 = arith.index_cast %add3A_1000 : i32 to index
      %get3A_1002 = tpu.vector_load %arg8[%get3A_1001] {strides = array<i32>} : memref<384xi32, #tpu.memory_space<vmem>>, vector<16xi32>,
      %mul3A_1003 = arith.constant 128 : i32
      %mul3A_1004 = arith.muli %rem3A_933, %mul3A_1003 : i32
      %add3A_1005 = arith.constant 16 : i32
      %add3A_1006 = arith.addi %mul3A_1004, %add3A_1005 : i32
      %get3A_1007 = arith.index_cast %add3A_1006 : i32 to index
      %get3A_1008 = tpu.vector_load %arg8[%get3A_1007] {strides = array<i32>} : memref<384xi32, #tpu.memory_space<vmem>>, vector<16xi32>,
      %mul3A_1009 = arith.constant 128 : i32
      %mul3A_1010 = arith.muli %rem3A_933, %mul3A_1009 : i32
      %add3A_1011 = arith.constant 32 : i32
      %add3A_1012 = arith.addi %mul3A_1010, %add3A_1011 : i32
      %get3A_1013 = arith.index_cast %add3A_1012 : i32 to index
      %get3A_1014 = tpu.vector_load %arg8[%get3A_1013] {strides = array<i32>} : memref<384xi32, #tpu.memory_space<vmem>>, vector<16xi32>,
      %mul3A_1015 = arith.constant 128 : i32
      %mul3A_1016 = arith.muli %rem3A_933, %mul3A_1015 : i32
      %add3A_1017 = arith.constant 48 : i32
      %add3A_1018 = arith.addi %mul3A_1016, %add3A_1017 : i32
      %get3A_1019 = arith.index_cast %add3A_1018 : i32 to index
      %get3A_1020 = tpu.vector_load %arg8[%get3A_1019] {strides = array<i32>} : memref<384xi32, #tpu.memory_space<vmem>>, vector<16xi32>,
      %mul3A_1021 = arith.constant 128 : i32
      %mul3A_1022 = arith.muli %rem3A_933, %mul3A_1021 : i32
      %add3A_1023 = arith.constant 64 : i32
      %add3A_1024 = arith.addi %mul3A_1022, %add3A_1023 : i32
      %get3A_1025 = arith.index_cast %add3A_1024 : i32 to index
      %get3A_1026 = tpu.vector_load %arg8[%get3A_1025] {strides = array<i32>} : memref<384xi32, #tpu.memory_space<vmem>>, vector<16xi32>,
      %mul3A_1027 = arith.constant 128 : i32
      %mul3A_1028 = arith.muli %rem3A_933, %mul3A_1027 : i32
      %add3A_1029 = arith.constant 80 : i32
      %add3A_1030 = arith.addi %mul3A_1028, %add3A_1029 : i32
      %get3A_1031 = arith.index_cast %add3A_1030 : i32 to index
      %get3A_1032 = tpu.vector_load %arg8[%get3A_1031] {strides = array<i32>} : memref<384xi32, #tpu.memory_space<vmem>>, vector<16xi32>,
      %mul3A_1033 = arith.constant 128 : i32
      %mul3A_1034 = arith.muli %rem3A_933, %mul3A_1033 : i32
      %add3A_1035 = arith.constant 96 : i32
      %add3A_1036 = arith.addi %mul3A_1034, %add3A_1035 : i32
      %get3A_1037 = arith.index_cast %add3A_1036 : i32 to index
      %get3A_1038 = tpu.vector_load %arg8[%get3A_1037] {strides = array<i32>} : memref<384xi32, #tpu.memory_space<vmem>>, vector<16xi32>,
      %mul3A_1039 = arith.constant 128 : i32
      %mul3A_1040 = arith.muli %rem3A_933, %mul3A_1039 : i32
      %add3A_1041 = arith.constant 112 : i32
      %add3A_1042 = arith.addi %mul3A_1040, %add3A_1041 : i32
      %get3A_1043 = arith.index_cast %add3A_1042 : i32 to index
      %get3A_1044 = tpu.vector_load %arg8[%get3A_1043] {strides = array<i32>} : memref<384xi32, #tpu.memory_space<vmem>>, vector<16xi32>,
      %parallel_loop3A = arith.constant 0 : i32
      %parallel_loop3A_1045 = arith.constant 32 : i32
      %parallel_loop3A_1046 = arith.constant 1 : i32
      scf.for %parallel_loop3A_1119 = %parallel_loop3A to %parallel_loop3A_1045 step %parallel_loop3A_1046  : i32 {
        %parallel_loop3A_1120 = arith.constant 32 : i32
        %parallel_loop3A_1121 = arith.muli %select_n3A_960, %parallel_loop3A_1120 : i32
        %parallel_loop3A_1122 = arith.addi %parallel_loop3A_1121, %parallel_loop3A_1119 : i32
        %parallel_loop3A_1123 = arith.constant 16 : i32
        %parallel_loop3A_1124 = arith.muli %parallel_loop3A_1122, %parallel_loop3A_1123 : i32
        %parallel_loop3A_1125 = arith.index_cast %parallel_loop3A_1124 : i32 to index
        %parallel_loop3A_1126 = tpu.vector_load %arg11[%parallel_loop3A_1125] {strides = array<i32>} : memref<13312xf32, #tpu.memory_space<vmem>>, vector<16xf32>,
        %parallel_loop3A_1127 = arith.constant 0 : i32
        %parallel_loop3A_1128 = vector.broadcast %parallel_loop3A_1127 : i32 to vector<16xi32>
        %parallel_loop3A_1129 = arith.addi %parallel_loop3A_1128, %iota3A : vector<16xi32>
        %parallel_loop3A_1130 = vector.broadcast %parallel_loop3A_1119 : i32 to vector<16xi32>
        %parallel_loop3A_1131 = arith.addi %get3A_1002, %parallel_loop3A_1130 : vector<16xi32>
        %parallel_loop3A_1132 = tpu.vector_load_idx %arg9[%broadcast_in_dim3A, %parallel_loop3A_1129, %parallel_loop3A_1131] : memref<3x128x128xf32, #tpu.memory_space<vmem>>[vector<16xi32>, vector<16xi32>, vector<16xi32>], vector<16xf32>,
        %parallel_loop3A_1133 = arith.addf %parallel_loop3A_1132, %parallel_loop3A_1126 : vector<16xf32>
        %parallel_loop3A_1134 = arith.index_cast %and3A_931 : i32 to index
        %parallel_loop3A_1135 = arith.index_cast %parallel_loop3A_1119 : i32 to index
        %parallel_loop3A_1136 = arith.constant 0 : index
        %parallel_loop3A_1137 = tpu.vector_load %arg10[%parallel_loop3A_1134, %parallel_loop3A_1135, %parallel_loop3A_1136] {strides = array<i32>} : memref<2x32x128xf32, #tpu.memory_space<vmem>>, vector<16xf32>,
        tpu.vector_store %arg10[%parallel_loop3A_1134, %parallel_loop3A_1135, %parallel_loop3A_1136], %parallel_loop3A_1133 {strides = array<i32>} : memref<2x32x128xf32, #tpu.memory_space<vmem>>, vector<16xf32>,
        %parallel_loop3A_1138 = arith.constant 16 : i32
        %parallel_loop3A_1139 = vector.broadcast %parallel_loop3A_1138 : i32 to vector<16xi32>
        %parallel_loop3A_1140 = arith.addi %parallel_loop3A_1139, %iota3A : vector<16xi32>
        %parallel_loop3A_1141 = vector.broadcast %parallel_loop3A_1119 : i32 to vector<16xi32>
        %parallel_loop3A_1142 = arith.addi %get3A_1008, %parallel_loop3A_1141 : vector<16xi32>
        %parallel_loop3A_1143 = tpu.vector_load_idx %arg9[%broadcast_in_dim3A, %parallel_loop3A_1140, %parallel_loop3A_1142] : memref<3x128x128xf32, #tpu.memory_space<vmem>>[vector<16xi32>, vector<16xi32>, vector<16xi32>], vector<16xf32>,
        %parallel_loop3A_1144 = arith.addf %parallel_loop3A_1143, %parallel_loop3A_1126 : vector<16xf32>
        %parallel_loop3A_1145 = arith.index_cast %and3A_931 : i32 to index
        %parallel_loop3A_1146 = arith.index_cast %parallel_loop3A_1119 : i32 to index
        %parallel_loop3A_1147 = arith.constant 16 : index
        %parallel_loop3A_1148 = tpu.vector_load %arg10[%parallel_loop3A_1145, %parallel_loop3A_1146, %parallel_loop3A_1147] {strides = array<i32>} : memref<2x32x128xf32, #tpu.memory_space<vmem>>, vector<16xf32>,
        tpu.vector_store %arg10[%parallel_loop3A_1145, %parallel_loop3A_1146, %parallel_loop3A_1147], %parallel_loop3A_1144 {strides = array<i32>} : memref<2x32x128xf32, #tpu.memory_space<vmem>>, vector<16xf32>,
        %parallel_loop3A_1149 = arith.constant 32 : i32
        %parallel_loop3A_1150 = vector.broadcast %parallel_loop3A_1149 : i32 to vector<16xi32>
        %parallel_loop3A_1151 = arith.addi %parallel_loop3A_1150, %iota3A : vector<16xi32>
        %parallel_loop3A_1152 = vector.broadcast %parallel_loop3A_1119 : i32 to vector<16xi32>
        %parallel_loop3A_1153 = arith.addi %get3A_1014, %parallel_loop3A_1152 : vector<16xi32>
        %parallel_loop3A_1154 = tpu.vector_load_idx %arg9[%broadcast_in_dim3A, %parallel_loop3A_1151, %parallel_loop3A_1153] : memref<3x128x128xf32, #tpu.memory_space<vmem>>[vector<16xi32>, vector<16xi32>, vector<16xi32>], vector<16xf32>,
        %parallel_loop3A_1155 = arith.addf %parallel_loop3A_1154, %parallel_loop3A_1126 : vector<16xf32>
        %parallel_loop3A_1156 = arith.index_cast %and3A_931 : i32 to index
        %parallel_loop3A_1157 = arith.index_cast %parallel_loop3A_1119 : i32 to index
        %parallel_loop3A_1158 = arith.constant 32 : index
        %parallel_loop3A_1159 = tpu.vector_load %arg10[%parallel_loop3A_1156, %parallel_loop3A_1157, %parallel_loop3A_1158] {strides = array<i32>} : memref<2x32x128xf32, #tpu.memory_space<vmem>>, vector<16xf32>,
        tpu.vector_store %arg10[%parallel_loop3A_1156, %parallel_loop3A_1157, %parallel_loop3A_1158], %parallel_loop3A_1155 {strides = array<i32>} : memref<2x32x128xf32, #tpu.memory_space<vmem>>, vector<16xf32>,
        %parallel_loop3A_1160 = arith.constant 48 : i32
        %parallel_loop3A_1161 = vector.broadcast %parallel_loop3A_1160 : i32 to vector<16xi32>
        %parallel_loop3A_1162 = arith.addi %parallel_loop3A_1161, %iota3A : vector<16xi32>
        %parallel_loop3A_1163 = vector.broadcast %parallel_loop3A_1119 : i32 to vector<16xi32>
        %parallel_loop3A_1164 = arith.addi %get3A_1020, %parallel_loop3A_1163 : vector<16xi32>
        %parallel_loop3A_1165 = tpu.vector_load_idx %arg9[%broadcast_in_dim3A, %parallel_loop3A_1162, %parallel_loop3A_1164] : memref<3x128x128xf32, #tpu.memory_space<vmem>>[vector<16xi32>, vector<16xi32>, vector<16xi32>], vector<16xf32>,
        %parallel_loop3A_1166 = arith.addf %parallel_loop3A_1165, %parallel_loop3A_1126 : vector<16xf32>
        %parallel_loop3A_1167 = arith.index_cast %and3A_931 : i32 to index
        %parallel_loop3A_1168 = arith.index_cast %parallel_loop3A_1119 : i32 to index
        %parallel_loop3A_1169 = arith.constant 48 : index
        %parallel_loop3A_1170 = tpu.vector_load %arg10[%parallel_loop3A_1167, %parallel_loop3A_1168, %parallel_loop3A_1169] {strides = array<i32>} : memref<2x32x128xf32, #tpu.memory_space<vmem>>, vector<16xf32>,
        tpu.vector_store %arg10[%parallel_loop3A_1167, %parallel_loop3A_1168, %parallel_loop3A_1169], %parallel_loop3A_1166 {strides = array<i32>} : memref<2x32x128xf32, #tpu.memory_space<vmem>>, vector<16xf32>,
        %parallel_loop3A_1171 = arith.constant 64 : i32
        %parallel_loop3A_1172 = vector.broadcast %parallel_loop3A_1171 : i32 to vector<16xi32>
        %parallel_loop3A_1173 = arith.addi %parallel_loop3A_1172, %iota3A : vector<16xi32>
        %parallel_loop3A_1174 = vector.broadcast %parallel_loop3A_1119 : i32 to vector<16xi32>
        %parallel_loop3A_1175 = arith.addi %get3A_1026, %parallel_loop3A_1174 : vector<16xi32>
        %parallel_loop3A_1176 = tpu.vector_load_idx %arg9[%broadcast_in_dim3A, %parallel_loop3A_1173, %parallel_loop3A_1175] : memref<3x128x128xf32, #tpu.memory_space<vmem>>[vector<16xi32>, vector<16xi32>, vector<16xi32>], vector<16xf32>,
        %parallel_loop3A_1177 = arith.addf %parallel_loop3A_1176, %parallel_loop3A_1126 : vector<16xf32>
        %parallel_loop3A_1178 = arith.index_cast %and3A_931 : i32 to index
        %parallel_loop3A_1179 = arith.index_cast %parallel_loop3A_1119 : i32 to index
        %parallel_loop3A_1180 = arith.constant 64 : index
        %parallel_loop3A_1181 = tpu.vector_load %arg10[%parallel_loop3A_1178, %parallel_loop3A_1179, %parallel_loop3A_1180] {strides = array<i32>} : memref<2x32x128xf32, #tpu.memory_space<vmem>>, vector<16xf32>,
        tpu.vector_store %arg10[%parallel_loop3A_1178, %parallel_loop3A_1179, %parallel_loop3A_1180], %parallel_loop3A_1177 {strides = array<i32>} : memref<2x32x128xf32, #tpu.memory_space<vmem>>, vector<16xf32>,
        %parallel_loop3A_1182 = arith.constant 80 : i32
        %parallel_loop3A_1183 = vector.broadcast %parallel_loop3A_1182 : i32 to vector<16xi32>
        %parallel_loop3A_1184 = arith.addi %parallel_loop3A_1183, %iota3A : vector<16xi32>
        %parallel_loop3A_1185 = vector.broadcast %parallel_loop3A_1119 : i32 to vector<16xi32>
        %parallel_loop3A_1186 = arith.addi %get3A_1032, %parallel_loop3A_1185 : vector<16xi32>
        %parallel_loop3A_1187 = tpu.vector_load_idx %arg9[%broadcast_in_dim3A, %parallel_loop3A_1184, %parallel_loop3A_1186] : memref<3x128x128xf32, #tpu.memory_space<vmem>>[vector<16xi32>, vector<16xi32>, vector<16xi32>], vector<16xf32>,
        %parallel_loop3A_1188 = arith.addf %parallel_loop3A_1187, %parallel_loop3A_1126 : vector<16xf32>
        %parallel_loop3A_1189 = arith.index_cast %and3A_931 : i32 to index
        %parallel_loop3A_1190 = arith.index_cast %parallel_loop3A_1119 : i32 to index
        %parallel_loop3A_1191 = arith.constant 80 : index
        %parallel_loop3A_1192 = tpu.vector_load %arg10[%parallel_loop3A_1189, %parallel_loop3A_1190, %parallel_loop3A_1191] {strides = array<i32>} : memref<2x32x128xf32, #tpu.memory_space<vmem>>, vector<16xf32>,
        tpu.vector_store %arg10[%parallel_loop3A_1189, %parallel_loop3A_1190, %parallel_loop3A_1191], %parallel_loop3A_1188 {strides = array<i32>} : memref<2x32x128xf32, #tpu.memory_space<vmem>>, vector<16xf32>,
        %parallel_loop3A_1193 = arith.constant 96 : i32
        %parallel_loop3A_1194 = vector.broadcast %parallel_loop3A_1193 : i32 to vector<16xi32>
        %parallel_loop3A_1195 = arith.addi %parallel_loop3A_1194, %iota3A : vector<16xi32>
        %parallel_loop3A_1196 = vector.broadcast %parallel_loop3A_1119 : i32 to vector<16xi32>
        %parallel_loop3A_1197 = arith.addi %get3A_1038, %parallel_loop3A_1196 : vector<16xi32>
        %parallel_loop3A_1198 = tpu.vector_load_idx %arg9[%broadcast_in_dim3A, %parallel_loop3A_1195, %parallel_loop3A_1197] : memref<3x128x128xf32, #tpu.memory_space<vmem>>[vector<16xi32>, vector<16xi32>, vector<16xi32>], vector<16xf32>,
        %parallel_loop3A_1199 = arith.addf %parallel_loop3A_1198, %parallel_loop3A_1126 : vector<16xf32>
        %parallel_loop3A_1200 = arith.index_cast %and3A_931 : i32 to index
        %parallel_loop3A_1201 = arith.index_cast %parallel_loop3A_1119 : i32 to index
        %parallel_loop3A_1202 = arith.constant 96 : index
        %parallel_loop3A_1203 = tpu.vector_load %arg10[%parallel_loop3A_1200, %parallel_loop3A_1201, %parallel_loop3A_1202] {strides = array<i32>} : memref<2x32x128xf32, #tpu.memory_space<vmem>>, vector<16xf32>,
        tpu.vector_store %arg10[%parallel_loop3A_1200, %parallel_loop3A_1201, %parallel_loop3A_1202], %parallel_loop3A_1199 {strides = array<i32>} : memref<2x32x128xf32, #tpu.memory_space<vmem>>, vector<16xf32>,
        %parallel_loop3A_1204 = arith.constant 112 : i32
        %parallel_loop3A_1205 = vector.broadcast %parallel_loop3A_1204 : i32 to vector<16xi32>
        %parallel_loop3A_1206 = arith.addi %parallel_loop3A_1205, %iota3A : vector<16xi32>
        %parallel_loop3A_1207 = vector.broadcast %parallel_loop3A_1119 : i32 to vector<16xi32>
        %parallel_loop3A_1208 = arith.addi %get3A_1044, %parallel_loop3A_1207 : vector<16xi32>
        %parallel_loop3A_1209 = tpu.vector_load_idx %arg9[%broadcast_in_dim3A, %parallel_loop3A_1206, %parallel_loop3A_1208] : memref<3x128x128xf32, #tpu.memory_space<vmem>>[vector<16xi32>, vector<16xi32>, vector<16xi32>], vector<16xf32>,
        %parallel_loop3A_1210 = arith.addf %parallel_loop3A_1209, %parallel_loop3A_1126 : vector<16xf32>
        %parallel_loop3A_1211 = arith.index_cast %and3A_931 : i32 to index
        %parallel_loop3A_1212 = arith.index_cast %parallel_loop3A_1119 : i32 to index
        %parallel_loop3A_1213 = arith.constant 112 : index
        %parallel_loop3A_1214 = tpu.vector_load %arg10[%parallel_loop3A_1211, %parallel_loop3A_1212, %parallel_loop3A_1213] {strides = array<i32>} : memref<2x32x128xf32, #tpu.memory_space<vmem>>, vector<16xf32>,
        tpu.vector_store %arg10[%parallel_loop3A_1211, %parallel_loop3A_1212, %parallel_loop3A_1213], %parallel_loop3A_1210 {strides = array<i32>} : memref<2x32x128xf32, #tpu.memory_space<vmem>>, vector<16xf32>,
      } {sc.loop_unroll_factor = 4 : i64, sc.parallel_access}
      %mul3A_1047 = arith.constant 32 : i32
      %mul3A_1048 = arith.muli %select_n3A_960, %mul3A_1047 : i32
      %add3A_1049 = arith.constant 0 : i32
      %add3A_1050 = arith.addi %mul3A_1048, %add3A_1049 : i32
      %mul3A_1051 = arith.constant 128 : i32
      %mul3A_1052 = arith.muli %select_n3A_976, %mul3A_1051 : i32
      %dma_start3A_1053 = arith.constant 0 : i32
      %dma_start3A_1054 = arith.constant 0 : i32
      %dma_start3A_1055 = tpu.memref_slice %arg10[%and3A_931, %dma_start3A_1053, %dma_start3A_1054] : memref<2x32x128xf32, #tpu.memory_space<vmem>> -> memref<1x8x128xf32, #tpu.memory_space<vmem>>
      %dma_start3A_1056 = tpu.memref_squeeze %dma_start3A_1055 : memref<1x8x128xf32, #tpu.memory_space<vmem>> -> memref<8x128xf32, #tpu.memory_space<vmem>>
      %dma_start3A_1057 = tpu.memref_reshape %arg5 : memref<26x32x16384xf32, #tpu.memory_space<hbm>> -> memref<832x16384xf32, #tpu.memory_space<hbm>>
      %dma_start3A_1058 = tpu.memref_slice %dma_start3A_1057[%add3A_1050, %mul3A_1052] : memref<832x16384xf32, #tpu.memory_space<hbm>> -> memref<8x128xf32, #tpu.memory_space<hbm>>
      %dma_start3A_1059 = tpu.memref_reshape %arg5 : memref<26x32x16384xf32, #tpu.memory_space<hbm>> -> memref<832x16384xf32, #tpu.memory_space<hbm>>
      %dma_start3A_1060 = tpu.memref_slice %dma_start3A_1059[%add3A_1050, %mul3A_1052] : memref<832x16384xf32, #tpu.memory_space<hbm>> -> memref<8x128xf32, #tpu.memory_space<hbm>>
      %dma_start3A_1061 = arith.constant 0 : i32
      %dma_start3A_1062 = arith.constant 0 : i32
      %dma_start3A_1063 = tpu.memref_slice %arg10[%and3A_931, %dma_start3A_1061, %dma_start3A_1062] : memref<2x32x128xf32, #tpu.memory_space<vmem>> -> memref<1x8x128xf32, #tpu.memory_space<vmem>>
      %dma_start3A_1064 = tpu.memref_squeeze %dma_start3A_1063 : memref<1x8x128xf32, #tpu.memory_space<vmem>> -> memref<8x128xf32, #tpu.memory_space<vmem>>
      tpu.enqueue_dma source(%dma_start3A_1064 : memref<8x128xf32, #tpu.memory_space<vmem>>) target(%dma_start3A_1060 : memref<8x128xf32, #tpu.memory_space<hbm>>) target_semaphore(%arg13 : memref<!tpu.dma_semaphore, #tpu.memory_space<semaphore_mem>>)
      %mul3A_1065 = arith.constant 32 : i32
      %mul3A_1066 = arith.muli %select_n3A_960, %mul3A_1065 : i32
      %add3A_1067 = arith.constant 8 : i32
      %add3A_1068 = arith.addi %mul3A_1066, %add3A_1067 : i32
      %mul3A_1069 = arith.constant 128 : i32
      %mul3A_1070 = arith.muli %select_n3A_976, %mul3A_1069 : i32
      %dma_start3A_1071 = arith.constant 8 : i32
      %dma_start3A_1072 = arith.constant 0 : i32
      %dma_start3A_1073 = tpu.memref_slice %arg10[%and3A_931, %dma_start3A_1071, %dma_start3A_1072] : memref<2x32x128xf32, #tpu.memory_space<vmem>> -> memref<1x8x128xf32, #tpu.memory_space<vmem>>
      %dma_start3A_1074 = tpu.memref_squeeze %dma_start3A_1073 : memref<1x8x128xf32, #tpu.memory_space<vmem>> -> memref<8x128xf32, #tpu.memory_space<vmem>>
      %dma_start3A_1075 = tpu.memref_reshape %arg5 : memref<26x32x16384xf32, #tpu.memory_space<hbm>> -> memref<832x16384xf32, #tpu.memory_space<hbm>>
      %dma_start3A_1076 = tpu.memref_slice %dma_start3A_1075[%add3A_1068, %mul3A_1070] : memref<832x16384xf32, #tpu.memory_space<hbm>> -> memref<8x128xf32, #tpu.memory_space<hbm>>
      %dma_start3A_1077 = tpu.memref_reshape %arg5 : memref<26x32x16384xf32, #tpu.memory_space<hbm>> -> memref<832x16384xf32, #tpu.memory_space<hbm>>
      %dma_start3A_1078 = tpu.memref_slice %dma_start3A_1077[%add3A_1068, %mul3A_1070] : memref<832x16384xf32, #tpu.memory_space<hbm>> -> memref<8x128xf32, #tpu.memory_space<hbm>>
      %dma_start3A_1079 = arith.constant 8 : i32
      %dma_start3A_1080 = arith.constant 0 : i32
      %dma_start3A_1081 = tpu.memref_slice %arg10[%and3A_931, %dma_start3A_1079, %dma_start3A_1080] : memref<2x32x128xf32, #tpu.memory_space<vmem>> -> memref<1x8x128xf32, #tpu.memory_space<vmem>>
      %dma_start3A_1082 = tpu.memref_squeeze %dma_start3A_1081 : memref<1x8x128xf32, #tpu.memory_space<vmem>> -> memref<8x128xf32, #tpu.memory_space<vmem>>
      tpu.enqueue_dma source(%dma_start3A_1082 : memref<8x128xf32, #tpu.memory_space<vmem>>) target(%dma_start3A_1078 : memref<8x128xf32, #tpu.memory_space<hbm>>) target_semaphore(%arg13 : memref<!tpu.dma_semaphore, #tpu.memory_space<semaphore_mem>>)
      %mul3A_1083 = arith.constant 32 : i32
      %mul3A_1084 = arith.muli %select_n3A_960, %mul3A_1083 : i32
      %add3A_1085 = arith.constant 16 : i32
      %add3A_1086 = arith.addi %mul3A_1084, %add3A_1085 : i32
      %mul3A_1087 = arith.constant 128 : i32
      %mul3A_1088 = arith.muli %select_n3A_976, %mul3A_1087 : i32
      %dma_start3A_1089 = arith.constant 16 : i32
      %dma_start3A_1090 = arith.constant 0 : i32
      %dma_start3A_1091 = tpu.memref_slice %arg10[%and3A_931, %dma_start3A_1089, %dma_start3A_1090] : memref<2x32x128xf32, #tpu.memory_space<vmem>> -> memref<1x8x128xf32, #tpu.memory_space<vmem>>
      %dma_start3A_1092 = tpu.memref_squeeze %dma_start3A_1091 : memref<1x8x128xf32, #tpu.memory_space<vmem>> -> memref<8x128xf32, #tpu.memory_space<vmem>>
      %dma_start3A_1093 = tpu.memref_reshape %arg5 : memref<26x32x16384xf32, #tpu.memory_space<hbm>> -> memref<832x16384xf32, #tpu.memory_space<hbm>>
      %dma_start3A_1094 = tpu.memref_slice %dma_start3A_1093[%add3A_1086, %mul3A_1088] : memref<832x16384xf32, #tpu.memory_space<hbm>> -> memref<8x128xf32, #tpu.memory_space<hbm>>
      %dma_start3A_1095 = tpu.memref_reshape %arg5 : memref<26x32x16384xf32, #tpu.memory_space<hbm>> -> memref<832x16384xf32, #tpu.memory_space<hbm>>
      %dma_start3A_1096 = tpu.memref_slice %dma_start3A_1095[%add3A_1086, %mul3A_1088] : memref<832x16384xf32, #tpu.memory_space<hbm>> -> memref<8x128xf32, #tpu.memory_space<hbm>>
      %dma_start3A_1097 = arith.constant 16 : i32
      %dma_start3A_1098 = arith.constant 0 : i32
      %dma_start3A_1099 = tpu.memref_slice %arg10[%and3A_931, %dma_start3A_1097, %dma_start3A_1098] : memref<2x32x128xf32, #tpu.memory_space<vmem>> -> memref<1x8x128xf32, #tpu.memory_space<vmem>>
      %dma_start3A_1100 = tpu.memref_squeeze %dma_start3A_1099 : memref<1x8x128xf32, #tpu.memory_space<vmem>> -> memref<8x128xf32, #tpu.memory_space<vmem>>
      tpu.enqueue_dma source(%dma_start3A_1100 : memref<8x128xf32, #tpu.memory_space<vmem>>) target(%dma_start3A_1096 : memref<8x128xf32, #tpu.memory_space<hbm>>) target_semaphore(%arg13 : memref<!tpu.dma_semaphore, #tpu.memory_space<semaphore_mem>>)
      %mul3A_1101 = arith.constant 32 : i32
      %mul3A_1102 = arith.muli %select_n3A_960, %mul3A_1101 : i32
      %add3A_1103 = arith.constant 24 : i32
      %add3A_1104 = arith.addi %mul3A_1102, %add3A_1103 : i32
      %mul3A_1105 = arith.constant 128 : i32
      %mul3A_1106 = arith.muli %select_n3A_976, %mul3A_1105 : i32
      %dma_start3A_1107 = arith.constant 24 : i32
      %dma_start3A_1108 = arith.constant 0 : i32
      %dma_start3A_1109 = tpu.memref_slice %arg10[%and3A_931, %dma_start3A_1107, %dma_start3A_1108] : memref<2x32x128xf32, #tpu.memory_space<vmem>> -> memref<1x8x128xf32, #tpu.memory_space<vmem>>
      %dma_start3A_1110 = tpu.memref_squeeze %dma_start3A_1109 : memref<1x8x128xf32, #tpu.memory_space<vmem>> -> memref<8x128xf32, #tpu.memory_space<vmem>>
      %dma_start3A_1111 = tpu.memref_reshape %arg5 : memref<26x32x16384xf32, #tpu.memory_space<hbm>> -> memref<832x16384xf32, #tpu.memory_space<hbm>>
      %dma_start3A_1112 = tpu.memref_slice %dma_start3A_1111[%add3A_1104, %mul3A_1106] : memref<832x16384xf32, #tpu.memory_space<hbm>> -> memref<8x128xf32, #tpu.memory_space<hbm>>
      %dma_start3A_1113 = tpu.memref_reshape %arg5 : memref<26x32x16384xf32, #tpu.memory_space<hbm>> -> memref<832x16384xf32, #tpu.memory_space<hbm>>
      %dma_start3A_1114 = tpu.memref_slice %dma_start3A_1113[%add3A_1104, %mul3A_1106] : memref<832x16384xf32, #tpu.memory_space<hbm>> -> memref<8x128xf32, #tpu.memory_space<hbm>>
      %dma_start3A_1115 = arith.constant 24 : i32
      %dma_start3A_1116 = arith.constant 0 : i32
      %dma_start3A_1117 = tpu.memref_slice %arg10[%and3A_931, %dma_start3A_1115, %dma_start3A_1116] : memref<2x32x128xf32, #tpu.memory_space<vmem>> -> memref<1x8x128xf32, #tpu.memory_space<vmem>>
      %dma_start3A_1118 = tpu.memref_squeeze %dma_start3A_1117 : memref<1x8x128xf32, #tpu.memory_space<vmem>> -> memref<8x128xf32, #tpu.memory_space<vmem>>
      tpu.enqueue_dma source(%dma_start3A_1118 : memref<8x128xf32, #tpu.memory_space<vmem>>) target(%dma_start3A_1114 : memref<8x128xf32, #tpu.memory_space<hbm>>) target_semaphore(%arg13 : memref<!tpu.dma_semaphore, #tpu.memory_space<semaphore_mem>>)
    }
    %scan3A_451 = arith.constant 104 : i32
    %mul3A_452 = arith.constant 104 : i32
    %mul3A_453 = arith.muli %add3A, %mul3A_452 : i32
    %add3A_454 = arith.constant 102 : i32
    %add3A_455 = arith.addi %mul3A_453, %add3A_454 : i32
    %jit3A_456 = arith.constant 128 : i32
    %div3A_457 = arith.divsi %add3A_455, %jit3A_456 : i32
    %sign3A_458 = arith.constant 0 : i32
    %sign3A_459 = arith.cmpi sgt, %add3A_455, %sign3A_458 : i32
    %sign3A_460 = arith.extui %sign3A_459 : i1 to i32
    %sign3A_461 = arith.constant 0 : i32
    %sign3A_462 = arith.cmpi slt, %add3A_455, %sign3A_461 : i32
    %sign3A_463 = arith.extui %sign3A_462 : i1 to i32
    %sign3A_464 = arith.subi %sign3A_460, %sign3A_463 : i32
    %sign3A_465 = arith.constant 0 : i32
    %sign3A_466 = arith.cmpi sgt, %jit3A_456, %sign3A_465 : i32
    %sign3A_467 = arith.extui %sign3A_466 : i1 to i32
    %sign3A_468 = arith.constant 0 : i32
    %sign3A_469 = arith.cmpi slt, %jit3A_456, %sign3A_468 : i32
    %sign3A_470 = arith.extui %sign3A_469 : i1 to i32
    %sign3A_471 = arith.subi %sign3A_467, %sign3A_470 : i32
    %ne3A_472 = arith.cmpi ne, %sign3A_464, %sign3A_471 : i32
    %rem3A_473 = arith.remsi %add3A_455, %jit3A_456 : i32
    %ne3A_474 = arith.constant 0 : i32
    %ne3A_475 = arith.cmpi ne, %rem3A_473, %ne3A_474 : i32
    %and3A_476 = arith.andi %ne3A_472, %ne3A_475 : i1
    %sub3A_477 = arith.constant 1 : i32
    %sub3A_478 = arith.subi %div3A_457, %sub3A_477 : i32
    %select_n3A_479 = arith.select %and3A_476, %sub3A_478, %div3A_457 : i32
    %mul3A_480 = arith.constant 32 : i32
    %mul3A_481 = arith.muli %select_n3A_479, %mul3A_480 : i32
    %add3A_482 = arith.constant 0 : i32
    %add3A_483 = arith.addi %mul3A_481, %add3A_482 : i32
    %jit3A_484 = arith.constant 128 : i32
    %eq3A = arith.constant 0 : i32
    %eq3A_485 = arith.cmpi eq, %jit3A_484, %eq3A : i32
    %jit3A_486 = arith.constant 1 : i32
    %select_n3A_487 = arith.select %eq3A_485, %jit3A_486, %jit3A_484 : i32
    %rem3A_488 = arith.remsi %add3A_455, %select_n3A_487 : i32
    %ne3A_489 = arith.constant 0 : i32
    %ne3A_490 = arith.cmpi ne, %rem3A_488, %ne3A_489 : i32
    %lt3A = arith.constant 0 : i32
    %lt3A_491 = arith.cmpi slt, %rem3A_488, %lt3A : i32
    %lt3A_492 = arith.constant 0 : i32
    %lt3A_493 = arith.cmpi slt, %select_n3A_487, %lt3A_492 : i32
    %ne3A_494 = arith.xori %lt3A_491, %lt3A_493 : i1
    %and3A_495 = arith.andi %ne3A_494, %ne3A_490 : i1
    %add3A_496 = arith.addi %rem3A_488, %select_n3A_487 : i32
    %select_n3A_497 = arith.select %and3A_495, %add3A_496, %rem3A_488 : i32
    %mul3A_498 = arith.constant 128 : i32
    %mul3A_499 = arith.muli %select_n3A_497, %mul3A_498 : i32
    %dma_wait3A = arith.constant 0 : i32
    %dma_wait3A_500 = arith.constant 0 : i32
    %dma_wait3A_501 = arith.constant 0 : i32
    %dma_wait3A_502 = tpu.memref_slice %arg10[%dma_wait3A, %dma_wait3A_500, %dma_wait3A_501] : memref<2x32x128xf32, #tpu.memory_space<vmem>> -> memref<1x8x128xf32, #tpu.memory_space<vmem>>
    %dma_wait3A_503 = tpu.memref_squeeze %dma_wait3A_502 : memref<1x8x128xf32, #tpu.memory_space<vmem>> -> memref<8x128xf32, #tpu.memory_space<vmem>>
    %dma_wait3A_504 = tpu.memref_reshape %arg5 : memref<26x32x16384xf32, #tpu.memory_space<hbm>> -> memref<832x16384xf32, #tpu.memory_space<hbm>>
    %dma_wait3A_505 = tpu.memref_slice %dma_wait3A_504[%add3A_483, %mul3A_499] : memref<832x16384xf32, #tpu.memory_space<hbm>> -> memref<8x128xf32, #tpu.memory_space<hbm>>
    %dma_wait3A_506 = tpu.memref_reshape %arg5 : memref<26x32x16384xf32, #tpu.memory_space<hbm>> -> memref<832x16384xf32, #tpu.memory_space<hbm>>
    %dma_wait3A_507 = tpu.memref_slice %dma_wait3A_506[%add3A_483, %mul3A_499] : memref<832x16384xf32, #tpu.memory_space<hbm>> -> memref<8x128xf32, #tpu.memory_space<hbm>>
    %dma_wait3A_508 = arith.constant 0 : i32
    %dma_wait3A_509 = arith.constant 0 : i32
    %dma_wait3A_510 = tpu.memref_slice %arg10[%dma_wait3A, %dma_wait3A_508, %dma_wait3A_509] : memref<2x32x128xf32, #tpu.memory_space<vmem>> -> memref<1x8x128xf32, #tpu.memory_space<vmem>>
    %dma_wait3A_511 = tpu.memref_squeeze %dma_wait3A_510 : memref<1x8x128xf32, #tpu.memory_space<vmem>> -> memref<8x128xf32, #tpu.memory_space<vmem>>
    tpu.wait_dma2 semaphore(%arg13 : memref<!tpu.dma_semaphore, #tpu.memory_space<semaphore_mem>>) src(%dma_wait3A_511 : memref<8x128xf32, #tpu.memory_space<vmem>>) dst(%dma_wait3A_507 : memref<8x128xf32, #tpu.memory_space<hbm>>)
    %jit3A_512 = arith.constant 128 : i32
    %div3A_513 = arith.divsi %add3A_455, %jit3A_512 : i32
    %sign3A_514 = arith.constant 0 : i32
    %sign3A_515 = arith.cmpi sgt, %add3A_455, %sign3A_514 : i32
    %sign3A_516 = arith.extui %sign3A_515 : i1 to i32
    %sign3A_517 = arith.constant 0 : i32
    %sign3A_518 = arith.cmpi slt, %add3A_455, %sign3A_517 : i32
    %sign3A_519 = arith.extui %sign3A_518 : i1 to i32
    %sign3A_520 = arith.subi %sign3A_516, %sign3A_519 : i32
    %sign3A_521 = arith.constant 0 : i32
    %sign3A_522 = arith.cmpi sgt, %jit3A_512, %sign3A_521 : i32
    %sign3A_523 = arith.extui %sign3A_522 : i1 to i32
    %sign3A_524 = arith.constant 0 : i32
    %sign3A_525 = arith.cmpi slt, %jit3A_512, %sign3A_524 : i32
    %sign3A_526 = arith.extui %sign3A_525 : i1 to i32
    %sign3A_527 = arith.subi %sign3A_523, %sign3A_526 : i32
    %ne3A_528 = arith.cmpi ne, %sign3A_520, %sign3A_527 : i32
    %rem3A_529 = arith.remsi %add3A_455, %jit3A_512 : i32
    %ne3A_530 = arith.constant 0 : i32
    %ne3A_531 = arith.cmpi ne, %rem3A_529, %ne3A_530 : i32
    %and3A_532 = arith.andi %ne3A_528, %ne3A_531 : i1
    %sub3A_533 = arith.constant 1 : i32
    %sub3A_534 = arith.subi %div3A_513, %sub3A_533 : i32
    %select_n3A_535 = arith.select %and3A_532, %sub3A_534, %div3A_513 : i32
    %mul3A_536 = arith.constant 32 : i32
    %mul3A_537 = arith.muli %select_n3A_535, %mul3A_536 : i32
    %add3A_538 = arith.constant 8 : i32
    %add3A_539 = arith.addi %mul3A_537, %add3A_538 : i32
    %jit3A_540 = arith.constant 128 : i32
    %eq3A_541 = arith.constant 0 : i32
    %eq3A_542 = arith.cmpi eq, %jit3A_540, %eq3A_541 : i32
    %jit3A_543 = arith.constant 1 : i32
    %select_n3A_544 = arith.select %eq3A_542, %jit3A_543, %jit3A_540 : i32
    %rem3A_545 = arith.remsi %add3A_455, %select_n3A_544 : i32
    %ne3A_546 = arith.constant 0 : i32
    %ne3A_547 = arith.cmpi ne, %rem3A_545, %ne3A_546 : i32
    %lt3A_548 = arith.constant 0 : i32
    %lt3A_549 = arith.cmpi slt, %rem3A_545, %lt3A_548 : i32
    %lt3A_550 = arith.constant 0 : i32
    %lt3A_551 = arith.cmpi slt, %select_n3A_544, %lt3A_550 : i32
    %ne3A_552 = arith.xori %lt3A_549, %lt3A_551 : i1
    %and3A_553 = arith.andi %ne3A_552, %ne3A_547 : i1
    %add3A_554 = arith.addi %rem3A_545, %select_n3A_544 : i32
    %select_n3A_555 = arith.select %and3A_553, %add3A_554, %rem3A_545 : i32
    %mul3A_556 = arith.constant 128 : i32
    %mul3A_557 = arith.muli %select_n3A_555, %mul3A_556 : i32
    %dma_wait3A_558 = arith.constant 0 : i32
    %dma_wait3A_559 = arith.constant 8 : i32
    %dma_wait3A_560 = arith.constant 0 : i32
    %dma_wait3A_561 = tpu.memref_slice %arg10[%dma_wait3A_558, %dma_wait3A_559, %dma_wait3A_560] : memref<2x32x128xf32, #tpu.memory_space<vmem>> -> memref<1x8x128xf32, #tpu.memory_space<vmem>>
    %dma_wait3A_562 = tpu.memref_squeeze %dma_wait3A_561 : memref<1x8x128xf32, #tpu.memory_space<vmem>> -> memref<8x128xf32, #tpu.memory_space<vmem>>
    %dma_wait3A_563 = tpu.memref_reshape %arg5 : memref<26x32x16384xf32, #tpu.memory_space<hbm>> -> memref<832x16384xf32, #tpu.memory_space<hbm>>
    %dma_wait3A_564 = tpu.memref_slice %dma_wait3A_563[%add3A_539, %mul3A_557] : memref<832x16384xf32, #tpu.memory_space<hbm>> -> memref<8x128xf32, #tpu.memory_space<hbm>>
    %dma_wait3A_565 = tpu.memref_reshape %arg5 : memref<26x32x16384xf32, #tpu.memory_space<hbm>> -> memref<832x16384xf32, #tpu.memory_space<hbm>>
    %dma_wait3A_566 = tpu.memref_slice %dma_wait3A_565[%add3A_539, %mul3A_557] : memref<832x16384xf32, #tpu.memory_space<hbm>> -> memref<8x128xf32, #tpu.memory_space<hbm>>
    %dma_wait3A_567 = arith.constant 8 : i32
    %dma_wait3A_568 = arith.constant 0 : i32
    %dma_wait3A_569 = tpu.memref_slice %arg10[%dma_wait3A_558, %dma_wait3A_567, %dma_wait3A_568] : memref<2x32x128xf32, #tpu.memory_space<vmem>> -> memref<1x8x128xf32, #tpu.memory_space<vmem>>
    %dma_wait3A_570 = tpu.memref_squeeze %dma_wait3A_569 : memref<1x8x128xf32, #tpu.memory_space<vmem>> -> memref<8x128xf32, #tpu.memory_space<vmem>>
    tpu.wait_dma2 semaphore(%arg13 : memref<!tpu.dma_semaphore, #tpu.memory_space<semaphore_mem>>) src(%dma_wait3A_570 : memref<8x128xf32, #tpu.memory_space<vmem>>) dst(%dma_wait3A_566 : memref<8x128xf32, #tpu.memory_space<hbm>>)
    %jit3A_571 = arith.constant 128 : i32
    %div3A_572 = arith.divsi %add3A_455, %jit3A_571 : i32
    %sign3A_573 = arith.constant 0 : i32
    %sign3A_574 = arith.cmpi sgt, %add3A_455, %sign3A_573 : i32
    %sign3A_575 = arith.extui %sign3A_574 : i1 to i32
    %sign3A_576 = arith.constant 0 : i32
    %sign3A_577 = arith.cmpi slt, %add3A_455, %sign3A_576 : i32
    %sign3A_578 = arith.extui %sign3A_577 : i1 to i32
    %sign3A_579 = arith.subi %sign3A_575, %sign3A_578 : i32
    %sign3A_580 = arith.constant 0 : i32
    %sign3A_581 = arith.cmpi sgt, %jit3A_571, %sign3A_580 : i32
    %sign3A_582 = arith.extui %sign3A_581 : i1 to i32
    %sign3A_583 = arith.constant 0 : i32
    %sign3A_584 = arith.cmpi slt, %jit3A_571, %sign3A_583 : i32
    %sign3A_585 = arith.extui %sign3A_584 : i1 to i32
    %sign3A_586 = arith.subi %sign3A_582, %sign3A_585 : i32
    %ne3A_587 = arith.cmpi ne, %sign3A_579, %sign3A_586 : i32
    %rem3A_588 = arith.remsi %add3A_455, %jit3A_571 : i32
    %ne3A_589 = arith.constant 0 : i32
    %ne3A_590 = arith.cmpi ne, %rem3A_588, %ne3A_589 : i32
    %and3A_591 = arith.andi %ne3A_587, %ne3A_590 : i1
    %sub3A_592 = arith.constant 1 : i32
    %sub3A_593 = arith.subi %div3A_572, %sub3A_592 : i32
    %select_n3A_594 = arith.select %and3A_591, %sub3A_593, %div3A_572 : i32
    %mul3A_595 = arith.constant 32 : i32
    %mul3A_596 = arith.muli %select_n3A_594, %mul3A_595 : i32
    %add3A_597 = arith.constant 16 : i32
    %add3A_598 = arith.addi %mul3A_596, %add3A_597 : i32
    %jit3A_599 = arith.constant 128 : i32
    %eq3A_600 = arith.constant 0 : i32
    %eq3A_601 = arith.cmpi eq, %jit3A_599, %eq3A_600 : i32
    %jit3A_602 = arith.constant 1 : i32
    %select_n3A_603 = arith.select %eq3A_601, %jit3A_602, %jit3A_599 : i32
    %rem3A_604 = arith.remsi %add3A_455, %select_n3A_603 : i32
    %ne3A_605 = arith.constant 0 : i32
    %ne3A_606 = arith.cmpi ne, %rem3A_604, %ne3A_605 : i32
    %lt3A_607 = arith.constant 0 : i32
    %lt3A_608 = arith.cmpi slt, %rem3A_604, %lt3A_607 : i32
    %lt3A_609 = arith.constant 0 : i32
    %lt3A_610 = arith.cmpi slt, %select_n3A_603, %lt3A_609 : i32
    %ne3A_611 = arith.xori %lt3A_608, %lt3A_610 : i1
    %and3A_612 = arith.andi %ne3A_611, %ne3A_606 : i1
    %add3A_613 = arith.addi %rem3A_604, %select_n3A_603 : i32
    %select_n3A_614 = arith.select %and3A_612, %add3A_613, %rem3A_604 : i32
    %mul3A_615 = arith.constant 128 : i32
    %mul3A_616 = arith.muli %select_n3A_614, %mul3A_615 : i32
    %dma_wait3A_617 = arith.constant 0 : i32
    %dma_wait3A_618 = arith.constant 16 : i32
    %dma_wait3A_619 = arith.constant 0 : i32
    %dma_wait3A_620 = tpu.memref_slice %arg10[%dma_wait3A_617, %dma_wait3A_618, %dma_wait3A_619] : memref<2x32x128xf32, #tpu.memory_space<vmem>> -> memref<1x8x128xf32, #tpu.memory_space<vmem>>
    %dma_wait3A_621 = tpu.memref_squeeze %dma_wait3A_620 : memref<1x8x128xf32, #tpu.memory_space<vmem>> -> memref<8x128xf32, #tpu.memory_space<vmem>>
    %dma_wait3A_622 = tpu.memref_reshape %arg5 : memref<26x32x16384xf32, #tpu.memory_space<hbm>> -> memref<832x16384xf32, #tpu.memory_space<hbm>>
    %dma_wait3A_623 = tpu.memref_slice %dma_wait3A_622[%add3A_598, %mul3A_616] : memref<832x16384xf32, #tpu.memory_space<hbm>> -> memref<8x128xf32, #tpu.memory_space<hbm>>
    %dma_wait3A_624 = tpu.memref_reshape %arg5 : memref<26x32x16384xf32, #tpu.memory_space<hbm>> -> memref<832x16384xf32, #tpu.memory_space<hbm>>
    %dma_wait3A_625 = tpu.memref_slice %dma_wait3A_624[%add3A_598, %mul3A_616] : memref<832x16384xf32, #tpu.memory_space<hbm>> -> memref<8x128xf32, #tpu.memory_space<hbm>>
    %dma_wait3A_626 = arith.constant 16 : i32
    %dma_wait3A_627 = arith.constant 0 : i32
    %dma_wait3A_628 = tpu.memref_slice %arg10[%dma_wait3A_617, %dma_wait3A_626, %dma_wait3A_627] : memref<2x32x128xf32, #tpu.memory_space<vmem>> -> memref<1x8x128xf32, #tpu.memory_space<vmem>>
    %dma_wait3A_629 = tpu.memref_squeeze %dma_wait3A_628 : memref<1x8x128xf32, #tpu.memory_space<vmem>> -> memref<8x128xf32, #tpu.memory_space<vmem>>
    tpu.wait_dma2 semaphore(%arg13 : memref<!tpu.dma_semaphore, #tpu.memory_space<semaphore_mem>>) src(%dma_wait3A_629 : memref<8x128xf32, #tpu.memory_space<vmem>>) dst(%dma_wait3A_625 : memref<8x128xf32, #tpu.memory_space<hbm>>)
    %jit3A_630 = arith.constant 128 : i32
    %div3A_631 = arith.divsi %add3A_455, %jit3A_630 : i32
    %sign3A_632 = arith.constant 0 : i32
    %sign3A_633 = arith.cmpi sgt, %add3A_455, %sign3A_632 : i32
    %sign3A_634 = arith.extui %sign3A_633 : i1 to i32
    %sign3A_635 = arith.constant 0 : i32
    %sign3A_636 = arith.cmpi slt, %add3A_455, %sign3A_635 : i32
    %sign3A_637 = arith.extui %sign3A_636 : i1 to i32
    %sign3A_638 = arith.subi %sign3A_634, %sign3A_637 : i32
    %sign3A_639 = arith.constant 0 : i32
    %sign3A_640 = arith.cmpi sgt, %jit3A_630, %sign3A_639 : i32
    %sign3A_641 = arith.extui %sign3A_640 : i1 to i32
    %sign3A_642 = arith.constant 0 : i32
    %sign3A_643 = arith.cmpi slt, %jit3A_630, %sign3A_642 : i32
    %sign3A_644 = arith.extui %sign3A_643 : i1 to i32
    %sign3A_645 = arith.subi %sign3A_641, %sign3A_644 : i32
    %ne3A_646 = arith.cmpi ne, %sign3A_638, %sign3A_645 : i32
    %rem3A_647 = arith.remsi %add3A_455, %jit3A_630 : i32
    %ne3A_648 = arith.constant 0 : i32
    %ne3A_649 = arith.cmpi ne, %rem3A_647, %ne3A_648 : i32
    %and3A_650 = arith.andi %ne3A_646, %ne3A_649 : i1
    %sub3A_651 = arith.constant 1 : i32
    %sub3A_652 = arith.subi %div3A_631, %sub3A_651 : i32
    %select_n3A_653 = arith.select %and3A_650, %sub3A_652, %div3A_631 : i32
    %mul3A_654 = arith.constant 32 : i32
    %mul3A_655 = arith.muli %select_n3A_653, %mul3A_654 : i32
    %add3A_656 = arith.constant 24 : i32
    %add3A_657 = arith.addi %mul3A_655, %add3A_656 : i32
    %jit3A_658 = arith.constant 128 : i32
    %eq3A_659 = arith.constant 0 : i32
    %eq3A_660 = arith.cmpi eq, %jit3A_658, %eq3A_659 : i32
    %jit3A_661 = arith.constant 1 : i32
    %select_n3A_662 = arith.select %eq3A_660, %jit3A_661, %jit3A_658 : i32
    %rem3A_663 = arith.remsi %add3A_455, %select_n3A_662 : i32
    %ne3A_664 = arith.constant 0 : i32
    %ne3A_665 = arith.cmpi ne, %rem3A_663, %ne3A_664 : i32
    %lt3A_666 = arith.constant 0 : i32
    %lt3A_667 = arith.cmpi slt, %rem3A_663, %lt3A_666 : i32
    %lt3A_668 = arith.constant 0 : i32
    %lt3A_669 = arith.cmpi slt, %select_n3A_662, %lt3A_668 : i32
    %ne3A_670 = arith.xori %lt3A_667, %lt3A_669 : i1
    %and3A_671 = arith.andi %ne3A_670, %ne3A_665 : i1
    %add3A_672 = arith.addi %rem3A_663, %select_n3A_662 : i32
    %select_n3A_673 = arith.select %and3A_671, %add3A_672, %rem3A_663 : i32
    %mul3A_674 = arith.constant 128 : i32
    %mul3A_675 = arith.muli %select_n3A_673, %mul3A_674 : i32
    %dma_wait3A_676 = arith.constant 0 : i32
    %dma_wait3A_677 = arith.constant 24 : i32
    %dma_wait3A_678 = arith.constant 0 : i32
    %dma_wait3A_679 = tpu.memref_slice %arg10[%dma_wait3A_676, %dma_wait3A_677, %dma_wait3A_678] : memref<2x32x128xf32, #tpu.memory_space<vmem>> -> memref<1x8x128xf32, #tpu.memory_space<vmem>>
    %dma_wait3A_680 = tpu.memref_squeeze %dma_wait3A_679 : memref<1x8x128xf32, #tpu.memory_space<vmem>> -> memref<8x128xf32, #tpu.memory_space<vmem>>
    %dma_wait3A_681 = tpu.memref_reshape %arg5 : memref<26x32x16384xf32, #tpu.memory_space<hbm>> -> memref<832x16384xf32, #tpu.memory_space<hbm>>
    %dma_wait3A_682 = tpu.memref_slice %dma_wait3A_681[%add3A_657, %mul3A_675] : memref<832x16384xf32, #tpu.memory_space<hbm>> -> memref<8x128xf32, #tpu.memory_space<hbm>>
    %dma_wait3A_683 = tpu.memref_reshape %arg5 : memref<26x32x16384xf32, #tpu.memory_space<hbm>> -> memref<832x16384xf32, #tpu.memory_space<hbm>>
    %dma_wait3A_684 = tpu.memref_slice %dma_wait3A_683[%add3A_657, %mul3A_675] : memref<832x16384xf32, #tpu.memory_space<hbm>> -> memref<8x128xf32, #tpu.memory_space<hbm>>
    %dma_wait3A_685 = arith.constant 24 : i32
    %dma_wait3A_686 = arith.constant 0 : i32
    %dma_wait3A_687 = tpu.memref_slice %arg10[%dma_wait3A_676, %dma_wait3A_685, %dma_wait3A_686] : memref<2x32x128xf32, #tpu.memory_space<vmem>> -> memref<1x8x128xf32, #tpu.memory_space<vmem>>
    %dma_wait3A_688 = tpu.memref_squeeze %dma_wait3A_687 : memref<1x8x128xf32, #tpu.memory_space<vmem>> -> memref<8x128xf32, #tpu.memory_space<vmem>>
    tpu.wait_dma2 semaphore(%arg13 : memref<!tpu.dma_semaphore, #tpu.memory_space<semaphore_mem>>) src(%dma_wait3A_688 : memref<8x128xf32, #tpu.memory_space<vmem>>) dst(%dma_wait3A_684 : memref<8x128xf32, #tpu.memory_space<hbm>>)
    %mul3A_689 = arith.constant 104 : i32
    %mul3A_690 = arith.muli %add3A, %mul3A_689 : i32
    %add3A_691 = arith.constant 103 : i32
    %add3A_692 = arith.addi %mul3A_690, %add3A_691 : i32
    %jit3A_693 = arith.constant 128 : i32
    %div3A_694 = arith.divsi %add3A_692, %jit3A_693 : i32
    %sign3A_695 = arith.constant 0 : i32
    %sign3A_696 = arith.cmpi sgt, %add3A_692, %sign3A_695 : i32
    %sign3A_697 = arith.extui %sign3A_696 : i1 to i32
    %sign3A_698 = arith.constant 0 : i32
    %sign3A_699 = arith.cmpi slt, %add3A_692, %sign3A_698 : i32
    %sign3A_700 = arith.extui %sign3A_699 : i1 to i32
    %sign3A_701 = arith.subi %sign3A_697, %sign3A_700 : i32
    %sign3A_702 = arith.constant 0 : i32
    %sign3A_703 = arith.cmpi sgt, %jit3A_693, %sign3A_702 : i32
    %sign3A_704 = arith.extui %sign3A_703 : i1 to i32
    %sign3A_705 = arith.constant 0 : i32
    %sign3A_706 = arith.cmpi slt, %jit3A_693, %sign3A_705 : i32
    %sign3A_707 = arith.extui %sign3A_706 : i1 to i32
    %sign3A_708 = arith.subi %sign3A_704, %sign3A_707 : i32
    %ne3A_709 = arith.cmpi ne, %sign3A_701, %sign3A_708 : i32
    %rem3A_710 = arith.remsi %add3A_692, %jit3A_693 : i32
    %ne3A_711 = arith.constant 0 : i32
    %ne3A_712 = arith.cmpi ne, %rem3A_710, %ne3A_711 : i32
    %and3A_713 = arith.andi %ne3A_709, %ne3A_712 : i1
    %sub3A_714 = arith.constant 1 : i32
    %sub3A_715 = arith.subi %div3A_694, %sub3A_714 : i32
    %select_n3A_716 = arith.select %and3A_713, %sub3A_715, %div3A_694 : i32
    %mul3A_717 = arith.constant 32 : i32
    %mul3A_718 = arith.muli %select_n3A_716, %mul3A_717 : i32
    %add3A_719 = arith.constant 0 : i32
    %add3A_720 = arith.addi %mul3A_718, %add3A_719 : i32
    %jit3A_721 = arith.constant 128 : i32
    %eq3A_722 = arith.constant 0 : i32
    %eq3A_723 = arith.cmpi eq, %jit3A_721, %eq3A_722 : i32
    %jit3A_724 = arith.constant 1 : i32
    %select_n3A_725 = arith.select %eq3A_723, %jit3A_724, %jit3A_721 : i32
    %rem3A_726 = arith.remsi %add3A_692, %select_n3A_725 : i32
    %ne3A_727 = arith.constant 0 : i32
    %ne3A_728 = arith.cmpi ne, %rem3A_726, %ne3A_727 : i32
    %lt3A_729 = arith.constant 0 : i32
    %lt3A_730 = arith.cmpi slt, %rem3A_726, %lt3A_729 : i32
    %lt3A_731 = arith.constant 0 : i32
    %lt3A_732 = arith.cmpi slt, %select_n3A_725, %lt3A_731 : i32
    %ne3A_733 = arith.xori %lt3A_730, %lt3A_732 : i1
    %and3A_734 = arith.andi %ne3A_733, %ne3A_728 : i1
    %add3A_735 = arith.addi %rem3A_726, %select_n3A_725 : i32
    %select_n3A_736 = arith.select %and3A_734, %add3A_735, %rem3A_726 : i32
    %mul3A_737 = arith.constant 128 : i32
    %mul3A_738 = arith.muli %select_n3A_736, %mul3A_737 : i32
    %dma_wait3A_739 = arith.constant 1 : i32
    %dma_wait3A_740 = arith.constant 0 : i32
    %dma_wait3A_741 = arith.constant 0 : i32
    %dma_wait3A_742 = tpu.memref_slice %arg10[%dma_wait3A_739, %dma_wait3A_740, %dma_wait3A_741] : memref<2x32x128xf32, #tpu.memory_space<vmem>> -> memref<1x8x128xf32, #tpu.memory_space<vmem>>
    %dma_wait3A_743 = tpu.memref_squeeze %dma_wait3A_742 : memref<1x8x128xf32, #tpu.memory_space<vmem>> -> memref<8x128xf32, #tpu.memory_space<vmem>>
    %dma_wait3A_744 = tpu.memref_reshape %arg5 : memref<26x32x16384xf32, #tpu.memory_space<hbm>> -> memref<832x16384xf32, #tpu.memory_space<hbm>>
    %dma_wait3A_745 = tpu.memref_slice %dma_wait3A_744[%add3A_720, %mul3A_738] : memref<832x16384xf32, #tpu.memory_space<hbm>> -> memref<8x128xf32, #tpu.memory_space<hbm>>
    %dma_wait3A_746 = tpu.memref_reshape %arg5 : memref<26x32x16384xf32, #tpu.memory_space<hbm>> -> memref<832x16384xf32, #tpu.memory_space<hbm>>
    %dma_wait3A_747 = tpu.memref_slice %dma_wait3A_746[%add3A_720, %mul3A_738] : memref<832x16384xf32, #tpu.memory_space<hbm>> -> memref<8x128xf32, #tpu.memory_space<hbm>>
    %dma_wait3A_748 = arith.constant 0 : i32
    %dma_wait3A_749 = arith.constant 0 : i32
    %dma_wait3A_750 = tpu.memref_slice %arg10[%dma_wait3A_739, %dma_wait3A_748, %dma_wait3A_749] : memref<2x32x128xf32, #tpu.memory_space<vmem>> -> memref<1x8x128xf32, #tpu.memory_space<vmem>>
    %dma_wait3A_751 = tpu.memref_squeeze %dma_wait3A_750 : memref<1x8x128xf32, #tpu.memory_space<vmem>> -> memref<8x128xf32, #tpu.memory_space<vmem>>
    tpu.wait_dma2 semaphore(%arg13 : memref<!tpu.dma_semaphore, #tpu.memory_space<semaphore_mem>>) src(%dma_wait3A_751 : memref<8x128xf32, #tpu.memory_space<vmem>>) dst(%dma_wait3A_747 : memref<8x128xf32, #tpu.memory_space<hbm>>)
    %jit3A_752 = arith.constant 128 : i32
    %div3A_753 = arith.divsi %add3A_692, %jit3A_752 : i32
    %sign3A_754 = arith.constant 0 : i32
    %sign3A_755 = arith.cmpi sgt, %add3A_692, %sign3A_754 : i32
    %sign3A_756 = arith.extui %sign3A_755 : i1 to i32
    %sign3A_757 = arith.constant 0 : i32
    %sign3A_758 = arith.cmpi slt, %add3A_692, %sign3A_757 : i32
    %sign3A_759 = arith.extui %sign3A_758 : i1 to i32
    %sign3A_760 = arith.subi %sign3A_756, %sign3A_759 : i32
    %sign3A_761 = arith.constant 0 : i32
    %sign3A_762 = arith.cmpi sgt, %jit3A_752, %sign3A_761 : i32
    %sign3A_763 = arith.extui %sign3A_762 : i1 to i32
    %sign3A_764 = arith.constant 0 : i32
    %sign3A_765 = arith.cmpi slt, %jit3A_752, %sign3A_764 : i32
    %sign3A_766 = arith.extui %sign3A_765 : i1 to i32
    %sign3A_767 = arith.subi %sign3A_763, %sign3A_766 : i32
    %ne3A_768 = arith.cmpi ne, %sign3A_760, %sign3A_767 : i32
    %rem3A_769 = arith.remsi %add3A_692, %jit3A_752 : i32
    %ne3A_770 = arith.constant 0 : i32
    %ne3A_771 = arith.cmpi ne, %rem3A_769, %ne3A_770 : i32
    %and3A_772 = arith.andi %ne3A_768, %ne3A_771 : i1
    %sub3A_773 = arith.constant 1 : i32
    %sub3A_774 = arith.subi %div3A_753, %sub3A_773 : i32
    %select_n3A_775 = arith.select %and3A_772, %sub3A_774, %div3A_753 : i32
    %mul3A_776 = arith.constant 32 : i32
    %mul3A_777 = arith.muli %select_n3A_775, %mul3A_776 : i32
    %add3A_778 = arith.constant 8 : i32
    %add3A_779 = arith.addi %mul3A_777, %add3A_778 : i32
    %jit3A_780 = arith.constant 128 : i32
    %eq3A_781 = arith.constant 0 : i32
    %eq3A_782 = arith.cmpi eq, %jit3A_780, %eq3A_781 : i32
    %jit3A_783 = arith.constant 1 : i32
    %select_n3A_784 = arith.select %eq3A_782, %jit3A_783, %jit3A_780 : i32
    %rem3A_785 = arith.remsi %add3A_692, %select_n3A_784 : i32
    %ne3A_786 = arith.constant 0 : i32
    %ne3A_787 = arith.cmpi ne, %rem3A_785, %ne3A_786 : i32
    %lt3A_788 = arith.constant 0 : i32
    %lt3A_789 = arith.cmpi slt, %rem3A_785, %lt3A_788 : i32
    %lt3A_790 = arith.constant 0 : i32
    %lt3A_791 = arith.cmpi slt, %select_n3A_784, %lt3A_790 : i32
    %ne3A_792 = arith.xori %lt3A_789, %lt3A_791 : i1
    %and3A_793 = arith.andi %ne3A_792, %ne3A_787 : i1
    %add3A_794 = arith.addi %rem3A_785, %select_n3A_784 : i32
    %select_n3A_795 = arith.select %and3A_793, %add3A_794, %rem3A_785 : i32
    %mul3A_796 = arith.constant 128 : i32
    %mul3A_797 = arith.muli %select_n3A_795, %mul3A_796 : i32
    %dma_wait3A_798 = arith.constant 1 : i32
    %dma_wait3A_799 = arith.constant 8 : i32
    %dma_wait3A_800 = arith.constant 0 : i32
    %dma_wait3A_801 = tpu.memref_slice %arg10[%dma_wait3A_798, %dma_wait3A_799, %dma_wait3A_800] : memref<2x32x128xf32, #tpu.memory_space<vmem>> -> memref<1x8x128xf32, #tpu.memory_space<vmem>>
    %dma_wait3A_802 = tpu.memref_squeeze %dma_wait3A_801 : memref<1x8x128xf32, #tpu.memory_space<vmem>> -> memref<8x128xf32, #tpu.memory_space<vmem>>
    %dma_wait3A_803 = tpu.memref_reshape %arg5 : memref<26x32x16384xf32, #tpu.memory_space<hbm>> -> memref<832x16384xf32, #tpu.memory_space<hbm>>
    %dma_wait3A_804 = tpu.memref_slice %dma_wait3A_803[%add3A_779, %mul3A_797] : memref<832x16384xf32, #tpu.memory_space<hbm>> -> memref<8x128xf32, #tpu.memory_space<hbm>>
    %dma_wait3A_805 = tpu.memref_reshape %arg5 : memref<26x32x16384xf32, #tpu.memory_space<hbm>> -> memref<832x16384xf32, #tpu.memory_space<hbm>>
    %dma_wait3A_806 = tpu.memref_slice %dma_wait3A_805[%add3A_779, %mul3A_797] : memref<832x16384xf32, #tpu.memory_space<hbm>> -> memref<8x128xf32, #tpu.memory_space<hbm>>
    %dma_wait3A_807 = arith.constant 8 : i32
    %dma_wait3A_808 = arith.constant 0 : i32
    %dma_wait3A_809 = tpu.memref_slice %arg10[%dma_wait3A_798, %dma_wait3A_807, %dma_wait3A_808] : memref<2x32x128xf32, #tpu.memory_space<vmem>> -> memref<1x8x128xf32, #tpu.memory_space<vmem>>
    %dma_wait3A_810 = tpu.memref_squeeze %dma_wait3A_809 : memref<1x8x128xf32, #tpu.memory_space<vmem>> -> memref<8x128xf32, #tpu.memory_space<vmem>>
    tpu.wait_dma2 semaphore(%arg13 : memref<!tpu.dma_semaphore, #tpu.memory_space<semaphore_mem>>) src(%dma_wait3A_810 : memref<8x128xf32, #tpu.memory_space<vmem>>) dst(%dma_wait3A_806 : memref<8x128xf32, #tpu.memory_space<hbm>>)
    %jit3A_811 = arith.constant 128 : i32
    %div3A_812 = arith.divsi %add3A_692, %jit3A_811 : i32
    %sign3A_813 = arith.constant 0 : i32
    %sign3A_814 = arith.cmpi sgt, %add3A_692, %sign3A_813 : i32
    %sign3A_815 = arith.extui %sign3A_814 : i1 to i32
    %sign3A_816 = arith.constant 0 : i32
    %sign3A_817 = arith.cmpi slt, %add3A_692, %sign3A_816 : i32
    %sign3A_818 = arith.extui %sign3A_817 : i1 to i32
    %sign3A_819 = arith.subi %sign3A_815, %sign3A_818 : i32
    %sign3A_820 = arith.constant 0 : i32
    %sign3A_821 = arith.cmpi sgt, %jit3A_811, %sign3A_820 : i32
    %sign3A_822 = arith.extui %sign3A_821 : i1 to i32
    %sign3A_823 = arith.constant 0 : i32
    %sign3A_824 = arith.cmpi slt, %jit3A_811, %sign3A_823 : i32
    %sign3A_825 = arith.extui %sign3A_824 : i1 to i32
    %sign3A_826 = arith.subi %sign3A_822, %sign3A_825 : i32
    %ne3A_827 = arith.cmpi ne, %sign3A_819, %sign3A_826 : i32
    %rem3A_828 = arith.remsi %add3A_692, %jit3A_811 : i32
    %ne3A_829 = arith.constant 0 : i32
    %ne3A_830 = arith.cmpi ne, %rem3A_828, %ne3A_829 : i32
    %and3A_831 = arith.andi %ne3A_827, %ne3A_830 : i1
    %sub3A_832 = arith.constant 1 : i32
    %sub3A_833 = arith.subi %div3A_812, %sub3A_832 : i32
    %select_n3A_834 = arith.select %and3A_831, %sub3A_833, %div3A_812 : i32
    %mul3A_835 = arith.constant 32 : i32
    %mul3A_836 = arith.muli %select_n3A_834, %mul3A_835 : i32
    %add3A_837 = arith.constant 16 : i32
    %add3A_838 = arith.addi %mul3A_836, %add3A_837 : i32
    %jit3A_839 = arith.constant 128 : i32
    %eq3A_840 = arith.constant 0 : i32
    %eq3A_841 = arith.cmpi eq, %jit3A_839, %eq3A_840 : i32
    %jit3A_842 = arith.constant 1 : i32
    %select_n3A_843 = arith.select %eq3A_841, %jit3A_842, %jit3A_839 : i32
    %rem3A_844 = arith.remsi %add3A_692, %select_n3A_843 : i32
    %ne3A_845 = arith.constant 0 : i32
    %ne3A_846 = arith.cmpi ne, %rem3A_844, %ne3A_845 : i32
    %lt3A_847 = arith.constant 0 : i32
    %lt3A_848 = arith.cmpi slt, %rem3A_844, %lt3A_847 : i32
    %lt3A_849 = arith.constant 0 : i32
    %lt3A_850 = arith.cmpi slt, %select_n3A_843, %lt3A_849 : i32
    %ne3A_851 = arith.xori %lt3A_848, %lt3A_850 : i1
    %and3A_852 = arith.andi %ne3A_851, %ne3A_846 : i1
    %add3A_853 = arith.addi %rem3A_844, %select_n3A_843 : i32
    %select_n3A_854 = arith.select %and3A_852, %add3A_853, %rem3A_844 : i32
    %mul3A_855 = arith.constant 128 : i32
    %mul3A_856 = arith.muli %select_n3A_854, %mul3A_855 : i32
    %dma_wait3A_857 = arith.constant 1 : i32
    %dma_wait3A_858 = arith.constant 16 : i32
    %dma_wait3A_859 = arith.constant 0 : i32
    %dma_wait3A_860 = tpu.memref_slice %arg10[%dma_wait3A_857, %dma_wait3A_858, %dma_wait3A_859] : memref<2x32x128xf32, #tpu.memory_space<vmem>> -> memref<1x8x128xf32, #tpu.memory_space<vmem>>
    %dma_wait3A_861 = tpu.memref_squeeze %dma_wait3A_860 : memref<1x8x128xf32, #tpu.memory_space<vmem>> -> memref<8x128xf32, #tpu.memory_space<vmem>>
    %dma_wait3A_862 = tpu.memref_reshape %arg5 : memref<26x32x16384xf32, #tpu.memory_space<hbm>> -> memref<832x16384xf32, #tpu.memory_space<hbm>>
    %dma_wait3A_863 = tpu.memref_slice %dma_wait3A_862[%add3A_838, %mul3A_856] : memref<832x16384xf32, #tpu.memory_space<hbm>> -> memref<8x128xf32, #tpu.memory_space<hbm>>
    %dma_wait3A_864 = tpu.memref_reshape %arg5 : memref<26x32x16384xf32, #tpu.memory_space<hbm>> -> memref<832x16384xf32, #tpu.memory_space<hbm>>
    %dma_wait3A_865 = tpu.memref_slice %dma_wait3A_864[%add3A_838, %mul3A_856] : memref<832x16384xf32, #tpu.memory_space<hbm>> -> memref<8x128xf32, #tpu.memory_space<hbm>>
    %dma_wait3A_866 = arith.constant 16 : i32
    %dma_wait3A_867 = arith.constant 0 : i32
    %dma_wait3A_868 = tpu.memref_slice %arg10[%dma_wait3A_857, %dma_wait3A_866, %dma_wait3A_867] : memref<2x32x128xf32, #tpu.memory_space<vmem>> -> memref<1x8x128xf32, #tpu.memory_space<vmem>>
    %dma_wait3A_869 = tpu.memref_squeeze %dma_wait3A_868 : memref<1x8x128xf32, #tpu.memory_space<vmem>> -> memref<8x128xf32, #tpu.memory_space<vmem>>
    tpu.wait_dma2 semaphore(%arg13 : memref<!tpu.dma_semaphore, #tpu.memory_space<semaphore_mem>>) src(%dma_wait3A_869 : memref<8x128xf32, #tpu.memory_space<vmem>>) dst(%dma_wait3A_865 : memref<8x128xf32, #tpu.memory_space<hbm>>)
    %jit3A_870 = arith.constant 128 : i32
    %div3A_871 = arith.divsi %add3A_692, %jit3A_870 : i32
    %sign3A_872 = arith.constant 0 : i32
    %sign3A_873 = arith.cmpi sgt, %add3A_692, %sign3A_872 : i32
    %sign3A_874 = arith.extui %sign3A_873 : i1 to i32
    %sign3A_875 = arith.constant 0 : i32
    %sign3A_876 = arith.cmpi slt, %add3A_692, %sign3A_875 : i32
    %sign3A_877 = arith.extui %sign3A_876 : i1 to i32
    %sign3A_878 = arith.subi %sign3A_874, %sign3A_877 : i32
    %sign3A_879 = arith.constant 0 : i32
    %sign3A_880 = arith.cmpi sgt, %jit3A_870, %sign3A_879 : i32
    %sign3A_881 = arith.extui %sign3A_880 : i1 to i32
    %sign3A_882 = arith.constant 0 : i32
    %sign3A_883 = arith.cmpi slt, %jit3A_870, %sign3A_882 : i32
    %sign3A_884 = arith.extui %sign3A_883 : i1 to i32
    %sign3A_885 = arith.subi %sign3A_881, %sign3A_884 : i32
    %ne3A_886 = arith.cmpi ne, %sign3A_878, %sign3A_885 : i32
    %rem3A_887 = arith.remsi %add3A_692, %jit3A_870 : i32
    %ne3A_888 = arith.constant 0 : i32
    %ne3A_889 = arith.cmpi ne, %rem3A_887, %ne3A_888 : i32
    %and3A_890 = arith.andi %ne3A_886, %ne3A_889 : i1
    %sub3A_891 = arith.constant 1 : i32
    %sub3A_892 = arith.subi %div3A_871, %sub3A_891 : i32
    %select_n3A_893 = arith.select %and3A_890, %sub3A_892, %div3A_871 : i32
    %mul3A_894 = arith.constant 32 : i32
    %mul3A_895 = arith.muli %select_n3A_893, %mul3A_894 : i32
    %add3A_896 = arith.constant 24 : i32
    %add3A_897 = arith.addi %mul3A_895, %add3A_896 : i32
    %jit3A_898 = arith.constant 128 : i32
    %eq3A_899 = arith.constant 0 : i32
    %eq3A_900 = arith.cmpi eq, %jit3A_898, %eq3A_899 : i32
    %jit3A_901 = arith.constant 1 : i32
    %select_n3A_902 = arith.select %eq3A_900, %jit3A_901, %jit3A_898 : i32
    %rem3A_903 = arith.remsi %add3A_692, %select_n3A_902 : i32
    %ne3A_904 = arith.constant 0 : i32
    %ne3A_905 = arith.cmpi ne, %rem3A_903, %ne3A_904 : i32
    %lt3A_906 = arith.constant 0 : i32
    %lt3A_907 = arith.cmpi slt, %rem3A_903, %lt3A_906 : i32
    %lt3A_908 = arith.constant 0 : i32
    %lt3A_909 = arith.cmpi slt, %select_n3A_902, %lt3A_908 : i32
    %ne3A_910 = arith.xori %lt3A_907, %lt3A_909 : i1
    %and3A_911 = arith.andi %ne3A_910, %ne3A_905 : i1
    %add3A_912 = arith.addi %rem3A_903, %select_n3A_902 : i32
    %select_n3A_913 = arith.select %and3A_911, %add3A_912, %rem3A_903 : i32
    %mul3A_914 = arith.constant 128 : i32
    %mul3A_915 = arith.muli %select_n3A_913, %mul3A_914 : i32
    %dma_wait3A_916 = arith.constant 1 : i32
    %dma_wait3A_917 = arith.constant 24 : i32
    %dma_wait3A_918 = arith.constant 0 : i32
    %dma_wait3A_919 = tpu.memref_slice %arg10[%dma_wait3A_916, %dma_wait3A_917, %dma_wait3A_918] : memref<2x32x128xf32, #tpu.memory_space<vmem>> -> memref<1x8x128xf32, #tpu.memory_space<vmem>>
    %dma_wait3A_920 = tpu.memref_squeeze %dma_wait3A_919 : memref<1x8x128xf32, #tpu.memory_space<vmem>> -> memref<8x128xf32, #tpu.memory_space<vmem>>
    %dma_wait3A_921 = tpu.memref_reshape %arg5 : memref<26x32x16384xf32, #tpu.memory_space<hbm>> -> memref<832x16384xf32, #tpu.memory_space<hbm>>
    %dma_wait3A_922 = tpu.memref_slice %dma_wait3A_921[%add3A_897, %mul3A_915] : memref<832x16384xf32, #tpu.memory_space<hbm>> -> memref<8x128xf32, #tpu.memory_space<hbm>>
    %dma_wait3A_923 = tpu.memref_reshape %arg5 : memref<26x32x16384xf32, #tpu.memory_space<hbm>> -> memref<832x16384xf32, #tpu.memory_space<hbm>>
    %dma_wait3A_924 = tpu.memref_slice %dma_wait3A_923[%add3A_897, %mul3A_915] : memref<832x16384xf32, #tpu.memory_space<hbm>> -> memref<8x128xf32, #tpu.memory_space<hbm>>
    %dma_wait3A_925 = arith.constant 24 : i32
    %dma_wait3A_926 = arith.constant 0 : i32
    %dma_wait3A_927 = tpu.memref_slice %arg10[%dma_wait3A_916, %dma_wait3A_925, %dma_wait3A_926] : memref<2x32x128xf32, #tpu.memory_space<vmem>> -> memref<1x8x128xf32, #tpu.memory_space<vmem>>
    %dma_wait3A_928 = tpu.memref_squeeze %dma_wait3A_927 : memref<1x8x128xf32, #tpu.memory_space<vmem>> -> memref<8x128xf32, #tpu.memory_space<vmem>>
    tpu.wait_dma2 semaphore(%arg13 : memref<!tpu.dma_semaphore, #tpu.memory_space<semaphore_mem>>) src(%dma_wait3A_928 : memref<8x128xf32, #tpu.memory_space<vmem>>) dst(%dma_wait3A_924 : memref<8x128xf32, #tpu.memory_space<hbm>>)
    return
  }
}

#map = affine_map<(d0, d1) -> (0, 0)>
module attributes {stable_mosaic.version = 14 : i64} {
  func.func @_pack_body(%arg0: i32, %arg1: i32, %arg2: memref<32x2600000xf32, #tpu.memory_space<hbm>>, %arg3: memref<650016x128xf32, #tpu.memory_space<hbm>>, %arg4: memref<2x32x128xf32, #tpu.memory_space<vmem>>, %arg5: memref<2x32x128xf32, #tpu.memory_space<vmem>>, %arg6: memref<!tpu.dma_semaphore, #tpu.memory_space<semaphore_mem>>, %arg7: memref<!tpu.dma_semaphore, #tpu.memory_space<semaphore_mem>>) attributes {dimension_semantics = [#tpu.dimension_semantics<core_parallel>, #tpu.dimension_semantics<subcore_parallel>], iteration_bounds = array<i64: 2, 16>, scalar_prefetch = 0 : i64, scratch_operands = 4 : i64, tpu.core_type = #tpu.core_type<sc_vector_subcore>, window_params = [{transform_indices = #map}, {transform_indices = #map}]} {
    %mul3A = arith.constant 2 : i32
    %mul3A_0 = arith.muli %arg1, %mul3A : i32
    %add3A = arith.addi %mul3A_0, %arg0 : i32
    %mul3A_1 = arith.constant 635 : i32
    %mul3A_2 = arith.muli %add3A, %mul3A_1 : i32
    %iota3A = tpu.iota {dimensions = array<i32: 0>} : vector<16xi32>
    %add3A_3 = arith.constant 0 : i32
    %add3A_4 = arith.addi %mul3A_2, %add3A_3 : i32
    %mul3A_5 = arith.constant 1 : i32
    %mul3A_6 = arith.muli %add3A_4, %mul3A_5 : i32
    %min3A = arith.constant 20312 : i32
    %min3A_7 = arith.minsi %mul3A_6, %min3A : i32
    %mul3A_8 = arith.constant 128 : i32
    %mul3A_9 = arith.muli %min3A_7, %mul3A_8 : i32
    %dma_start3A = arith.constant 0 : i32
    %dma_start3A_10 = arith.constant 0 : i32
    %dma_start3A_11 = arith.constant 0 : i32
    %dma_start3A_12 = tpu.memref_slice %arg4[%dma_start3A, %dma_start3A_10, %dma_start3A_11] : memref<2x32x128xf32, #tpu.memory_space<vmem>> -> memref<1x32x128xf32, #tpu.memory_space<vmem>>
    %dma_start3A_13 = tpu.memref_squeeze %dma_start3A_12 : memref<1x32x128xf32, #tpu.memory_space<vmem>> -> memref<32x128xf32, #tpu.memory_space<vmem>>
    %dma_start3A_14 = arith.constant 0 : i32
    %dma_start3A_15 = tpu.memref_slice %arg2[%dma_start3A_14, %mul3A_9] : memref<32x2600000xf32, #tpu.memory_space<hbm>> -> memref<32x128xf32, #tpu.memory_space<hbm>>
    %dma_start3A_16 = arith.constant 0 : i32
    %dma_start3A_17 = arith.constant 0 : i32
    %dma_start3A_18 = tpu.memref_slice %arg4[%dma_start3A, %dma_start3A_16, %dma_start3A_17] : memref<2x32x128xf32, #tpu.memory_space<vmem>> -> memref<1x32x128xf32, #tpu.memory_space<vmem>>
    %dma_start3A_19 = tpu.memref_squeeze %dma_start3A_18 : memref<1x32x128xf32, #tpu.memory_space<vmem>> -> memref<32x128xf32, #tpu.memory_space<vmem>>
    %dma_start3A_20 = arith.constant 0 : i32
    %dma_start3A_21 = tpu.memref_slice %arg2[%dma_start3A_20, %mul3A_9] : memref<32x2600000xf32, #tpu.memory_space<hbm>> -> memref<32x128xf32, #tpu.memory_space<hbm>>
    tpu.enqueue_dma source(%dma_start3A_21 : memref<32x128xf32, #tpu.memory_space<hbm>>) target(%dma_start3A_19 : memref<32x128xf32, #tpu.memory_space<vmem>>) target_semaphore(%arg6 : memref<!tpu.dma_semaphore, #tpu.memory_space<semaphore_mem>>)
    %add3A_22 = arith.constant 1 : i32
    %add3A_23 = arith.addi %mul3A_2, %add3A_22 : i32
    %mul3A_24 = arith.constant 1 : i32
    %mul3A_25 = arith.muli %add3A_23, %mul3A_24 : i32
    %min3A_26 = arith.constant 20312 : i32
    %min3A_27 = arith.minsi %mul3A_25, %min3A_26 : i32
    %mul3A_28 = arith.constant 128 : i32
    %mul3A_29 = arith.muli %min3A_27, %mul3A_28 : i32
    %dma_start3A_30 = arith.constant 1 : i32
    %dma_start3A_31 = arith.constant 0 : i32
    %dma_start3A_32 = arith.constant 0 : i32
    %dma_start3A_33 = tpu.memref_slice %arg4[%dma_start3A_30, %dma_start3A_31, %dma_start3A_32] : memref<2x32x128xf32, #tpu.memory_space<vmem>> -> memref<1x32x128xf32, #tpu.memory_space<vmem>>
    %dma_start3A_34 = tpu.memref_squeeze %dma_start3A_33 : memref<1x32x128xf32, #tpu.memory_space<vmem>> -> memref<32x128xf32, #tpu.memory_space<vmem>>
    %dma_start3A_35 = arith.constant 0 : i32
    %dma_start3A_36 = tpu.memref_slice %arg2[%dma_start3A_35, %mul3A_29] : memref<32x2600000xf32, #tpu.memory_space<hbm>> -> memref<32x128xf32, #tpu.memory_space<hbm>>
    %dma_start3A_37 = arith.constant 0 : i32
    %dma_start3A_38 = arith.constant 0 : i32
    %dma_start3A_39 = tpu.memref_slice %arg4[%dma_start3A_30, %dma_start3A_37, %dma_start3A_38] : memref<2x32x128xf32, #tpu.memory_space<vmem>> -> memref<1x32x128xf32, #tpu.memory_space<vmem>>
    %dma_start3A_40 = tpu.memref_squeeze %dma_start3A_39 : memref<1x32x128xf32, #tpu.memory_space<vmem>> -> memref<32x128xf32, #tpu.memory_space<vmem>>
    %dma_start3A_41 = arith.constant 0 : i32
    %dma_start3A_42 = tpu.memref_slice %arg2[%dma_start3A_41, %mul3A_29] : memref<32x2600000xf32, #tpu.memory_space<hbm>> -> memref<32x128xf32, #tpu.memory_space<hbm>>
    tpu.enqueue_dma source(%dma_start3A_42 : memref<32x128xf32, #tpu.memory_space<hbm>>) target(%dma_start3A_40 : memref<32x128xf32, #tpu.memory_space<vmem>>) target_semaphore(%arg6 : memref<!tpu.dma_semaphore, #tpu.memory_space<semaphore_mem>>)
    %scan3A = arith.constant 0 : i32
    %scan3A_43 = arith.constant 0 : i32
    %scan3A_44 = arith.constant 635 : i32
    %scan3A_45 = arith.addi %scan3A_43, %scan3A_44 : i32
    %scan3A_46 = arith.constant 1 : i32
    scf.for %scan3A_89 = %scan3A_43 to %scan3A_45 step %scan3A_46  : i32 {
      %and3A = arith.constant 1 : i32
      %and3A_90 = arith.andi %scan3A_89, %and3A : i32
      %add3A_91 = arith.addi %mul3A_2, %scan3A_89 : i32
      %mul3A_92 = arith.constant 1 : i32
      %mul3A_93 = arith.muli %add3A_91, %mul3A_92 : i32
      %min3A_94 = arith.constant 20312 : i32
      %min3A_95 = arith.minsi %mul3A_93, %min3A_94 : i32
      %mul3A_96 = arith.constant 128 : i32
      %mul3A_97 = arith.muli %min3A_95, %mul3A_96 : i32
      %dma_wait3A_98 = arith.constant 0 : i32
      %dma_wait3A_99 = arith.constant 0 : i32
      %dma_wait3A_100 = tpu.memref_slice %arg4[%and3A_90, %dma_wait3A_98, %dma_wait3A_99] : memref<2x32x128xf32, #tpu.memory_space<vmem>> -> memref<1x32x128xf32, #tpu.memory_space<vmem>>
      %dma_wait3A_101 = tpu.memref_squeeze %dma_wait3A_100 : memref<1x32x128xf32, #tpu.memory_space<vmem>> -> memref<32x128xf32, #tpu.memory_space<vmem>>
      %dma_wait3A_102 = arith.constant 0 : i32
      %dma_wait3A_103 = tpu.memref_slice %arg2[%dma_wait3A_102, %mul3A_97] : memref<32x2600000xf32, #tpu.memory_space<hbm>> -> memref<32x128xf32, #tpu.memory_space<hbm>>
      %dma_wait3A_104 = arith.constant 0 : i32
      %dma_wait3A_105 = arith.constant 0 : i32
      %dma_wait3A_106 = tpu.memref_slice %arg4[%and3A_90, %dma_wait3A_104, %dma_wait3A_105] : memref<2x32x128xf32, #tpu.memory_space<vmem>> -> memref<1x32x128xf32, #tpu.memory_space<vmem>>
      %dma_wait3A_107 = tpu.memref_squeeze %dma_wait3A_106 : memref<1x32x128xf32, #tpu.memory_space<vmem>> -> memref<32x128xf32, #tpu.memory_space<vmem>>
      %dma_wait3A_108 = arith.constant 0 : i32
      %dma_wait3A_109 = tpu.memref_slice %arg2[%dma_wait3A_108, %mul3A_97] : memref<32x2600000xf32, #tpu.memory_space<hbm>> -> memref<32x128xf32, #tpu.memory_space<hbm>>
      tpu.wait_dma2 semaphore(%arg6 : memref<!tpu.dma_semaphore, #tpu.memory_space<semaphore_mem>>) src(%dma_wait3A_109 : memref<32x128xf32, #tpu.memory_space<hbm>>) dst(%dma_wait3A_107 : memref<32x128xf32, #tpu.memory_space<vmem>>)
      %broadcast_in_dim3A = vector.broadcast %and3A_90 : i32 to vector<16xi32>
      %parallel_loop3A = arith.constant 0 : i32
      %parallel_loop3A_110 = arith.constant 32 : i32
      %parallel_loop3A_111 = arith.constant 1 : i32
      scf.for %parallel_loop3A_141 = %parallel_loop3A to %parallel_loop3A_110 step %parallel_loop3A_111  : i32 {
        %parallel_loop3A_142 = arith.constant 0 : i32
        %parallel_loop3A_143 = vector.broadcast %parallel_loop3A_142 : i32 to vector<16xi32>
        %parallel_loop3A_144 = arith.addi %iota3A, %parallel_loop3A_143 : vector<16xi32>
        %parallel_loop3A_145 = arith.constant 4 : i32
        %parallel_loop3A_146 = arith.muli %parallel_loop3A_145, %parallel_loop3A_141 : i32
        %parallel_loop3A_147 = arith.constant 0 : i32
        %parallel_loop3A_148 = arith.addi %parallel_loop3A_146, %parallel_loop3A_147 : i32
        %parallel_loop3A_149 = vector.broadcast %parallel_loop3A_148 : i32 to vector<16xi32>
        %parallel_loop3A_150 = tpu.vector_load_idx %arg4[%broadcast_in_dim3A, %parallel_loop3A_144, %parallel_loop3A_149] : memref<2x32x128xf32, #tpu.memory_space<vmem>>[vector<16xi32>, vector<16xi32>, vector<16xi32>], vector<16xf32>,
        %parallel_loop3A_151 = arith.index_cast %and3A_90 : i32 to index
        %parallel_loop3A_152 = arith.index_cast %parallel_loop3A_141 : i32 to index
        %parallel_loop3A_153 = arith.constant 0 : index
        %parallel_loop3A_154 = tpu.vector_load %arg5[%parallel_loop3A_151, %parallel_loop3A_152, %parallel_loop3A_153] {strides = array<i32>} : memref<2x32x128xf32, #tpu.memory_space<vmem>>, vector<16xf32>,
        tpu.vector_store %arg5[%parallel_loop3A_151, %parallel_loop3A_152, %parallel_loop3A_153], %parallel_loop3A_150 {strides = array<i32>} : memref<2x32x128xf32, #tpu.memory_space<vmem>>, vector<16xf32>,
        %parallel_loop3A_155 = arith.constant 16 : i32
        %parallel_loop3A_156 = vector.broadcast %parallel_loop3A_155 : i32 to vector<16xi32>
        %parallel_loop3A_157 = arith.addi %iota3A, %parallel_loop3A_156 : vector<16xi32>
        %parallel_loop3A_158 = arith.constant 4 : i32
        %parallel_loop3A_159 = arith.muli %parallel_loop3A_158, %parallel_loop3A_141 : i32
        %parallel_loop3A_160 = arith.constant 0 : i32
        %parallel_loop3A_161 = arith.addi %parallel_loop3A_159, %parallel_loop3A_160 : i32
        %parallel_loop3A_162 = vector.broadcast %parallel_loop3A_161 : i32 to vector<16xi32>
        %parallel_loop3A_163 = tpu.vector_load_idx %arg4[%broadcast_in_dim3A, %parallel_loop3A_157, %parallel_loop3A_162] : memref<2x32x128xf32, #tpu.memory_space<vmem>>[vector<16xi32>, vector<16xi32>, vector<16xi32>], vector<16xf32>,
        %parallel_loop3A_164 = arith.index_cast %and3A_90 : i32 to index
        %parallel_loop3A_165 = arith.index_cast %parallel_loop3A_141 : i32 to index
        %parallel_loop3A_166 = arith.constant 16 : index
        %parallel_loop3A_167 = tpu.vector_load %arg5[%parallel_loop3A_164, %parallel_loop3A_165, %parallel_loop3A_166] {strides = array<i32>} : memref<2x32x128xf32, #tpu.memory_space<vmem>>, vector<16xf32>,
        tpu.vector_store %arg5[%parallel_loop3A_164, %parallel_loop3A_165, %parallel_loop3A_166], %parallel_loop3A_163 {strides = array<i32>} : memref<2x32x128xf32, #tpu.memory_space<vmem>>, vector<16xf32>,
        %parallel_loop3A_168 = arith.constant 0 : i32
        %parallel_loop3A_169 = vector.broadcast %parallel_loop3A_168 : i32 to vector<16xi32>
        %parallel_loop3A_170 = arith.addi %iota3A, %parallel_loop3A_169 : vector<16xi32>
        %parallel_loop3A_171 = arith.constant 4 : i32
        %parallel_loop3A_172 = arith.muli %parallel_loop3A_171, %parallel_loop3A_141 : i32
        %parallel_loop3A_173 = arith.constant 1 : i32
        %parallel_loop3A_174 = arith.addi %parallel_loop3A_172, %parallel_loop3A_173 : i32
        %parallel_loop3A_175 = vector.broadcast %parallel_loop3A_174 : i32 to vector<16xi32>
        %parallel_loop3A_176 = tpu.vector_load_idx %arg4[%broadcast_in_dim3A, %parallel_loop3A_170, %parallel_loop3A_175] : memref<2x32x128xf32, #tpu.memory_space<vmem>>[vector<16xi32>, vector<16xi32>, vector<16xi32>], vector<16xf32>,
        %parallel_loop3A_177 = arith.index_cast %and3A_90 : i32 to index
        %parallel_loop3A_178 = arith.index_cast %parallel_loop3A_141 : i32 to index
        %parallel_loop3A_179 = arith.constant 32 : index
        %parallel_loop3A_180 = tpu.vector_load %arg5[%parallel_loop3A_177, %parallel_loop3A_178, %parallel_loop3A_179] {strides = array<i32>} : memref<2x32x128xf32, #tpu.memory_space<vmem>>, vector<16xf32>,
        tpu.vector_store %arg5[%parallel_loop3A_177, %parallel_loop3A_178, %parallel_loop3A_179], %parallel_loop3A_176 {strides = array<i32>} : memref<2x32x128xf32, #tpu.memory_space<vmem>>, vector<16xf32>,
        %parallel_loop3A_181 = arith.constant 16 : i32
        %parallel_loop3A_182 = vector.broadcast %parallel_loop3A_181 : i32 to vector<16xi32>
        %parallel_loop3A_183 = arith.addi %iota3A, %parallel_loop3A_182 : vector<16xi32>
        %parallel_loop3A_184 = arith.constant 4 : i32
        %parallel_loop3A_185 = arith.muli %parallel_loop3A_184, %parallel_loop3A_141 : i32
        %parallel_loop3A_186 = arith.constant 1 : i32
        %parallel_loop3A_187 = arith.addi %parallel_loop3A_185, %parallel_loop3A_186 : i32
        %parallel_loop3A_188 = vector.broadcast %parallel_loop3A_187 : i32 to vector<16xi32>
        %parallel_loop3A_189 = tpu.vector_load_idx %arg4[%broadcast_in_dim3A, %parallel_loop3A_183, %parallel_loop3A_188] : memref<2x32x128xf32, #tpu.memory_space<vmem>>[vector<16xi32>, vector<16xi32>, vector<16xi32>], vector<16xf32>,
        %parallel_loop3A_190 = arith.index_cast %and3A_90 : i32 to index
        %parallel_loop3A_191 = arith.index_cast %parallel_loop3A_141 : i32 to index
        %parallel_loop3A_192 = arith.constant 48 : index
        %parallel_loop3A_193 = tpu.vector_load %arg5[%parallel_loop3A_190, %parallel_loop3A_191, %parallel_loop3A_192] {strides = array<i32>} : memref<2x32x128xf32, #tpu.memory_space<vmem>>, vector<16xf32>,
        tpu.vector_store %arg5[%parallel_loop3A_190, %parallel_loop3A_191, %parallel_loop3A_192], %parallel_loop3A_189 {strides = array<i32>} : memref<2x32x128xf32, #tpu.memory_space<vmem>>, vector<16xf32>,
        %parallel_loop3A_194 = arith.constant 0 : i32
        %parallel_loop3A_195 = vector.broadcast %parallel_loop3A_194 : i32 to vector<16xi32>
        %parallel_loop3A_196 = arith.addi %iota3A, %parallel_loop3A_195 : vector<16xi32>
        %parallel_loop3A_197 = arith.constant 4 : i32
        %parallel_loop3A_198 = arith.muli %parallel_loop3A_197, %parallel_loop3A_141 : i32
        %parallel_loop3A_199 = arith.constant 2 : i32
        %parallel_loop3A_200 = arith.addi %parallel_loop3A_198, %parallel_loop3A_199 : i32
        %parallel_loop3A_201 = vector.broadcast %parallel_loop3A_200 : i32 to vector<16xi32>
        %parallel_loop3A_202 = tpu.vector_load_idx %arg4[%broadcast_in_dim3A, %parallel_loop3A_196, %parallel_loop3A_201] : memref<2x32x128xf32, #tpu.memory_space<vmem>>[vector<16xi32>, vector<16xi32>, vector<16xi32>], vector<16xf32>,
        %parallel_loop3A_203 = arith.index_cast %and3A_90 : i32 to index
        %parallel_loop3A_204 = arith.index_cast %parallel_loop3A_141 : i32 to index
        %parallel_loop3A_205 = arith.constant 64 : index
        %parallel_loop3A_206 = tpu.vector_load %arg5[%parallel_loop3A_203, %parallel_loop3A_204, %parallel_loop3A_205] {strides = array<i32>} : memref<2x32x128xf32, #tpu.memory_space<vmem>>, vector<16xf32>,
        tpu.vector_store %arg5[%parallel_loop3A_203, %parallel_loop3A_204, %parallel_loop3A_205], %parallel_loop3A_202 {strides = array<i32>} : memref<2x32x128xf32, #tpu.memory_space<vmem>>, vector<16xf32>,
        %parallel_loop3A_207 = arith.constant 16 : i32
        %parallel_loop3A_208 = vector.broadcast %parallel_loop3A_207 : i32 to vector<16xi32>
        %parallel_loop3A_209 = arith.addi %iota3A, %parallel_loop3A_208 : vector<16xi32>
        %parallel_loop3A_210 = arith.constant 4 : i32
        %parallel_loop3A_211 = arith.muli %parallel_loop3A_210, %parallel_loop3A_141 : i32
        %parallel_loop3A_212 = arith.constant 2 : i32
        %parallel_loop3A_213 = arith.addi %parallel_loop3A_211, %parallel_loop3A_212 : i32
        %parallel_loop3A_214 = vector.broadcast %parallel_loop3A_213 : i32 to vector<16xi32>
        %parallel_loop3A_215 = tpu.vector_load_idx %arg4[%broadcast_in_dim3A, %parallel_loop3A_209, %parallel_loop3A_214] : memref<2x32x128xf32, #tpu.memory_space<vmem>>[vector<16xi32>, vector<16xi32>, vector<16xi32>], vector<16xf32>,
        %parallel_loop3A_216 = arith.index_cast %and3A_90 : i32 to index
        %parallel_loop3A_217 = arith.index_cast %parallel_loop3A_141 : i32 to index
        %parallel_loop3A_218 = arith.constant 80 : index
        %parallel_loop3A_219 = tpu.vector_load %arg5[%parallel_loop3A_216, %parallel_loop3A_217, %parallel_loop3A_218] {strides = array<i32>} : memref<2x32x128xf32, #tpu.memory_space<vmem>>, vector<16xf32>,
        tpu.vector_store %arg5[%parallel_loop3A_216, %parallel_loop3A_217, %parallel_loop3A_218], %parallel_loop3A_215 {strides = array<i32>} : memref<2x32x128xf32, #tpu.memory_space<vmem>>, vector<16xf32>,
        %parallel_loop3A_220 = arith.constant 0 : i32
        %parallel_loop3A_221 = vector.broadcast %parallel_loop3A_220 : i32 to vector<16xi32>
        %parallel_loop3A_222 = arith.addi %iota3A, %parallel_loop3A_221 : vector<16xi32>
        %parallel_loop3A_223 = arith.constant 4 : i32
        %parallel_loop3A_224 = arith.muli %parallel_loop3A_223, %parallel_loop3A_141 : i32
        %parallel_loop3A_225 = arith.constant 3 : i32
        %parallel_loop3A_226 = arith.addi %parallel_loop3A_224, %parallel_loop3A_225 : i32
        %parallel_loop3A_227 = vector.broadcast %parallel_loop3A_226 : i32 to vector<16xi32>
        %parallel_loop3A_228 = tpu.vector_load_idx %arg4[%broadcast_in_dim3A, %parallel_loop3A_222, %parallel_loop3A_227] : memref<2x32x128xf32, #tpu.memory_space<vmem>>[vector<16xi32>, vector<16xi32>, vector<16xi32>], vector<16xf32>,
        %parallel_loop3A_229 = arith.index_cast %and3A_90 : i32 to index
        %parallel_loop3A_230 = arith.index_cast %parallel_loop3A_141 : i32 to index
        %parallel_loop3A_231 = arith.constant 96 : index
        %parallel_loop3A_232 = tpu.vector_load %arg5[%parallel_loop3A_229, %parallel_loop3A_230, %parallel_loop3A_231] {strides = array<i32>} : memref<2x32x128xf32, #tpu.memory_space<vmem>>, vector<16xf32>,
        tpu.vector_store %arg5[%parallel_loop3A_229, %parallel_loop3A_230, %parallel_loop3A_231], %parallel_loop3A_228 {strides = array<i32>} : memref<2x32x128xf32, #tpu.memory_space<vmem>>, vector<16xf32>,
        %parallel_loop3A_233 = arith.constant 16 : i32
        %parallel_loop3A_234 = vector.broadcast %parallel_loop3A_233 : i32 to vector<16xi32>
        %parallel_loop3A_235 = arith.addi %iota3A, %parallel_loop3A_234 : vector<16xi32>
        %parallel_loop3A_236 = arith.constant 4 : i32
        %parallel_loop3A_237 = arith.muli %parallel_loop3A_236, %parallel_loop3A_141 : i32
        %parallel_loop3A_238 = arith.constant 3 : i32
        %parallel_loop3A_239 = arith.addi %parallel_loop3A_237, %parallel_loop3A_238 : i32
        %parallel_loop3A_240 = vector.broadcast %parallel_loop3A_239 : i32 to vector<16xi32>
        %parallel_loop3A_241 = tpu.vector_load_idx %arg4[%broadcast_in_dim3A, %parallel_loop3A_235, %parallel_loop3A_240] : memref<2x32x128xf32, #tpu.memory_space<vmem>>[vector<16xi32>, vector<16xi32>, vector<16xi32>], vector<16xf32>,
        %parallel_loop3A_242 = arith.index_cast %and3A_90 : i32 to index
        %parallel_loop3A_243 = arith.index_cast %parallel_loop3A_141 : i32 to index
        %parallel_loop3A_244 = arith.constant 112 : index
        %parallel_loop3A_245 = tpu.vector_load %arg5[%parallel_loop3A_242, %parallel_loop3A_243, %parallel_loop3A_244] {strides = array<i32>} : memref<2x32x128xf32, #tpu.memory_space<vmem>>, vector<16xf32>,
        tpu.vector_store %arg5[%parallel_loop3A_242, %parallel_loop3A_243, %parallel_loop3A_244], %parallel_loop3A_241 {strides = array<i32>} : memref<2x32x128xf32, #tpu.memory_space<vmem>>, vector<16xf32>,
      } {sc.loop_unroll_factor = 4 : i64, sc.parallel_access}
      %ge3A = arith.constant 2 : i32
      %ge3A_112 = arith.cmpi sge, %scan3A_89, %ge3A : i32
      %convert_element_type3A = arith.extui %ge3A_112 : i1 to i32
      %cond3A = arith.constant 0 : i32
      %cond3A_113 = arith.cmpi ne, %convert_element_type3A, %cond3A : i32
      scf.if %cond3A_113 {
        %sub3A = arith.constant 2 : i32
        %sub3A_141 = arith.subi %scan3A_89, %sub3A : i32
        %add3A_142 = arith.addi %mul3A_2, %sub3A_141 : i32
        %mul3A_143 = arith.constant 1 : i32
        %mul3A_144 = arith.muli %add3A_142, %mul3A_143 : i32
        %min3A_145 = arith.constant 20312 : i32
        %min3A_146 = arith.minsi %mul3A_144, %min3A_145 : i32
        %mul3A_147 = arith.constant 32 : i32
        %mul3A_148 = arith.muli %min3A_146, %mul3A_147 : i32
        %dma_wait3A_149 = arith.constant 0 : i32
        %dma_wait3A_150 = arith.constant 0 : i32
        %dma_wait3A_151 = tpu.memref_slice %arg5[%and3A_90, %dma_wait3A_149, %dma_wait3A_150] : memref<2x32x128xf32, #tpu.memory_space<vmem>> -> memref<1x32x128xf32, #tpu.memory_space<vmem>>
        %dma_wait3A_152 = tpu.memref_squeeze %dma_wait3A_151 : memref<1x32x128xf32, #tpu.memory_space<vmem>> -> memref<32x128xf32, #tpu.memory_space<vmem>>
        %dma_wait3A_153 = arith.constant 0 : i32
        %dma_wait3A_154 = tpu.memref_slice %arg3[%mul3A_148, %dma_wait3A_153] : memref<650016x128xf32, #tpu.memory_space<hbm>> -> memref<32x128xf32, #tpu.memory_space<hbm>>
        %dma_wait3A_155 = arith.constant 0 : i32
        %dma_wait3A_156 = tpu.memref_slice %arg3[%mul3A_148, %dma_wait3A_155] : memref<650016x128xf32, #tpu.memory_space<hbm>> -> memref<32x128xf32, #tpu.memory_space<hbm>>
        %dma_wait3A_157 = arith.constant 0 : i32
        %dma_wait3A_158 = arith.constant 0 : i32
        %dma_wait3A_159 = tpu.memref_slice %arg5[%and3A_90, %dma_wait3A_157, %dma_wait3A_158] : memref<2x32x128xf32, #tpu.memory_space<vmem>> -> memref<1x32x128xf32, #tpu.memory_space<vmem>>
        %dma_wait3A_160 = tpu.memref_squeeze %dma_wait3A_159 : memref<1x32x128xf32, #tpu.memory_space<vmem>> -> memref<32x128xf32, #tpu.memory_space<vmem>>
        tpu.wait_dma2 semaphore(%arg7 : memref<!tpu.dma_semaphore, #tpu.memory_space<semaphore_mem>>) src(%dma_wait3A_160 : memref<32x128xf32, #tpu.memory_space<vmem>>) dst(%dma_wait3A_156 : memref<32x128xf32, #tpu.memory_space<hbm>>)
      } else {
      }
      %and3A_114 = arith.constant 1 : i32
      %and3A_115 = arith.andi %scan3A_89, %and3A_114 : i32
      %add3A_116 = arith.addi %mul3A_2, %scan3A_89 : i32
      %mul3A_117 = arith.constant 1 : i32
      %mul3A_118 = arith.muli %add3A_116, %mul3A_117 : i32
      %min3A_119 = arith.constant 20312 : i32
      %min3A_120 = arith.minsi %mul3A_118, %min3A_119 : i32
      %mul3A_121 = arith.constant 32 : i32
      %mul3A_122 = arith.muli %min3A_120, %mul3A_121 : i32
      %dma_start3A_123 = arith.constant 0 : i32
      %dma_start3A_124 = arith.constant 0 : i32
      %dma_start3A_125 = tpu.memref_slice %arg5[%and3A_115, %dma_start3A_123, %dma_start3A_124] : memref<2x32x128xf32, #tpu.memory_space<vmem>> -> memref<1x32x128xf32, #tpu.memory_space<vmem>>
      %dma_start3A_126 = tpu.memref_squeeze %dma_start3A_125 : memref<1x32x128xf32, #tpu.memory_space<vmem>> -> memref<32x128xf32, #tpu.memory_space<vmem>>
      %dma_start3A_127 = arith.constant 0 : i32
      %dma_start3A_128 = tpu.memref_slice %arg3[%mul3A_122, %dma_start3A_127] : memref<650016x128xf32, #tpu.memory_space<hbm>> -> memref<32x128xf32, #tpu.memory_space<hbm>>
      %dma_start3A_129 = arith.constant 0 : i32
      %dma_start3A_130 = tpu.memref_slice %arg3[%mul3A_122, %dma_start3A_129] : memref<650016x128xf32, #tpu.memory_space<hbm>> -> memref<32x128xf32, #tpu.memory_space<hbm>>
      %dma_start3A_131 = arith.constant 0 : i32
      %dma_start3A_132 = arith.constant 0 : i32
      %dma_start3A_133 = tpu.memref_slice %arg5[%and3A_115, %dma_start3A_131, %dma_start3A_132] : memref<2x32x128xf32, #tpu.memory_space<vmem>> -> memref<1x32x128xf32, #tpu.memory_space<vmem>>
      %dma_start3A_134 = tpu.memref_squeeze %dma_start3A_133 : memref<1x32x128xf32, #tpu.memory_space<vmem>> -> memref<32x128xf32, #tpu.memory_space<vmem>>
      tpu.enqueue_dma source(%dma_start3A_134 : memref<32x128xf32, #tpu.memory_space<vmem>>) target(%dma_start3A_130 : memref<32x128xf32, #tpu.memory_space<hbm>>) target_semaphore(%arg7 : memref<!tpu.dma_semaphore, #tpu.memory_space<semaphore_mem>>)
      %add3A_135 = arith.constant 2 : i32
      %add3A_136 = arith.addi %scan3A_89, %add3A_135 : i32
      %lt3A = arith.constant 635 : i32
      %lt3A_137 = arith.cmpi slt, %add3A_136, %lt3A : i32
      %convert_element_type3A_138 = arith.extui %lt3A_137 : i1 to i32
      %cond3A_139 = arith.constant 0 : i32
      %cond3A_140 = arith.cmpi ne, %convert_element_type3A_138, %cond3A_139 : i32
      scf.if %cond3A_140 {
        %add3A_141 = arith.constant 2 : i32
        %add3A_142 = arith.addi %scan3A_89, %add3A_141 : i32
        %add3A_143 = arith.addi %mul3A_2, %add3A_142 : i32
        %mul3A_144 = arith.constant 1 : i32
        %mul3A_145 = arith.muli %add3A_143, %mul3A_144 : i32
        %min3A_146 = arith.constant 20312 : i32
        %min3A_147 = arith.minsi %mul3A_145, %min3A_146 : i32
        %mul3A_148 = arith.constant 128 : i32
        %mul3A_149 = arith.muli %min3A_147, %mul3A_148 : i32
        %and3A_150 = arith.constant 1 : i32
        %and3A_151 = arith.andi %add3A_142, %and3A_150 : i32
        %dma_start3A_152 = arith.constant 0 : i32
        %dma_start3A_153 = arith.constant 0 : i32
        %dma_start3A_154 = tpu.memref_slice %arg4[%and3A_151, %dma_start3A_152, %dma_start3A_153] : memref<2x32x128xf32, #tpu.memory_space<vmem>> -> memref<1x32x128xf32, #tpu.memory_space<vmem>>
        %dma_start3A_155 = tpu.memref_squeeze %dma_start3A_154 : memref<1x32x128xf32, #tpu.memory_space<vmem>> -> memref<32x128xf32, #tpu.memory_space<vmem>>
        %dma_start3A_156 = arith.constant 0 : i32
        %dma_start3A_157 = tpu.memref_slice %arg2[%dma_start3A_156, %mul3A_149] : memref<32x2600000xf32, #tpu.memory_space<hbm>> -> memref<32x128xf32, #tpu.memory_space<hbm>>
        %dma_start3A_158 = arith.constant 0 : i32
        %dma_start3A_159 = arith.constant 0 : i32
        %dma_start3A_160 = tpu.memref_slice %arg4[%and3A_151, %dma_start3A_158, %dma_start3A_159] : memref<2x32x128xf32, #tpu.memory_space<vmem>> -> memref<1x32x128xf32, #tpu.memory_space<vmem>>
        %dma_start3A_161 = tpu.memref_squeeze %dma_start3A_160 : memref<1x32x128xf32, #tpu.memory_space<vmem>> -> memref<32x128xf32, #tpu.memory_space<vmem>>
        %dma_start3A_162 = arith.constant 0 : i32
        %dma_start3A_163 = tpu.memref_slice %arg2[%dma_start3A_162, %mul3A_149] : memref<32x2600000xf32, #tpu.memory_space<hbm>> -> memref<32x128xf32, #tpu.memory_space<hbm>>
        tpu.enqueue_dma source(%dma_start3A_163 : memref<32x128xf32, #tpu.memory_space<hbm>>) target(%dma_start3A_161 : memref<32x128xf32, #tpu.memory_space<vmem>>) target_semaphore(%arg6 : memref<!tpu.dma_semaphore, #tpu.memory_space<semaphore_mem>>)
      } else {
      }
    }
    %scan3A_47 = arith.constant 635 : i32
    %add3A_48 = arith.constant 633 : i32
    %add3A_49 = arith.addi %mul3A_2, %add3A_48 : i32
    %mul3A_50 = arith.constant 1 : i32
    %mul3A_51 = arith.muli %add3A_49, %mul3A_50 : i32
    %min3A_52 = arith.constant 20312 : i32
    %min3A_53 = arith.minsi %mul3A_51, %min3A_52 : i32
    %mul3A_54 = arith.constant 32 : i32
    %mul3A_55 = arith.muli %min3A_53, %mul3A_54 : i32
    %dma_wait3A = arith.constant 1 : i32
    %dma_wait3A_56 = arith.constant 0 : i32
    %dma_wait3A_57 = arith.constant 0 : i32
    %dma_wait3A_58 = tpu.memref_slice %arg5[%dma_wait3A, %dma_wait3A_56, %dma_wait3A_57] : memref<2x32x128xf32, #tpu.memory_space<vmem>> -> memref<1x32x128xf32, #tpu.memory_space<vmem>>
    %dma_wait3A_59 = tpu.memref_squeeze %dma_wait3A_58 : memref<1x32x128xf32, #tpu.memory_space<vmem>> -> memref<32x128xf32, #tpu.memory_space<vmem>>
    %dma_wait3A_60 = arith.constant 0 : i32
    %dma_wait3A_61 = tpu.memref_slice %arg3[%mul3A_55, %dma_wait3A_60] : memref<650016x128xf32, #tpu.memory_space<hbm>> -> memref<32x128xf32, #tpu.memory_space<hbm>>
    %dma_wait3A_62 = arith.constant 0 : i32
    %dma_wait3A_63 = tpu.memref_slice %arg3[%mul3A_55, %dma_wait3A_62] : memref<650016x128xf32, #tpu.memory_space<hbm>> -> memref<32x128xf32, #tpu.memory_space<hbm>>
    %dma_wait3A_64 = arith.constant 0 : i32
    %dma_wait3A_65 = arith.constant 0 : i32
    %dma_wait3A_66 = tpu.memref_slice %arg5[%dma_wait3A, %dma_wait3A_64, %dma_wait3A_65] : memref<2x32x128xf32, #tpu.memory_space<vmem>> -> memref<1x32x128xf32, #tpu.memory_space<vmem>>
    %dma_wait3A_67 = tpu.memref_squeeze %dma_wait3A_66 : memref<1x32x128xf32, #tpu.memory_space<vmem>> -> memref<32x128xf32, #tpu.memory_space<vmem>>
    tpu.wait_dma2 semaphore(%arg7 : memref<!tpu.dma_semaphore, #tpu.memory_space<semaphore_mem>>) src(%dma_wait3A_67 : memref<32x128xf32, #tpu.memory_space<vmem>>) dst(%dma_wait3A_63 : memref<32x128xf32, #tpu.memory_space<hbm>>)
    %add3A_68 = arith.constant 634 : i32
    %add3A_69 = arith.addi %mul3A_2, %add3A_68 : i32
    %mul3A_70 = arith.constant 1 : i32
    %mul3A_71 = arith.muli %add3A_69, %mul3A_70 : i32
    %min3A_72 = arith.constant 20312 : i32
    %min3A_73 = arith.minsi %mul3A_71, %min3A_72 : i32
    %mul3A_74 = arith.constant 32 : i32
    %mul3A_75 = arith.muli %min3A_73, %mul3A_74 : i32
    %dma_wait3A_76 = arith.constant 0 : i32
    %dma_wait3A_77 = arith.constant 0 : i32
    %dma_wait3A_78 = arith.constant 0 : i32
    %dma_wait3A_79 = tpu.memref_slice %arg5[%dma_wait3A_76, %dma_wait3A_77, %dma_wait3A_78] : memref<2x32x128xf32, #tpu.memory_space<vmem>> -> memref<1x32x128xf32, #tpu.memory_space<vmem>>
    %dma_wait3A_80 = tpu.memref_squeeze %dma_wait3A_79 : memref<1x32x128xf32, #tpu.memory_space<vmem>> -> memref<32x128xf32, #tpu.memory_space<vmem>>
    %dma_wait3A_81 = arith.constant 0 : i32
    %dma_wait3A_82 = tpu.memref_slice %arg3[%mul3A_75, %dma_wait3A_81] : memref<650016x128xf32, #tpu.memory_space<hbm>> -> memref<32x128xf32, #tpu.memory_space<hbm>>
    %dma_wait3A_83 = arith.constant 0 : i32
    %dma_wait3A_84 = tpu.memref_slice %arg3[%mul3A_75, %dma_wait3A_83] : memref<650016x128xf32, #tpu.memory_space<hbm>> -> memref<32x128xf32, #tpu.memory_space<hbm>>
    %dma_wait3A_85 = arith.constant 0 : i32
    %dma_wait3A_86 = arith.constant 0 : i32
    %dma_wait3A_87 = tpu.memref_slice %arg5[%dma_wait3A_76, %dma_wait3A_85, %dma_wait3A_86] : memref<2x32x128xf32, #tpu.memory_space<vmem>> -> memref<1x32x128xf32, #tpu.memory_space<vmem>>
    %dma_wait3A_88 = tpu.memref_squeeze %dma_wait3A_87 : memref<1x32x128xf32, #tpu.memory_space<vmem>> -> memref<32x128xf32, #tpu.memory_space<vmem>>
    tpu.wait_dma2 semaphore(%arg7 : memref<!tpu.dma_semaphore, #tpu.memory_space<semaphore_mem>>) src(%dma_wait3A_88 : memref<32x128xf32, #tpu.memory_space<vmem>>) dst(%dma_wait3A_84 : memref<32x128xf32, #tpu.memory_space<hbm>>)
    return
  }
}

</mosaic_0001>

<sc_bundles>
// kernel: kernel.4.cloned.1.call-start
scs
__scs_entry_jumppad:
0x0: {  	(pc) =	sbr.rel $0x88, $3  }
0x1: {  	(tag) =	ssettag $0x0;
	lr =	simm.s32 $0x1  }
0x2: {  	[smem:$0x3F9E] =	sst lr;
	_ =	strace $0xD0000000  }
0x3: {  	_ = 	snop  }
0x4: {  	_ = 	snop  }
0x5: {  	_ = 	snop  }
0x6: {  	_ = 	snop  }
0x7: {  	_ = 	snop  }
__scs_overlays_trampoline_lowered:
0x8: {  	[smem:$0x3FAD] =	sst s0  }
0x9: {  	[smem:$0x3FAE] =	sst s1  }
0xa: {  	[smem:$0x3FAF] =	sst s2  }
0xb: {  	[smem:$0x3FB0] =	sst s3  }
0xc: {  	[smem:$0x3FB1] =	sst s4  }
0xd: {  	[smem:$0x3FB2] =	sst s5  }
0xe: {  	[smem:$0x3FB3] =	sst s6  }
0xf: {  	[smem:$0x3FB4] =	sst s7  }
0x10: {  	[smem:$0x3FB5] =	sst s8  }
0x11: {  	[smem:$0x3FB6] =	sst s9;
	s0 =	simm.s32 @!p0 $0x0  }
0x12: {  	s1 =	sld [smem:$0x3F9C];
	s0 =	simm.s32 @p0 $0x1  }
0x13: {  	[smem:$0x3FB7] =	sst s0;
	s0 =	simm.s32 @!p1 $0x0  }
0x14: {  	s2 =	sld [smem:$0x3F9B];
	s0 =	simm.s32 @p1 $0x1  }
0x15: {  	[smem:$0x3FB8] =	sst s0;
	s0 =	simm.s32 @!p2 $0x0  }
0x16: {  	s3 =	sld [smem:$0x3FDB];
	s0 =	simm.s32 @p2 $0x1  }
0x17: {  	s4 =	simm.s32 $0x1BF5;
	[smem:$0x3FBA] =	sst s0  }
0x18: {  	s0 =	sld [smem:$0x3F9D];
	_ =	swait.ge [sflag:s4], $0x0  }
0x19: {  	s7 =	sld [smem:$0x3F9E]  }
0x1a: {  	s8 =	sadd.s32 $0xFFFFE003, lr  }
0x1b: {  	s9 =	sadd.s32 $0xFFFFFEF7, lr;
	s5 =	simm.s32 $0xFFFFFFFF;
	p2 =	slt.u32 s8, $0xFFFFF086  }
0x1c: {  	p1 =	slt.u32 s9, $0xF7A;
	s5 =	simm.s32 @!p2 $0x0  }
0x1d: {  	s5 =	simm.s32 @p1 $0x1;
	p0 =	seq.s32 s7, s2  }
0x1e: {  	s7 =	smul.u32 @!p0 $0xF7A, s2;
	p2 =	seq.s32 @!p0 s5, $0x0  }
0x1f: {  	s9 =	smul.u32 $0xF7A, s1;
	s8 =	simm.s32 @!p0 $0x1BF5;
	p2 =	por !p2, p0  }
0x20: {  	[sflag:s8] =	ssyncset.s32 @!p0 $0xFFFFF086;
	s6 =	sadd.s32 @!p0 s3, s7;
	s7 =	simm.s32 @!p0 $0x108  }
0x21: {  	s3 =	sadd.s32 s3, s9;
	s6 =	sadd.s32 @!p0 $0x88, s6;
	s7 =	simm.s32 @p2 $0x1082  }
0x22: {  	[simem:s7], [sflag:s8] =	dma.local @!p0 [hbm:s6], $0xF7A  }
0x23: {  	s9 =	sor.u32 $0xD0000000, s2;
	s6 =	simm.s32 $0x108;
	_ =	swait.ge @!p0 [sflag:s8], $0x0  }
0x24: {  	s3 =	sadd.s32 $0x88, s3;
	s6 =	simm.s32 @!p1 $0x1082;
	[sflag:s4] =	ssyncset.s32 $0xFFFFF086  }
0x25: {  	[simem:s6], [sflag:s4] =	dma.local [hbm:s3], $0xF7A  }
0x26: {  	[smem:$0x3F9E] =	sst s1;
	(tag) =	ssettag s2;
	_ =	strace s9  }
0x27: {  	s1 =	sld [smem:$0x3FAE]  }
0x28: {  	s2 =	sld [smem:$0x3FAF]  }
0x29: {  	s4 =	sld [smem:$0x3FB1]  }
0x2a: {  	p0 =	seq.s32 s5, $0x0;
	s5 =	sld [smem:$0x3FB2]  }
0x2b: {  	s6 =	sld [smem:$0x3FB3]  }
0x2c: {  	s7 =	sld [smem:$0x3FB4]  }
0x2d: {  	s3 =	simm.s32 $0x108;
	s8 =	sld [smem:$0x3FB5]  }
0x2e: {  	s3 =	simm.s32 @!p0 $0x1082;
	s9 =	sld [smem:$0x3FB6]  }
0x2f: {  	lr =	sadd.s32 s0, s3;
	s0 =	sld [smem:$0x3FAD]  }
0x30: {  	s3 =	sld [smem:$0x3FB0]  }
0x31: {  	[smem:$0x3FB9] =	sst s10  }
0x32: {  	s10 =	sld [smem:$0x3FB7];
	_ =	sdelay $0x3  }
0x33: {  	p0 =	seq.s32 s10, $0x1;
	s10 =	sld [smem:$0x3FB9];
	_ =	sdelay $0x3  }
0x34: {  	[smem:$0x3FB9] =	sst s10  }
0x35: {  	s10 =	sld [smem:$0x3FB8];
	_ =	sdelay $0x3  }
0x36: {  	p1 =	seq.s32 s10, $0x1;
	s10 =	sld [smem:$0x3FB9];
	_ =	sdelay $0x3  }
0x37: {  	[smem:$0x3FB9] =	sst s10  }
0x38: {  	s10 =	sld [smem:$0x3FBA]  }
0x39: {  	_ = 	snop;
	(pc) =	sbr.ind lr, $3  }
0x3a: {  	_ = 	snop  }
0x3b: {  	_ = 	snop  }
0x3c: {  	p2 =	seq.s32 s10, $0x1;
	s10 =	sld [smem:$0x3FB9]  }
0x3d: {  	_ =	shalt  }
0x3e: {  	_ =	shalt  }
0x3f: {  	_ =	shalt  }
0x40: {  	_ =	shalt  }
0x41: {  	_ =	shalt  }
0x42: {  	_ =	shalt  }
0x43: {  	_ =	shalt  }
0x44: {  	_ =	shalt  }
0x45: {  	_ =	shalt  }
0x46: {  	_ =	shalt  }
0x47: {  	_ =	shalt  }
0x48: {  	_ =	shalt  }
0x49: {  	_ =	shalt  }
0x4a: {  	_ =	shalt  }
0x4b: {  	_ =	shalt  }
0x4c: {  	_ =	shalt  }
0x4d: {  	_ =	shalt  }
0x4e: {  	_ =	shalt  }
0x4f: {  	_ =	shalt  }
0x50: {  	_ =	shalt  }
0x51: {  	_ =	shalt  }
0x52: {  	_ =	shalt  }
0x53: {  	_ =	shalt  }
0x54: {  	_ =	shalt  }
0x55: {  	_ =	shalt  }
0x56: {  	_ =	shalt  }
0x57: {  	_ =	shalt  }
0x58: {  	_ =	shalt  }
0x59: {  	_ =	shalt  }
0x5a: {  	_ =	shalt  }
0x5b: {  	_ =	shalt  }
0x5c: {  	_ =	shalt  }
0x5d: {  	_ =	shalt  }
0x5e: {  	_ =	shalt  }
0x5f: {  	_ =	shalt  }
0x60: {  	_ =	shalt  }
0x61: {  	_ =	shalt  }
0x62: {  	_ =	shalt  }
0x63: {  	_ =	shalt  }
0x64: {  	_ =	shalt  }
0x65: {  	_ =	shalt  }
0x66: {  	_ =	shalt  }
0x67: {  	_ =	shalt  }
0x68: {  	_ =	shalt  }
0x69: {  	_ =	shalt  }
0x6a: {  	_ =	shalt  }
0x6b: {  	_ =	shalt  }
0x6c: {  	_ =	shalt  }
0x6d: {  	_ =	shalt  }
0x6e: {  	_ =	shalt  }
0x6f: {  	_ =	shalt  }
0x70: {  	_ =	shalt  }
0x71: {  	_ =	shalt  }
0x72: {  	_ =	shalt  }
0x73: {  	_ =	shalt  }
0x74: {  	_ =	shalt  }
0x75: {  	_ =	shalt  }
0x76: {  	_ =	shalt  }
0x77: {  	_ =	shalt  }
0x78: {  	_ =	shalt  }
0x79: {  	_ =	shalt  }
0x7a: {  	_ =	shalt  }
0x7b: {  	_ =	shalt  }
0x7c: {  	_ =	shalt  }
0x7d: {  	_ =	shalt  }
0x7e: {  	_ =	shalt  }
0x7f: {  	_ =	shalt  }
0x80: {  	_ =	shalt  }
0x81: {  	_ =	shalt  }
0x82: {  	_ =	shalt  }
0x83: {  	_ =	shalt  }
0x84: {  	_ =	shalt  }
0x85: {  	_ =	shalt  }
0x86: {  	_ =	shalt  }
0x87: {  	_ =	shalt  }
.Lfunc_end0:
.L_simem_size_0:
called_computation_lowered:
.L_overlay_start_0:
0x88: {  	s2 =	sld [smem:$0x3FD9]  }
0x89: {  	s3 =	sld [smem:$0x3FFE];
	_ =	sdelay $0x1  }
0x8a: {  	s1 =	srdreg.scid  }
0x8b: {  	s0 =	sand.u32 $0x1, s1  }
0x8c: {  	s17 =	sshll.u32 s0, $0xA;
	s2 =	sadd.s32 s3, s2  }
0x8d: {  	s2 =	sadd.s32 s2, s17  }
0x8e: {  	[smem:$0x3FC5] =	sst s2  }
0x8f: {  	_ = 	snop  }
0x90: {  	s2 =	sld [smem:$0x3FC8];
	(tm) =	ssettm $0x1  }
0x91: {  	s18 =	sld [smem:$0x3FFB];
	_ =	sdelay $0x3  }
0x92: {  	_ =	strace s18  }
0x93: {  	s3 =	sld [smem:$0x3FFC];
	_ =	sdelay $0x3  }
0x94: {  	_ =	strace s3  }
0x95: {  	s3 =	sld [smem:$0x3FFD];
	_ =	sdelay $0x3  }
0x96: {  	_ =	strace s3  }
0x97: {  	_ =	strace $0x8FFFFFFF  }
0x98: {  	s19 =	sld [smem:$0x3FDB];
	_ =	sdelay $0x1  }
0x99: {  	s4 =	simm.s32 $_scs_section_size  }
0x9a: {  	s5 =	simm.s32 $_size__tile_overlayer_lowered;
	s6 =	simm.s32 $_tile_overlayer_lowered  }
0x9b: {  	s22 =	simm.s32 $0x1BFF;
	s21 =	sshll.u32 s6, $0x1;
	s3 =	sadd.s32 s4, s19  }
0x9c: {  	s7 =	simm.s32 $0x0;
	s20 =	sshll.u32 s5, $0x1;
	s5 =	sadd.s32 s21, s3  }
0x9d: {  	[timem:s7], [sflag:s22] =	dma.local [hbm:s5], s20  }
0x9e: {  	_ =	swait.ge [sflag:s22], s20  }
0x9f: {  	s4 =	ssub.s32 $0x0, s20;
	[sflag:s22] =	ssyncset.done $0x0  }
0xa0: {  	[sflag:s22] =	ssyncadd.s32 s4;
	_ =	sdelay $0x1  }
0xa1: {  	s23 =	simm.s32 $0x1B8B  }
0xa2: {  	_ =	swait.ge [sflag:s23], $0x1  }
0xa3: {  	[sflag:s23] =	ssyncset.done $0x0  }
0xa4: {  	s25 =	simm.s32 $0x1B8E;
	s24 =	sld [smem:$0x3FFE];
	[sflag:s23] =	ssyncadd.s32 $0xFFFFFFFF  }
0xa5: {  	s26 =	simm.s32 $execute0_lowered;
	[smem:$0x3FD2] =	sst s25  }
0xa6: {  	s5 =	sshll.u32 s26, $0x1;
	_ =	strace $0x80000046;
	[dreg:$0x1] =	wrdreg $0xFFFFFFFF  }
0xa7: {  	s28 =	simm.s32 $_size_execute0_lowered;
	s3 =	sadd.s32 s3, s5;
	[dreg:$0x0] =	wrdreg $0x0  }
0xa8: {  	s5 =	sshll.u32 s28, $0x1;
	[dreg:$0x2] =	wrdreg s3  }
0xa9: {  	[dreg:$0x3] =	wrdreg s5  }
0xaa: {  	[dreg:$0x4] =	wrdreg $0xC0  }
0xab: {  	_ =	task [dreg:s7], $0x5FFFF  }
0xac: {  	[dreg:$0x1] =	wrdreg $0xFFFFFFFF  }
0xad: {  	[dreg:$0x0] =	wrdreg $0x60  }
0xae: {  	[dreg:$0x2] =	wrdreg s2  }
0xaf: {  	[dreg:$0x3] =	wrdreg s24  }
0xb0: {  	[dreg:$0x4] =	wrdreg $0x9  }
0xb1: {  	_ =	task.clear_ibuf [dreg:s7], $0x5FFFF;
	_ =	strace $0x90000046  }
0xb2: {  	s29 =	simm.s32 $0x9;
	_ =	strace $0x80000048  }
0xb3: {  	_ =	swait.ge [sflag:s29], $0x1  }
0xb4: {  	[sflag:s29] =	ssyncadd.s32 $0xFFFFFFFF  }
0xb5: {  	_ =	strace $0x90000048  }
0xb6: {  	_ =	sfence  }
0xb7: {  	s30 =	sld [smem:$0x0];
	_ =	sdelay $0x2  }
0xb8: {  	s31 =	sshll.u32 s1, $0xD;
	s1 =	sshrl.u32 s1, $0x2  }
0xb9: {  	s3 =	sand.u32 $0x4000, s31;
	s1 =	sadd.s32 s1, s30  }
0xba: {  	s0 =	sor.u32 s3, s0;
	s1 =	sshll.u32 s1, $0x11  }
0xbb: {  	s0 =	sor.u32 s1, s0  }
0xbc: {  	s0 =	sadd.s32 $0x8F2B, s0  }
0xbd: {  	[sflag:s0] =	ssyncadd.remote.s32 $0x1  }
0xbe: {  	_ =	sfence.sel $0xFFFF  }
0xbf: {  	[dreg:$0x0] =	wrdreg $0xFFFFFFFF;
	(pc) =	sbr.abs _section_cstart, $3  }
0xc0: {  	[dreg:$0x1] =	wrdreg $0xFFFFFFFF  }
0xc1: {  	_ =	task.clear_ibuf [dreg:s7], $0x2FFFF;
	_ =	strace $0x9FFFFFFF  }
0xc2: {  	(tm) =	ssettm $0x7FFFFFFF  }
0xc3: {  	_ =	shalt  }
tec
execute0_lowered:
.L_overlay_start_1:
0x0: {  	(tag) =	ssettag $0x1  }
0x1: {  	s2 =	rddreg [dreg:$0x0]  }
0x2: {  	s1 =	srdreg.scid;
	s0 =	stileid.u32  }
0x3: {  	s5 =	rddreg [dreg:$0x1];
	s3 =	simm.s32 $0x0;
	s10 =	simm.s32 $0x400  }
0x4: {  	s11 =	simm.s32 $0x13D6400;
	s12 =	simm.s32 $0x1000;
	s13 =	simm.s32 $0x1  }
0x5: {  	s14 =	simm.s32 $0x2;
	s4 =	sand.u32 $0x1, s1;
	s6 =	sshll.u32 s0, $0x1  }
0x6: {  	s15 =	simm.s32 $0x0;
	s1 =	rddreg [dreg:$0x2];
	s6 =	sor.u32 s4, s6  }
0x7: {  	v0 =	vlaneseq.u32;
	[smem:$0x7FF] =	sst s3;
	s7 =	ssub.s32 $0x2, s4;
	s8 =	smul.u32 $0x13D80, s6  }
0x8: {  	s5 =	sadd.s32 $0xC00, s5;
	v0 =	vmul.u32 $0x80, v0;
	s9 =	sshrl.u32 s7, $0x1;
	s4 =	smul.u32 $0x27B, s6  }
0x9: {  	_ =	strace $0x80000047;
	s9 =	ssub.s32 s7, s9;
	s6 =	sadd.s32 s2, s8  }
0xa: {  	v1 =	vor.u32 $0x800, v0;
	s8 =	sadd.s32 $0x2, s4;
	s9 =	smax.u32 s9, $0x1;
	s7 =	sadd.s32 $0x80, s6  }
.LBB2_1:
0xb: {  	[tilespmem:s3], [sflag:$0x1] =	stream.strided.gather [hbm4b:s6+s10], $0x1000, s11, s10, $0x38;
	[tilespmem:$0x4000] =	vst v63  }
0xc: {  	p0 =	por $0x0, $0x0;
	s16 =	simm.s32 $0x0  }
0xd: {  	[tilespmem:s12], [sflag:$0x1] =	stream.strided.gather [hbm4b:s7+s10], $0x1000, s11, s10, $0x38;
	[tilespmem:$0x4000] =	vst v63  }
.LBB2_2:
0xe: {  	s17 =	sshll.u32 s16, $0xC;
	s18 =	simm.s32 $0x0  }
0xf: {  	s20 =	simm.s32 $0x8;
	s21 =	simm.s32 $0x4;
	s23 =	simm.s32 $0x1;
	v2 =	vmov s18  }
0x10: {  	s24 =	simm.s32 $0x5;
	s25 =	simm.s32 $0x9;
	s26 =	simm.s32 $0xD;
	v4 =	vmov s20;
	v5 =	vmov s21;
	v11 =	vmov s23  }
0x11: {  	s29 =	simm.s32 $0x14;
	s30 =	simm.s32 $0x1C;
	s19 =	sand.u32 $0x1000, s17;
	v13 =	vmov s24;
	v14 =	vmov s25;
	v15 =	vmov s26  }
0x12: {  	v21 =	vmov s29;
	v23 =	vmov s30;
	v3 =	vor.u32 s19, v0  }
0x13: {  	v2 =	vand.u32 $0x70, v2;
	v4 =	vand.u32 $0x78, v4;
	v11 =	vand.u32 $0x71, v11  }
0x14: {  	s20 =	simm.s32 $0x10;
	s21 =	simm.s32 $0x18;
	v13 =	vand.u32 $0x75, v13;
	v14 =	vand.u32 $0x79, v14;
	v15 =	vand.u32 $0x7D, v15  }
0x15: {  	v19 =	vmov s20;
	v20 =	vmov s21;
	v6 =	vbroadcast v2, $0x0  }
0x16: {  	s22 =	simm.s32 $0xC;
	v21 =	vand.u32 $0x74, v21;
	v2 =	vand.u32 $0x74, v5;
	v4 =	vbroadcast v4, $0x0  }
0x17: {  	v5 =	vmov s22;
	v7 =	vbroadcast v2, $0x0;
	v8 =	vor.u32 v3, v6  }
0x18: {  	v11 =	vbroadcast v11, $0x0;
	v5 =	vand.u32 $0x7C, v5;
	v10 =	vor.u32 v3, v4  }
0x19: {  	_ =	swait.ge [sflag:s13], $0x1000;
	s29 =	simm.s32 $0x24;
	v13 =	vbroadcast v13, $0x0;
	v5 =	vbroadcast v5, $0x0;
	v9 =	vor.u32 v3, v7  }
0x1a: {  	[sflag:s13] =	ssyncset.done $0x0;
	v55 =	vmov s29;
	v14 =	vbroadcast v14, $0x0;
	v15 =	vbroadcast v15, $0x0  }
0x1b: {  	[sflag:s13] =	ssyncadd.s32 $0xFFFFF000;
	v19 =	vand.u32 $0x70, v19;
	v2 =	vor.u32 s19, v1;
	v12 =	vor.u32 v3, v5  }
0x1c: {  	v19 =	vbroadcast v19, $0x0;
	v6 =	vor.u32 v2, v6;
	v4 =	vor.u32 v2, v4;
	v8 =	vld.idx.msk [tilespmem:v8+s3+$0x0], $0xffff  }
0x1d: {  	s17 =	simm.s32 $0x1;
	v16 =	vor.u32 v3, v11;
	v17 =	vor.u32 v3, v13;
	v18 =	vor.u32 v3, v14;
	v10 =	vld.idx.msk [tilespmem:v10+s3+$0x0], $0xffff  }
0x1e: {  	s28 =	simm.s32 $0xA;
	s17 =	simm.s32 @!p0 $0x0;
	v22 =	vor.u32 v3, v15;
	v14 =	vor.u32 v2, v14;
	v24 =	vor.u32 v2, v13;
	v9 =	vld.idx.msk [tilespmem:v9+s3+$0x0], $0xffff  }
0x1f: {  	s17 =	sshll.u32 s17, $0xC;
	v13 =	vmov s28;
	v15 =	vor.u32 v2, v15;
	v7 =	vor.u32 v2, v7  }
0x20: {  	s18 =	sor.u32 $0x2100, s17;
	v13 =	vand.u32 $0x7A, v13;
	v28 =	vor.u32 v2, v19;
	v5 =	vor.u32 v2, v5;
	v12 =	vld.idx.msk [tilespmem:v12+s3+$0x0], $0xffff  }
0x21: {  	s31 =	simm.s32 $0x11;
	[tilespmem:s18+$0xFFFFFF00] =	vst v8;
	v8 =	vand.u32 $0x78, v20;
	v20 =	vbroadcast v21, $0x0;
	v21 =	vand.u32 $0x7C, v23  }
0x22: {  	v23 =	vbroadcast v13, $0x0;
	v13 =	vor.u32 v3, v19;
	v19 =	vmov s31;
	[tilespmem:s18+$0x0] =	vst v10;
	v6 =	vld.idx.msk [tilespmem:v6+s3+$0x0], $0xffff  }
0x23: {  	s31 =	simm.s32 $0x2C;
	v8 =	vbroadcast v8, $0x0;
	v21 =	vbroadcast v21, $0x0;
	[tilespmem:s18+$0xFFFFFF80] =	vst v9;
	v19 =	vand.u32 $0x71, v19;
	v4 =	vld.idx.msk [tilespmem:v4+s3+$0x0], $0xffff  }
0x24: {  	s20 =	simm.s32 $0x15;
	v58 =	vmov s31;
	v25 =	vor.u32 v3, v20;
	v27 =	vor.u32 v3, v23;
	v7 =	vld.idx.msk [tilespmem:v7+s3+$0x0], $0xffff  }
0x25: {  	s24 =	simm.s32 $0x6;
	v29 =	vor.u32 v2, v20;
	v20 =	vmov s20;
	[tilespmem:s18+$0x80] =	vst v12;
	v9 =	vor.u32 v3, v8  }
0x26: {  	v26 =	vor.u32 v3, v21;
	v10 =	vor.u32 v2, v21;
	v33 =	vld.idx.msk [tilespmem:v5+s3+$0x0], $0xffff;
	v5 =	vmov s24  }
0x27: {  	s21 =	simm.s32 $0x19;
	v31 =	vld.idx.msk [tilespmem:v13+s3+$0x0], $0xffff;
	[tilespmem:s18+$0xFFFFFF10] =	vst v6;
	v6 =	vor.u32 v2, v11;
	v11 =	vbroadcast v19, $0x0;
	v19 =	vand.u32 $0x75, v20  }
0x28: {  	s22 =	simm.s32 $0x1D;
	v20 =	vmov s21;
	[tilespmem:s18+$0x10] =	vst v4;
	v4 =	vand.u32 $0x76, v5;
	v16 =	vld.idx.msk [tilespmem:v16+s3+$0x0], $0xffff;
	v30 =	vbroadcast v19, $0x0  }
0x29: {  	v19 =	vor.u32 v2, v8;
	v20 =	vand.u32 $0x79, v20;
	[tilespmem:s18+$0xFFFFFF90] =	vst v7;
	v7 =	vmov s22;
	v18 =	vld.idx.msk [tilespmem:v18+s3+$0x0], $0xffff  }
0x2a: {  	s23 =	simm.s32 $0x2;
	s22 =	simm.s32 $0x28;
	v8 =	vor.u32 v3, v11;
	v13 =	vld.idx.msk [tilespmem:v9+s3+$0x0], $0xffff;
	v9 =	vor.u32 v2, v23;
	v12 =	vbroadcast v20, $0x0  }
0x2b: {  	v25 =	vld.idx.msk [tilespmem:v25+s3+$0x0], $0xffff;
	v7 =	vand.u32 $0x7D, v7;
	v20 =	vmov s23;
	v54 =	vmov s22  }
0x2c: {  	s25 =	simm.s32 $0xB;
	s17 =	sadd.s32 $0x200, s18;
	v17 =	vld.idx.msk [tilespmem:v17+s3+$0x0], $0xffff;
	[tilespmem:s18+$0x90] =	vst v33;
	v38 =	vor.u32 v2, v11;
	v21 =	vor.u32 v3, v30;
	v32 =	vbroadcast v7, $0x0  }
0x2d: {  	v7 =	vand.u32 $0x72, v20;
	v22 =	vld.idx.msk [tilespmem:v22+s3+$0x0], $0xffff;
	[tilespmem:s17+$0xFFFFFF00] =	vst v31;
	v31 =	vbroadcast v4, $0x0;
	v4 =	vmov s25  }
0x2e: {  	v20 =	vor.u32 v3, v12;
	v5 =	vor.u32 v3, v32;
	v28 =	vld.idx.msk [tilespmem:v28+s3+$0x0], $0xffff;
	v4 =	vand.u32 $0x7B, v4;
	[tilespmem:s18+$0xFFFFFF20] =	vst v16  }
0x2f: {  	s28 =	simm.s32 $0x20;
	v16 =	vbroadcast v7, $0x0;
	v7 =	vor.u32 v2, v30;
	v23 =	vbroadcast v4, $0x0;
	[tilespmem:s18+$0x20] =	vst v18;
	v34 =	vld.idx.msk [tilespmem:v6+s3+$0x0], $0xffff  }
0x30: {  	s26 =	simm.s32 $0x1A;
	v4 =	vor.u32 v2, v32;
	v30 =	vmov s28;
	[tilespmem:s17+$0xFFFFFF80] =	vst v25;
	v6 =	vor.u32 v2, v12;
	v12 =	vld.idx.msk [tilespmem:v26+s3+$0x0], $0xffff  }
0x31: {  	v25 =	vor.u32 v2, v31;
	[tilespmem:s18+$0xFFFFFFA0] =	vst v17;
	v17 =	vor.u32 v3, v31;
	v26 =	vmov s26;
	v14 =	vld.idx.msk [tilespmem:v14+s3+$0x0], $0xffff  }
0x32: {  	v30 =	vand.u32 $0x70, v30;
	[tilespmem:s17+$0x0] =	vst v13;
	v35 =	vor.u32 v3, v16;
	v24 =	vld.idx.msk [tilespmem:v24+s3+$0x0], $0xffff;
	v36 =	vor.u32 v3, v23  }
0x33: {  	v29 =	vld.idx.msk [tilespmem:v29+s3+$0x0], $0xffff;
	v18 =	vbroadcast v30, $0x0;
	v30 =	vand.u32 $0x74, v55;
	v26 =	vand.u32 $0x7A, v26;
	[tilespmem:s18+$0xA0] =	vst v22  }
0x34: {  	v16 =	vor.u32 v2, v16;
	v19 =	vld.idx.msk [tilespmem:v19+s3+$0x0], $0xffff;
	v23 =	vor.u32 v2, v23;
	v30 =	vbroadcast v30, $0x0;
	[tilespmem:s17+$0xFFFFFF10] =	vst v28  }
0x35: {  	s30 =	simm.s32 $0xE;
	s22 =	simm.s32 $0x3;
	v26 =	vbroadcast v26, $0x0;
	v15 =	vld.idx.msk [tilespmem:v15+s3+$0x0], $0xffff;
	v28 =	vand.u32 $0x78, v54;
	v57 =	vor.u32 v3, v18;
	[tilespmem:s18+$0xFFFFFF30] =	vst v34  }
0x36: {  	v40 =	vor.u32 v2, v18;
	v18 =	vmov s22;
	v56 =	vld.idx.msk [tilespmem:v8+s3+$0x0], $0xffff;
	v8 =	vmov s30;
	[tilespmem:s18+$0x30] =	vst v14  }
0x37: {  	v28 =	vbroadcast v28, $0x0;
	v39 =	vor.u32 v3, v30;
	v8 =	vand.u32 $0x7E, v8;
	v35 =	vld.idx.msk [tilespmem:v35+s3+$0x0], $0xffff;
	[tilespmem:s18+$0xFFFFFFB0] =	vst v24  }
0x38: {  	s29 =	simm.s32 $0x12;
	v11 =	vor.u32 v2, v30;
	v18 =	vand.u32 $0x73, v18;
	[tilespmem:s17+$0x80] =	vst v12;
	v37 =	vld.idx.msk [tilespmem:v17+s3+$0x0], $0xffff;
	v17 =	vbroadcast v8, $0x0  }
0x39: {  	s25 =	simm.s32 $0x29;
	v41 =	vbroadcast v18, $0x0;
	[tilespmem:s17+$0xFFFFFF90] =	vst v29;
	v29 =	vmov s29;
	v24 =	vand.u32 $0x7C, v58;
	v27 =	vld.idx.msk [tilespmem:v27+s3+$0x0], $0xffff  }
0x3a: {  	s30 =	simm.s32 $0x16;
	v44 =	vld.idx.msk [tilespmem:v10+s3+$0x0], $0xffff;
	v22 =	vbroadcast v24, $0x0;
	[tilespmem:s18+$0xB0] =	vst v15;
	v15 =	vmov s25;
	v24 =	vor.u32 v3, v17  }
0x3b: {  	s24 =	simm.s32 $0x25;
	v59 =	vor.u32 v3, v28;
	v10 =	vmov s30;
	v33 =	vld.idx.msk [tilespmem:v57+s3+$0x0], $0xffff;
	v15 =	vand.u32 $0x79, v15  }
0x3c: {  	s23 =	simm.s32 $0x21;
	v31 =	vor.u32 v3, v22;
	v12 =	vor.u32 v2, v22;
	v22 =	vmov s24;
	[tilespmem:s17+$0xFFFFFF20] =	vst v56;
	v39 =	vld.idx.msk [tilespmem:v39+s3+$0x0], $0xffff  }
0x3d: {  	v30 =	vor.u32 v2, v17;
	v17 =	vmov s23;
	v18 =	vand.u32 $0x75, v22;
	v22 =	vld.idx.msk [tilespmem:v38+s3+$0x0], $0xffff;
	[tilespmem:s18+$0xFFFFFF40] =	vst v35  }
0x3e: {  	[tilespmem:s17+$0x10] =	vst v19;
	v8 =	vor.u32 v3, v26;
	v62 =	vbroadcast v15, $0x0;
	v17 =	vand.u32 $0x71, v17;
	v60 =	vld.idx.msk [tilespmem:v16+s3+$0x0], $0xffff  }
0x3f: {  	s28 =	simm.s32 $0x2D;
	v42 =	vor.u32 v3, v41;
	v10 =	vand.u32 $0x76, v10;
	v17 =	vbroadcast v17, $0x0;
	[tilespmem:s18+$0x40] =	vst v27;
	v61 =	vld.idx.msk [tilespmem:v24+s3+$0x0], $0xffff  }
0x40: {  	v15 =	vor.u32 v3, v62;
	v27 =	vmov s28;
	v19 =	vor.u32 v2, v62;
	v63 =	vld.idx.msk [tilespmem:v9+s3+$0x0], $0xffff;
	[tilespmem:s18+$0xFFFFFFC0] =	vst v37  }
0x41: {  	s26 =	simm.s32 $0xF;
	v16 =	vor.u32 v2, v28;
	v28 =	vbroadcast v18, $0x0;
	v9 =	vor.u32 v2, v26;
	v43 =	vld.idx.msk [tilespmem:v25+s3+$0x0], $0xffff  }
0x42: {  	s22 =	sadd.s32 $0x200, s17;
	s23 =	simm.s32 $0x7;
	[tilespmem:s17+$0x90] =	vst v44;
	v26 =	vmov s26;
	v27 =	vand.u32 $0x7D, v27;
	v18 =	vor.u32 v3, v17;
	v24 =	vld.idx.msk [tilespmem:v31+s3+$0x0], $0xffff  }
0x43: {  	[tilespmem:s22+$0xFFFFFF00] =	vst v33;
	v26 =	vand.u32 $0x7F, v26;
	v13 =	vor.u32 v3, v28;
	v31 =	vld.idx.msk [tilespmem:v21+s3+$0x0], $0xffff;
	v21 =	vmov s23  }
0x44: {  	v14 =	vld.idx.msk [tilespmem:v59+s3+$0x0], $0xffff;
	v34 =	vbroadcast v26, $0x0;
	v26 =	vor.u32 v2, v28;
	v25 =	vand.u32 $0x77, v21;
	[tilespmem:s18+$0xC0] =	vst v61  }
0x45: {  	v21 =	vbroadcast v27, $0x0;
	v27 =	vand.u32 $0x72, v29;
	[tilespmem:s17+$0xFFFFFF30] =	vst v22;
	v45 =	vbroadcast v25, $0x0;
	v37 =	vld.idx.msk [tilespmem:v30+s3+$0x0], $0xffff  }
0x46: {  	s31 =	simm.s32 $0x1B;
	v35 =	vld.idx.msk [tilespmem:v20+s3+$0x0], $0xffff;
	v22 =	vbroadcast v27, $0x0;
	v25 =	vbroadcast v10, $0x0;
	v38 =	vor.u32 v3, v34;
	[tilespmem:s18+$0xFFFFFF50] =	vst v60  }
0x47: {  	s19 =	sor.u32 $0x2000, s19;
	v33 =	vld.idx.msk [tilespmem:v40+s3+$0x0], $0xffff;
	v10 =	vmov s31;
	v27 =	vor.u32 v3, v21;
	[tilespmem:s18+$0x50] =	vst v63;
	v32 =	vor.u32 v3, v45  }
0x48: {  	s21 =	simm.s32 $0x2F;
	s20 =	smov.u32 s22;
	s25 =	simm.s32 $0x3F;
	v10 =	vand.u32 $0x7B, v10;
	v29 =	vor.u32 v3, v22;
	v36 =	vld.idx.msk [tilespmem:v36+s3+$0x0], $0xffff;
	v28 =	vor.u32 v3, v25;
	[tilespmem:s18+$0xFFFFFFD0] =	vst v43  }
0x49: {  	s24 =	simm.s32 $0x8;
	s26 =	simm.s32 $0x2A;
	s23 =	simm.s32 $0x1F;
	v40 =	vld.idx.msk [tilespmem:v42+s3+$0x0], $0xffff;
	v10 =	vbroadcast v10, $0x0;
	[tilespmem:s17+$0xFFFFFFA0] =	vst v31;
	v31 =	vor.u32 v2, v45;
	v30 =	vor.u32 v2, v41  }
.LBB2_3:
0x4a: {  	s28 =	sadd.s32 $0xFFFFFFF1, s25;
	s29 =	sadd.s32 $0xFFFFFFF9, s25;
	s24 =	sadd.s32 $0x4, s24;
	v41 =	vmov s26;
	v21 =	vor.u32 v2, v21;
	v42 =	vld.idx.msk [tilespmem:v5+s3+$0x0], $0xffff;
	[tilespmem:s18+$0xD0] =	vst v37;
	v34 =	vor.u32 v2, v34;
	v5 =	vmovc v27  }
0x4b: {  	s26 =	sadd.s32 $0xFFFFFFF5, s25;
	v27 =	vmov s28;
	v37 =	vmov s29;
	p1 =	slt.u32 s24, $0x1C;
	[tilespmem:s22+$0x80] =	vst v24;
	v24 =	vld.idx.msk [tilespmem:v7+s3+$0x0], $0xffff;
	v20 =	vor.u32 v3, v10;
	v7 =	vmovc v26  }
0x4c: {  	v26 =	vand.u32 $0x70, v27;
	v27 =	vmov s26;
	[tilespmem:s22+$0xFFFFFF10] =	vst v33;
	v33 =	vand.u32 $0x7A, v41;
	v38 =	vld.idx.msk [tilespmem:v38+s3+$0x0], $0xffff  }
0x4d: {  	v37 =	vand.u32 $0x78, v37;
	s26 =	sadd.s32 $0xFFFFFFFD, s25;
	v26 =	vbroadcast v26, $0x0;
	v27 =	vand.u32 $0x74, v27;
	v18 =	vld.idx.msk [tilespmem:v18+s3+$0x0], $0xffff;
	[tilespmem:s18+$0x60] =	vst v36  }
0x4e: {  	v36 =	vmov s26;
	v33 =	vbroadcast v33, $0x0;
	v27 =	vbroadcast v27, $0x0;
	[tilespmem:s18+$0xFFFFFF60] =	vst v40;
	v40 =	vld.idx.msk [tilespmem:v23+s3+$0x0], $0xffff  }
0x4f: {  	v37 =	vbroadcast v37, $0x0;
	v36 =	vand.u32 $0x7C, v36;
	v41 =	vor.u32 v3, v26;
	[tilespmem:s17+$0x20] =	vst v35;
	v32 =	vld.idx.msk [tilespmem:v32+s3+$0x0], $0xffff  }
0x50: {  	v25 =	vor.u32 v2, v25;
	v35 =	vbroadcast v36, $0x0;
	v23 =	vor.u32 v3, v27;
	[tilespmem:s22+$0xFFFFFF80] =	vst v39;
	v36 =	vld.idx.msk [tilespmem:v6+s3+$0x0], $0xffff  }
0x51: {  	v22 =	vor.u32 v2, v22;
	s26 =	sadd.s32 $0xFFFFFFFF, s23;
	v39 =	vor.u32 v3, v37;
	v6 =	vmov v19;
	v29 =	vld.idx.msk [tilespmem:v29+s3+$0x0], $0xffff;
	[tilespmem:s17+$0xFFFFFFB0] =	vst v24  }
0x52: {  	v19 =	vor.u32 v3, v35;
	v24 =	vmov s26;
	v30 =	vld.idx.msk [tilespmem:v30+s3+$0x0], $0xffff;
	[tilespmem:s18+$0xE0] =	vst v38  }
0x53: {  	[tilespmem:s22+$0xFFFFFF20] =	vst v18;
	v18 =	vand.u32 $0x7E, v24;
	v24 =	vld.idx.msk [tilespmem:v34+s3+$0x0], $0xffff  }
0x54: {  	v28 =	vld.idx.msk [tilespmem:v28+s3+$0x0], $0xffff;
	[tilespmem:s17+$0xA0] =	vst v42;
	v18 =	vbroadcast v18, $0x0  }
0x55: {  	v34 =	vor.u32 v3, v33;
	v38 =	vld.idx.msk [tilespmem:v4+s3+$0x0], $0xffff;
	[tilespmem:s18+$0xFFFFFFE0] =	vst v32;
	v4 =	vmov v21  }
0x56: {  	v26 =	vor.u32 v2, v26;
	[tilespmem:s17+$0x30] =	vst v36;
	v21 =	vor.u32 v3, v18;
	v31 =	vld.idx.msk [tilespmem:v31+s3+$0x0], $0xffff  }
0x57: {  	v27 =	vor.u32 v2, v27;
	s26 =	sadd.s32 $0xFFFFFFF4, s23;
	v32 =	vor.u32 v2, v17;
	[tilespmem:s17+$0xFFFFFF40] =	vst v29;
	v29 =	vld.idx.msk [tilespmem:v8+s3+$0x0], $0xffff;
	v8 =	vmov v34  }
0x58: {  	s28 =	sadd.s32 $0xFFFFFFF2, s25;
	v17 =	vmov s26;
	v36 =	vor.u32 v2, v18;
	v34 =	vld.idx.msk [tilespmem:v41+s3+$0x0], $0xffff;
	[tilespmem:s18+$0x70] =	vst v40  }
0x59: {  	v35 =	vor.u32 v2, v35;
	s22 =	sadd.s32 $0x200, s22;
	s26 =	sadd.s32 $0xFFFFFFF6, s25;
	v18 =	vmov s28;
	v17 =	vand.u32 $0x73, v17;
	v40 =	vld.idx.msk [tilespmem:v11+s3+$0x0], $0xffff;
	[tilespmem:s18+$0xFFFFFF70] =	vst v30;
	v11 =	vmovc v27  }
0x5a: {  	v18 =	vand.u32 $0x71, v18;
	v27 =	vmov s26;
	v30 =	vld.idx.msk [tilespmem:v39+s3+$0x0], $0xffff;
	v39 =	vbroadcast v17, $0x0;
	[tilespmem:s18+$0xF0] =	vst v24  }
0x5b: {  	s26 =	sadd.s32 $0xFFFFFFFA, s25;
	v17 =	vbroadcast v18, $0x0;
	v18 =	vand.u32 $0x75, v27;
	v27 =	vor.u32 v2, v37;
	v22 =	vld.idx.msk [tilespmem:v22+s3+$0x0], $0xffff;
	[tilespmem:s17+$0xB0] =	vst v38  }
0x5c: {  	v24 =	vmov s26;
	v41 =	vbroadcast v18, $0x0;
	v42 =	vor.u32 v3, v39;
	v37 =	vld.idx.msk [tilespmem:v21+s3+$0x0], $0xffff;
	[tilespmem:s18+$0xFFFFFFF0] =	vst v31;
	s18 =	smov.u32 s17;
	s17 =	smov.u32 s20;
	s20 =	smov.u32 s22  }
0x5d: {  	v18 =	vor.u32 v3, v17;
	v21 =	vand.u32 $0x79, v24;
	v24 =	vor.u32 v2, v33;
	v31 =	vld.idx.msk [tilespmem:v32+s3+$0x0], $0xffff;
	[tilespmem:s18+$0x40] =	vst v29  }
0x5e: {  	v29 =	vor.u32 v3, v41;
	v43 =	vbroadcast v21, $0x0;
	[tilespmem:s22+$0xFFFFFF00] =	vst v34;
	v38 =	vld.idx.msk [tilespmem:v9+s3+$0x0], $0xffff;
	v9 =	vmov v24  }
0x5f: {  	v24 =	vld.idx.msk [tilespmem:v19+s3+$0x0], $0xffff;
	[tilespmem:s17+$0x0] =	vst v14  }
0x60: {  	s28 =	sadd.s32 $0xFFFFFFF8, s23;
	s26 =	sadd.s32 $0xFFFFFFFE, s25;
	v21 =	vmov s23;
	s23 =	smov.u32 s21;
	v44 =	vor.u32 v3, v43;
	v14 =	vmovc v30;
	[tilespmem:s17+$0xFFFFFF90] =	vst v40;
	v19 =	vld.idx.msk [tilespmem:v16+s3+$0x0], $0xffff;
	v16 =	vmov v27  }
0x61: {  	s21 =	smov.u32 s25;
	v32 =	vand.u32 $0x7F, v21;
	v27 =	vmov s26;
	s26 =	sadd.s32 $0xFFFFFFF3, s23;
	v30 =	vld.idx.msk [tilespmem:v13+s3+$0x0], $0xffff;
	[tilespmem:s18+$0xFFFFFFC0] =	vst v28;
	v28 =	vmov s28;
	v13 =	vmovc v29  }
0x62: {  	v21 =	vand.u32 $0x7D, v27;
	v27 =	vmov s26;
	[tilespmem:s18+$0xFFFFFF50] =	vst v22;
	v45 =	vld.idx.msk [tilespmem:v25+s3+$0x0], $0xffff;
	v22 =	vand.u32 $0x77, v28  }
0x63: {  	s26 =	sadd.s32 $0xFFFFFFF7, s23;
	v21 =	vbroadcast v21, $0x0;
	v25 =	vand.u32 $0x72, v27;
	v46 =	vld.idx.msk [tilespmem:v12+s3+$0x0], $0xffff;
	v47 =	vbroadcast v22, $0x0;
	[tilespmem:s18+$0xC0] =	vst v37;
	v12 =	vmovc v35  }
0x64: {  	v34 =	vbroadcast v32, $0x0;
	v22 =	vbroadcast v25, $0x0;
	v25 =	vmov s26;
	[tilespmem:s17+$0xFFFFFF30] =	vst v31;
	v37 =	vld.idx.msk [tilespmem:v36+s3+$0x0], $0xffff  }
.Ltmp0:
0x65: {  	v27 =	vor.u32 v3, v21;
	v25 =	vand.u32 $0x76, v25;
	v33 =	vld.idx.msk [tilespmem:v26+s3+$0x0], $0xffff;
	v32 =	vor.u32 v3, v47;
	[tilespmem:s18+$0x50] =	vst v38;
	(pc) =	sbr.rel @p1 .LBB2_3-.Ltmp0, $4  }
0x66: {  	s26 =	sadd.s32 $0xFFFFFFFC, s23;
	v29 =	vor.u32 v3, v22;
	v25 =	vbroadcast v25, $0x0;
	v38 =	vor.u32 v3, v34;
	[tilespmem:s17+$0x10] =	vst v19;
	v36 =	vld.idx.msk [tilespmem:v20+s3+$0x0], $0xffff  }
0x67: {  	v19 =	vor.u32 v2, v43;
	v20 =	vmov s26;
	[tilespmem:s17+$0xFFFFFFA0] =	vst v30;
	v35 =	vld.idx.msk [tilespmem:v15+s3+$0x0], $0xffff;
	v30 =	vor.u32 v2, v39;
	v15 =	vmovc v44  }
0x68: {  	v26 =	vor.u32 v2, v41;
	v28 =	vor.u32 v3, v25;
	v20 =	vand.u32 $0x7B, v20;
	v40 =	vld.idx.msk [tilespmem:v42+s3+$0x0], $0xffff;
	[tilespmem:s18+$0xFFFFFFD0] =	vst v45  }
0x69: {  	s25 =	sadd.s32 $0x10, s25;
	v31 =	vor.u32 v2, v47;
	s26 =	sadd.s32 $0xFFFFFFFB, s21;
	v39 =	vld.idx.msk [tilespmem:v23+s3+$0x0], $0xffff;
	[tilespmem:s17+$0x90] =	vst v46;
	v23 =	vor.u32 v2, v10;
	v10 =	vbroadcast v20, $0x0  }
0x6a: {  	_ = 	snop  }
0x6b: {  	[tilespmem:s18+$0xD0] =	vst v37  }
0x6c: {  	[tilespmem:s22+$0x80] =	vst v24  }
0x6d: {  	[tilespmem:s22+$0xFFFFFF10] =	vst v33  }
0x6e: {  	v7 =	vld.idx.msk [tilespmem:v7+s3+$0x0], $0xffff;
	[tilespmem:s20+$0x0] =	vst v14  }
0x6f: {  	v5 =	vld.idx.msk [tilespmem:v5+s3+$0x0], $0xffff;
	[tilespmem:s18+$0x60] =	vst v36  }
0x70: {  	v41 =	vld.idx.msk [tilespmem:v29+s3+$0x0], $0xffff;
	[tilespmem:s17+$0x20] =	vst v35  }
0x71: {  	v20 =	vld.idx.msk [tilespmem:v38+s3+$0x0], $0xffff;
	[tilespmem:s18+$0xFFFFFF60] =	vst v40  }
0x72: {  	v18 =	vld.idx.msk [tilespmem:v18+s3+$0x0], $0xffff;
	[tilespmem:s22+$0xFFFFFF80] =	vst v39  }
0x73: {  	v38 =	vld.idx.msk [tilespmem:v32+s3+$0x0], $0xffff;
	[tilespmem:s17+$0xFFFFFFB0] =	vst v7  }
0x74: {  	v50 =	vld.idx.msk [tilespmem:v16+s3+$0x0], $0xffff;
	[tilespmem:s17+$0xA0] =	vst v5  }
0x75: {  	v52 =	vld.idx.msk [tilespmem:v12+s3+$0x0], $0xffff;
	[tilespmem:s17+$0xFFFFFF40] =	vst v41  }
0x76: {  	v42 =	vld.idx.msk [tilespmem:v23+s3+$0x0], $0xffff;
	[tilespmem:s18+$0xE0] =	vst v20  }
0x77: {  	v48 =	vor.u32 v2, v22;
	v6 =	vld.idx.msk [tilespmem:v6+s3+$0x0], $0xffff;
	[tilespmem:s22+$0xFFFFFF20] =	vst v18  }
0x78: {  	v43 =	vld.idx.msk [tilespmem:v30+s3+$0x0], $0xffff;
	[tilespmem:s18+$0xFFFFFFE0] =	vst v38  }
0x79: {  	v11 =	vld.idx.msk [tilespmem:v11+s3+$0x0], $0xffff;
	[tilespmem:s20+$0x10] =	vst v50  }
0x7a: {  	v51 =	vor.u32 v2, v17;
	v4 =	vld.idx.msk [tilespmem:v4+s3+$0x0], $0xffff;
	[tilespmem:s20+$0x90] =	vst v52  }
0x7b: {  	v53 =	vld.idx.msk [tilespmem:v28+s3+$0x0], $0xffff;
	[tilespmem:s18+$0x70] =	vst v42  }
0x7c: {  	v40 =	vor.u32 v2, v34;
	v54 =	vld.idx.msk [tilespmem:v48+s3+$0x0], $0xffff;
	[tilespmem:s17+$0x30] =	vst v6  }
0x7d: {  	s24 =	sadd.s32 $0xFFFFFFF3, s21;
	v47 =	vld.idx.msk [tilespmem:v31+s3+$0x0], $0xffff;
	[tilespmem:s18+$0xFFFFFF70] =	vst v43  }
0x7e: {  	s31 =	sadd.s32 $0xFFFFFFFF, s23;
	v30 =	vmov s24;
	v59 =	vld.idx.msk [tilespmem:v15+s3+$0x0], $0xffff;
	[tilespmem:s20+$0xFFFFFF90] =	vst v11  }
0x7f: {  	v57 =	vor.u32 v2, v25;
	v44 =	vmov s31;
	v20 =	vand.u32 $0x72, v30;
	v16 =	vld.idx.msk [tilespmem:v51+s3+$0x0], $0xffff;
	[tilespmem:s17+$0xB0] =	vst v4  }
0x80: {  	v46 =	vand.u32 $0x7E, v44;
	v24 =	vld.idx.msk [tilespmem:v27+s3+$0x0], $0xffff;
	v33 =	vbroadcast v20, $0x0;
	[tilespmem:s17+$0xFFFFFFC0] =	vst v53  }
0x81: {  	v25 =	vor.u32 v2, v21;
	s22 =	sadd.s32 $0xFFFFFFF4, s23;
	v45 =	vld.idx.msk [tilespmem:v40+s3+$0x0], $0xffff;
	v6 =	vbroadcast v46, $0x0;
	[tilespmem:s17+$0xFFFFFF50] =	vst v54  }
0x82: {  	s28 =	sadd.s32 $0xFFFFFFF8, s23;
	v58 =	vmov s22;
	v8 =	vld.idx.msk [tilespmem:v8+s3+$0x0], $0xffff;
	v36 =	vor.u32 v3, v33;
	[tilespmem:s18+$0xFFFFFFF0] =	vst v47  }
0x83: {  	v35 =	vmov s28;
	v60 =	vand.u32 $0x73, v58;
	v49 =	vor.u32 v3, v6;
	v13 =	vld.idx.msk [tilespmem:v13+s3+$0x0], $0xffff;
	[tilespmem:s20+$0x20] =	vst v59  }
0x84: {  	v56 =	vmov s26;
	v38 =	vand.u32 $0x77, v35;
	v63 =	vbroadcast v60, $0x0;
	v14 =	vld.idx.msk [tilespmem:v57+s3+$0x0], $0xffff;
	[tilespmem:s20+$0xFFFFFF30] =	vst v16  }
0x85: {  	s25 =	sadd.s32 $0xFFFFFFFF, s21;
	v5 =	vand.u32 $0x7A, v56;
	v15 =	vbroadcast v38, $0x0;
	[tilespmem:s20+$0xA0] =	vst v24;
	v19 =	vld.idx.msk [tilespmem:v19+s3+$0x0], $0xffff  }
0x86: {  	s26 =	sadd.s32 $0xFFFFFFF7, s21;
	v32 =	vmov s25;
	v61 =	vbroadcast v5, $0x0;
	v29 =	vor.u32 v3, v63;
	[tilespmem:s18+$0xF0] =	vst v45;
	v37 =	vld.idx.msk [tilespmem:v25+s3+$0x0], $0xffff  }
0x87: {  	v34 =	vmov s26;
	v43 =	vor.u32 v3, v15;
	v11 =	vand.u32 $0x7E, v32;
	[tilespmem:s17+$0x40] =	vst v8;
	v45 =	vld.idx.msk [tilespmem:v36+s3+$0x0], $0xffff  }
0x88: {  	v20 =	vand.u32 $0x76, v34;
	v28 =	vor.u32 v3, v61;
	v11 =	vbroadcast v11, $0x0;
	v55 =	vld.idx.msk [tilespmem:v49+s3+$0x0], $0xffff;
	[tilespmem:s20+$0xFFFFFFA0] =	vst v13  }
0x89: {  	v20 =	vbroadcast v20, $0x0;
	v62 =	vor.u32 v2, v6;
	v9 =	vld.idx.msk [tilespmem:v9+s3+$0x0], $0xffff;
	[tilespmem:s17+$0xFFFFFFD0] =	vst v14  }
0x8a: {  	v40 =	vor.u32 v3, v11;
	v39 =	vld.idx.msk [tilespmem:v26+s3+$0x0], $0xffff;
	[tilespmem:s20+$0x30] =	vst v19  }
0x8b: {  	v41 =	vor.u32 v3, v20;
	v18 =	vld.idx.msk [tilespmem:v29+s3+$0x0], $0xffff;
	[tilespmem:s20+$0xB0] =	vst v37  }
0x8c: {  	v47 =	vor.u32 v2, v33;
	v19 =	vld.idx.msk [tilespmem:v43+s3+$0x0], $0xffff;
	[tilespmem:s20+$0xFFFFFF40] =	vst v45  }
0x8d: {  	v27 =	vor.u32 v3, v10;
	v44 =	vld.idx.msk [tilespmem:v28+s3+$0x0], $0xffff;
	[tilespmem:s17+$0xC0] =	vst v55  }
0x8e: {  	s30 =	sadd.s32 $0xFFFFFFF4, s21;
	v52 =	vor.u32 v2, v10;
	v31 =	vmov s23;
	v6 =	vor.u32 v2, v63;
	[tilespmem:s17+$0x50] =	vst v9;
	v5 =	vld.idx.msk [tilespmem:v62+s3+$0x0], $0xffff  }
0x8f: {  	s29 =	sadd.s32 $0xFFFFFFFC, s21;
	v51 =	vmov s30;
	v4 =	vor.u32 v2, v61;
	v8 =	vand.u32 $0x7F, v31;
	v48 =	vld.idx.msk [tilespmem:v40+s3+$0x0], $0xffff;
	[tilespmem:s20+$0xFFFFFFB0] =	vst v39  }
0x90: {  	v46 =	vmov s29;
	v11 =	vor.u32 v2, v11;
	v8 =	vbroadcast v8, $0x0;
	[tilespmem:s17+$0xFFFFFF60] =	vst v18;
	v49 =	vld.idx.msk [tilespmem:v41+s3+$0x0], $0xffff  }
0x91: {  	v12 =	vand.u32 $0x7B, v46;
	v50 =	vor.u32 v2, v20;
	v13 =	vld.idx.msk [tilespmem:v47+s3+$0x0], $0xffff;
	v18 =	vand.u32 $0x73, v51;
	[tilespmem:s17+$0xFFFFFFE0] =	vst v19  }
0x92: {  	s31 =	sadd.s32 $0xFFFFFFF8, s21;
	v53 =	vmov s21;
	v42 =	vor.u32 v3, v8;
	v17 =	vld.idx.msk [tilespmem:v27+s3+$0x0], $0xffff;
	v54 =	vbroadcast v18, $0x0;
	[tilespmem:s20+$0x40] =	vst v44  }
0x93: {  	v12 =	vbroadcast v12, $0x0;
	v55 =	vmov s31;
	v6 =	vld.idx.msk [tilespmem:v6+s3+$0x0], $0xffff;
	[tilespmem:s17+$0xD0] =	vst v5;
	v5 =	vand.u32 $0x7F, v53  }
0x94: {  	v18 =	vand.u32 $0x77, v55;
	[tilespmem:s20+$0xC0] =	vst v48;
	v57 =	vor.u32 v3, v54;
	v4 =	vld.idx.msk [tilespmem:v4+s3+$0x0], $0xffff;
	v5 =	vbroadcast v5, $0x0  }
0x95: {  	v56 =	vor.u32 v3, v12;
	v58 =	vbroadcast v18, $0x0;
	v11 =	vld.idx.msk [tilespmem:v11+s3+$0x0], $0xffff;
	[tilespmem:s20+$0xFFFFFFC0] =	vst v49  }
0x96: {  	[tilespmem:s20+$0xFFFFFF50] =	vst v13;
	v59 =	vld.idx.msk [tilespmem:v50+s3+$0x0], $0xffff;
	v60 =	vor.u32 v3, v5  }
0x97: {  	[tilespmem:s17+$0x60] =	vst v17;
	v14 =	vld.idx.msk [tilespmem:v42+s3+$0x0], $0xffff;
	v3 =	vor.u32 v3, v58  }
0x98: {  	v61 =	vor.u32 v2, v15;
	v10 =	vld.idx.msk [tilespmem:v52+s3+$0x0], $0xffff;
	[tilespmem:s17+$0xFFFFFF70] =	vst v6  }
0x99: {  	v8 =	vor.u32 v2, v8;
	v9 =	vld.idx.msk [tilespmem:v57+s3+$0x0], $0xffff;
	[tilespmem:s20+$0x50] =	vst v4  }
0x9a: {  	v7 =	vor.u32 v2, v54;
	[tilespmem:s20+$0xD0] =	vst v11;
	v62 =	vld.idx.msk [tilespmem:v56+s3+$0x0], $0xffff  }
0x9b: {  	v12 =	vor.u32 v2, v12;
	[tilespmem:s20+$0xFFFFFFD0] =	vst v59;
	v11 =	vld.idx.msk [tilespmem:v60+s3+$0x0], $0xffff  }
0x9c: {  	v5 =	vor.u32 v2, v5;
	[tilespmem:s17+$0xE0] =	vst v14;
	v3 =	vld.idx.msk [tilespmem:v3+s3+$0x0], $0xffff  }
0x9d: {  	v2 =	vor.u32 v2, v58;
	v4 =	vld.idx.msk [tilespmem:v61+s3+$0x0], $0xffff;
	[tilespmem:s17+$0x70] =	vst v10  }
0x9e: {  	v8 =	vld.idx.msk [tilespmem:v8+s3+$0x0], $0xffff;
	[tilespmem:s20+$0xFFFFFF60] =	vst v9  }
0x9f: {  	v7 =	vld.idx.msk [tilespmem:v7+s3+$0x0], $0xffff;
	[tilespmem:s20+$0x60] =	vst v62  }
0xa0: {  	v63 =	vld.idx.msk [tilespmem:v12+s3+$0x0], $0xffff;
	[tilespmem:s20+$0xE0] =	vst v11  }
0xa1: {  	v5 =	vld.idx.msk [tilespmem:v5+s3+$0x0], $0xffff;
	[tilespmem:s20+$0xFFFFFFE0] =	vst v3  }
0xa2: {  	[tilespmem:s17+$0xFFFFFFF0] =	vst v4;
	v2 =	vld.idx.msk [tilespmem:v2+s3+$0x0], $0xffff  }
0xa3: {  	[tilespmem:s17+$0xF0] =	vst v8  }
0xa4: {  	[tilespmem:s20+$0xFFFFFF70] =	vst v7  }
0xa5: {  	[tilespmem:s20+$0x70] =	vst v63  }
0xa6: {  	p1 =	slt.u32 s16, $0x2;
	s17 =	sadd.s32 s4, s16;
	[tilespmem:s20+$0xF0] =	vst v5  }
0xa7: {  	s18 =	simm.s32 @!p1 $0x2;
	p2 =	slt.s32 s17, $0x4F58;
	[tilespmem:s20+$0xFFFFFFF0] =	vst v2  }
0xa8: {  	s17 =	simm.s32 @!p2 $0x4F58;
	_ =	swait.ge @!p1 [sflag:s18], $0x1000  }
0xa9: {  	s17 =	sshll.u32 s17, $0x9;
	[sflag:s18] =	ssyncset.done @!p1 $0x0  }
0xaa: {  	s17 =	sadd.s32 s5, s17;
	[sflag:s18] =	ssyncadd.s32 @!p1 $0xFFFFF000;
	p1 =	sgt.u32 s16, $0x278  }
0xab: {  	[hbm4b:s17+s3] =	stream.linear.scatter [tilespmem:s19], [sflag:$0x2], $0x1000, $0x38;
	[tilespmem:$0x4000] =	vst v63  }
0xac: {  	s17 =	sadd.s32 @!p1 s16, s8  }
0xad: {  	p2 =	slt.s32 @!p1 s17, $0x4F58  }
0xae: {  	p2 =	por !p2, p1  }
0xaf: {  	s18 =	sshll.u32 @!p1 s16, $0xC;
	s17 =	simm.s32 @p2 $0x4F58  }
0xb0: {  	s19 =	simm.s32 @!p1 $0x400;
	s20 =	simm.s32 @!p1 $0x13D6400;
	s17 =	sshll.u32 @!p1 s17, $0x7  }
0xb1: {  	s16 =	sadd.s32 $0x1, s16;
	s18 =	sand.u32 @!p1 $0x1000, s18;
	s17 =	sadd.s32 @!p1 s2, s17  }
0xb2: {  	[tilespmem:s18], [sflag:$0x1] =	stream.strided.gather @!p1 [hbm4b:s17+s19], $0x1000, s20, s19, $0x38;
	[tilespmem:$0x4000] =	vst v63  }
0xb3: {  	p1 =	sne.s32 s16, $0x27B  }
.Ltmp1:
0xb4: {  	_ = 	snop;
	(pc) =	sbr.rel @p1 .LBB2_2-.Ltmp1, $2  }
0xb5: {  	_ =	sdelay $0x2  }
0xb6: {  	p0 =	por !p0, !p0  }
0xb7: {  	s15 =	sadd.s32 $0x1, s15  }
0xb8: {  	_ =	swait.ge [sflag:s14], $0x1000;
	p0 =	sne.s32 s15, s9  }
.Ltmp2:
0xb9: {  	[sflag:s14] =	ssyncset.done $0x0;
	(pc) =	sbr.rel @p0 .LBB2_1-.Ltmp2, $4  }
0xba: {  	[sflag:s14] =	ssyncadd.s32 $0xFFFFF000  }
0xbb: {  	_ =	swait.ge [sflag:s14], $0x1000  }
0xbc: {  	[sflag:s14] =	ssyncset.done $0x0  }
0xbd: {  	[sflag:s14] =	ssyncadd.s32 $0xFFFFF000  }
0xbe: {  	_ =	sfence.sel $0x180000  }
0xbf: {  	[bflag:$0x0] =	sbarrier.arrive $0xFFFF  }
0xc0: {  	p0 =	sne.s32 s0, $0x0;
	_ =	strace $0x90000047  }
0xc1: {  	s0 =	sadd.s32 @!p0 $0x100000, s1;
	[bflag:$0x2] =	sbarrier.arrive $0xFFFF  }
0xc2: {  	[sflag:s0] =	ssyncadd.tile.s32 @!p0 $0x1;
	_ =	shalt  }
.Lfunc_end2:
_tile_overlayer_lowered:
.L_overlay_start_2:
0xc3: {  	(tag) =	ssettag $0x2  }
0xc4: {  	s0 =	rddreg [dreg:$0x0];
	s2 =	stileid.u32  }
0xc5: {  	s1 =	rddreg [dreg:$0x1];
	p0 =	sne.s32 s2, $0x0  }
0xc6: {  	s3 =	rddreg [dreg:$0x2];
	[bflag:$0x3] =	sbarrier.arrive $0xFFFF;
	s2 =	simm.s32 @!p0 $0x1C03  }
0xc7: {  	[timem:s3], [sflag:s2] =	dma.local @!p0 [hbm:s0], s1  }
0xc8: {  	s0 =	simm.s32 @!p0 $0x3  }
0xc9: {  	_ =	swait.ge @!p0 [sflag:s0], s1  }
0xca: {  	s1 =	ssub.s32 @!p0 $0x0, s1;
	[sflag:s0] =	ssyncset.done @!p0 $0x0  }
0xcb: {  	[sflag:s0] =	ssyncadd.s32 @!p0 s1  }
0xcc: {  	[bflag:$0x3] =	sbarrier.arrive $0xFFFF  }
0xcd: {  	_ =	shalt  }

// kernel: kernel.7.cloned.1.call-start
scs
__scs_entry_jumppad:
0x0: {  	(pc) =	sbr.rel $0x88, $3  }
0x1: {  	(tag) =	ssettag $0x0;
	lr =	simm.s32 $0x1  }
0x2: {  	[smem:$0x3F9E] =	sst lr;
	_ =	strace $0xD0000000  }
0x3: {  	_ = 	snop  }
0x4: {  	_ = 	snop  }
0x5: {  	_ = 	snop  }
0x6: {  	_ = 	snop  }
0x7: {  	_ = 	snop  }
__scs_overlays_trampoline_lowered:
0x8: {  	[smem:$0x3FAD] =	sst s0  }
0x9: {  	[smem:$0x3FAE] =	sst s1  }
0xa: {  	[smem:$0x3FAF] =	sst s2  }
0xb: {  	[smem:$0x3FB0] =	sst s3  }
0xc: {  	[smem:$0x3FB1] =	sst s4  }
0xd: {  	[smem:$0x3FB2] =	sst s5  }
0xe: {  	[smem:$0x3FB3] =	sst s6  }
0xf: {  	[smem:$0x3FB4] =	sst s7  }
0x10: {  	[smem:$0x3FB5] =	sst s8  }
0x11: {  	[smem:$0x3FB6] =	sst s9;
	s0 =	simm.s32 @!p0 $0x0  }
0x12: {  	s1 =	sld [smem:$0x3F9C];
	s0 =	simm.s32 @p0 $0x1  }
0x13: {  	[smem:$0x3FB7] =	sst s0;
	s0 =	simm.s32 @!p1 $0x0  }
0x14: {  	s2 =	sld [smem:$0x3F9B];
	s0 =	simm.s32 @p1 $0x1  }
0x15: {  	[smem:$0x3FB8] =	sst s0;
	s0 =	simm.s32 @!p2 $0x0  }
0x16: {  	s3 =	sld [smem:$0x3FDB];
	s0 =	simm.s32 @p2 $0x1  }
0x17: {  	s4 =	simm.s32 $0x1BF5;
	[smem:$0x3FBA] =	sst s0  }
0x18: {  	s0 =	sld [smem:$0x3F9D];
	_ =	swait.ge [sflag:s4], $0x0  }
0x19: {  	s7 =	sld [smem:$0x3F9E]  }
0x1a: {  	s8 =	sadd.s32 $0xFFFFE003, lr  }
0x1b: {  	s9 =	sadd.s32 $0xFFFFFEF7, lr;
	s5 =	simm.s32 $0xFFFFFFFF;
	p2 =	slt.u32 s8, $0xFFFFF086  }
0x1c: {  	p1 =	slt.u32 s9, $0xF7A;
	s5 =	simm.s32 @!p2 $0x0  }
0x1d: {  	s5 =	simm.s32 @p1 $0x1;
	p0 =	seq.s32 s7, s2  }
0x1e: {  	s7 =	smul.u32 @!p0 $0xF7A, s2;
	p2 =	seq.s32 @!p0 s5, $0x0  }
0x1f: {  	s9 =	smul.u32 $0xF7A, s1;
	s8 =	simm.s32 @!p0 $0x1BF5;
	p2 =	por !p2, p0  }
0x20: {  	[sflag:s8] =	ssyncset.s32 @!p0 $0xFFFFF086;
	s6 =	sadd.s32 @!p0 s3, s7;
	s7 =	simm.s32 @!p0 $0x108  }
0x21: {  	s3 =	sadd.s32 s3, s9;
	s6 =	sadd.s32 @!p0 $0x88, s6;
	s7 =	simm.s32 @p2 $0x1082  }
0x22: {  	[simem:s7], [sflag:s8] =	dma.local @!p0 [hbm:s6], $0xF7A  }
0x23: {  	s9 =	sor.u32 $0xD0000000, s2;
	s6 =	simm.s32 $0x108;
	_ =	swait.ge @!p0 [sflag:s8], $0x0  }
0x24: {  	s3 =	sadd.s32 $0x88, s3;
	s6 =	simm.s32 @!p1 $0x1082;
	[sflag:s4] =	ssyncset.s32 $0xFFFFF086  }
0x25: {  	[simem:s6], [sflag:s4] =	dma.local [hbm:s3], $0xF7A  }
0x26: {  	[smem:$0x3F9E] =	sst s1;
	(tag) =	ssettag s2;
	_ =	strace s9  }
0x27: {  	s1 =	sld [smem:$0x3FAE]  }
0x28: {  	s2 =	sld [smem:$0x3FAF]  }
0x29: {  	s4 =	sld [smem:$0x3FB1]  }
0x2a: {  	p0 =	seq.s32 s5, $0x0;
	s5 =	sld [smem:$0x3FB2]  }
0x2b: {  	s6 =	sld [smem:$0x3FB3]  }
0x2c: {  	s7 =	sld [smem:$0x3FB4]  }
0x2d: {  	s3 =	simm.s32 $0x108;
	s8 =	sld [smem:$0x3FB5]  }
0x2e: {  	s3 =	simm.s32 @!p0 $0x1082;
	s9 =	sld [smem:$0x3FB6]  }
0x2f: {  	lr =	sadd.s32 s0, s3;
	s0 =	sld [smem:$0x3FAD]  }
0x30: {  	s3 =	sld [smem:$0x3FB0]  }
0x31: {  	[smem:$0x3FB9] =	sst s10  }
0x32: {  	s10 =	sld [smem:$0x3FB7];
	_ =	sdelay $0x3  }
0x33: {  	p0 =	seq.s32 s10, $0x1;
	s10 =	sld [smem:$0x3FB9];
	_ =	sdelay $0x3  }
0x34: {  	[smem:$0x3FB9] =	sst s10  }
0x35: {  	s10 =	sld [smem:$0x3FB8];
	_ =	sdelay $0x3  }
0x36: {  	p1 =	seq.s32 s10, $0x1;
	s10 =	sld [smem:$0x3FB9];
	_ =	sdelay $0x3  }
0x37: {  	[smem:$0x3FB9] =	sst s10  }
0x38: {  	s10 =	sld [smem:$0x3FBA]  }
0x39: {  	_ = 	snop;
	(pc) =	sbr.ind lr, $3  }
0x3a: {  	_ = 	snop  }
0x3b: {  	_ = 	snop  }
0x3c: {  	p2 =	seq.s32 s10, $0x1;
	s10 =	sld [smem:$0x3FB9]  }
0x3d: {  	_ =	shalt  }
0x3e: {  	_ =	shalt  }
0x3f: {  	_ =	shalt  }
0x40: {  	_ =	shalt  }
0x41: {  	_ =	shalt  }
0x42: {  	_ =	shalt  }
0x43: {  	_ =	shalt  }
0x44: {  	_ =	shalt  }
0x45: {  	_ =	shalt  }
0x46: {  	_ =	shalt  }
0x47: {  	_ =	shalt  }
0x48: {  	_ =	shalt  }
0x49: {  	_ =	shalt  }
0x4a: {  	_ =	shalt  }
0x4b: {  	_ =	shalt  }
0x4c: {  	_ =	shalt  }
0x4d: {  	_ =	shalt  }
0x4e: {  	_ =	shalt  }
0x4f: {  	_ =	shalt  }
0x50: {  	_ =	shalt  }
0x51: {  	_ =	shalt  }
0x52: {  	_ =	shalt  }
0x53: {  	_ =	shalt  }
0x54: {  	_ =	shalt  }
0x55: {  	_ =	shalt  }
0x56: {  	_ =	shalt  }
0x57: {  	_ =	shalt  }
0x58: {  	_ =	shalt  }
0x59: {  	_ =	shalt  }
0x5a: {  	_ =	shalt  }
0x5b: {  	_ =	shalt  }
0x5c: {  	_ =	shalt  }
0x5d: {  	_ =	shalt  }
0x5e: {  	_ =	shalt  }
0x5f: {  	_ =	shalt  }
0x60: {  	_ =	shalt  }
0x61: {  	_ =	shalt  }
0x62: {  	_ =	shalt  }
0x63: {  	_ =	shalt  }
0x64: {  	_ =	shalt  }
0x65: {  	_ =	shalt  }
0x66: {  	_ =	shalt  }
0x67: {  	_ =	shalt  }
0x68: {  	_ =	shalt  }
0x69: {  	_ =	shalt  }
0x6a: {  	_ =	shalt  }
0x6b: {  	_ =	shalt  }
0x6c: {  	_ =	shalt  }
0x6d: {  	_ =	shalt  }
0x6e: {  	_ =	shalt  }
0x6f: {  	_ =	shalt  }
0x70: {  	_ =	shalt  }
0x71: {  	_ =	shalt  }
0x72: {  	_ =	shalt  }
0x73: {  	_ =	shalt  }
0x74: {  	_ =	shalt  }
0x75: {  	_ =	shalt  }
0x76: {  	_ =	shalt  }
0x77: {  	_ =	shalt  }
0x78: {  	_ =	shalt  }
0x79: {  	_ =	shalt  }
0x7a: {  	_ =	shalt  }
0x7b: {  	_ =	shalt  }
0x7c: {  	_ =	shalt  }
0x7d: {  	_ =	shalt  }
0x7e: {  	_ =	shalt  }
0x7f: {  	_ =	shalt  }
0x80: {  	_ =	shalt  }
0x81: {  	_ =	shalt  }
0x82: {  	_ =	shalt  }
0x83: {  	_ =	shalt  }
0x84: {  	_ =	shalt  }
0x85: {  	_ =	shalt  }
0x86: {  	_ =	shalt  }
0x87: {  	_ =	shalt  }
.Lfunc_end0:
.L_simem_size_0:
called_computation.1_lowered:
.L_overlay_start_0:
0x88: {  	s2 =	sld [smem:$0x3FD9]  }
0x89: {  	s3 =	sld [smem:$0x3FFE];
	_ =	sdelay $0x1  }
0x8a: {  	s1 =	srdreg.scid  }
0x8b: {  	s0 =	sand.u32 $0x1, s1  }
0x8c: {  	s17 =	sshll.u32 s0, $0xA;
	s2 =	sadd.s32 s3, s2  }
0x8d: {  	s2 =	sadd.s32 s2, s17  }
0x8e: {  	[smem:$0x3FC5] =	sst s2  }
0x8f: {  	_ = 	snop  }
0x90: {  	s2 =	sld [smem:$0x3FD0];
	(tm) =	ssettm $0x1  }
0x91: {  	s18 =	sld [smem:$0x3FFB];
	_ =	sdelay $0x3  }
0x92: {  	_ =	strace s18  }
0x93: {  	s3 =	sld [smem:$0x3FFC];
	_ =	sdelay $0x3  }
0x94: {  	_ =	strace s3  }
0x95: {  	s3 =	sld [smem:$0x3FFD];
	_ =	sdelay $0x3  }
0x96: {  	_ =	strace s3  }
0x97: {  	_ =	strace $0x8FFFFFFF  }
0x98: {  	s19 =	sld [smem:$0x3FDB];
	_ =	sdelay $0x1  }
0x99: {  	s4 =	simm.s32 $_scs_section_size  }
0x9a: {  	s5 =	simm.s32 $_size__tile_overlayer_lowered;
	s6 =	simm.s32 $_tile_overlayer_lowered  }
0x9b: {  	s22 =	simm.s32 $0x1BFF;
	s21 =	sshll.u32 s6, $0x1;
	s3 =	sadd.s32 s4, s19  }
0x9c: {  	s7 =	simm.s32 $0x0;
	s20 =	sshll.u32 s5, $0x1;
	s5 =	sadd.s32 s21, s3  }
0x9d: {  	[timem:s7], [sflag:s22] =	dma.local [hbm:s5], s20  }
0x9e: {  	_ =	swait.ge [sflag:s22], s20  }
0x9f: {  	s4 =	ssub.s32 $0x0, s20;
	[sflag:s22] =	ssyncset.done $0x0  }
0xa0: {  	[sflag:s22] =	ssyncadd.s32 s4;
	_ =	sdelay $0x1  }
0xa1: {  	s23 =	simm.s32 $0x1B8B  }
0xa2: {  	_ =	swait.ge [sflag:s23], $0x1  }
0xa3: {  	[sflag:s23] =	ssyncset.done $0x0  }
0xa4: {  	s25 =	simm.s32 $0x1B8E;
	s24 =	sld [smem:$0x3FFE];
	[sflag:s23] =	ssyncadd.s32 $0xFFFFFFFF  }
0xa5: {  	s26 =	simm.s32 $execute0_lowered;
	[smem:$0x3FD2] =	sst s25  }
0xa6: {  	s5 =	sshll.u32 s26, $0x1;
	_ =	strace $0x80000049;
	[dreg:$0x1] =	wrdreg $0xFFFFFFFF  }
0xa7: {  	s28 =	simm.s32 $_size_execute0_lowered;
	s3 =	sadd.s32 s3, s5;
	[dreg:$0x0] =	wrdreg $0x0  }
0xa8: {  	s5 =	sshll.u32 s28, $0x1;
	[dreg:$0x2] =	wrdreg s3  }
0xa9: {  	[dreg:$0x3] =	wrdreg s5  }
0xaa: {  	[dreg:$0x4] =	wrdreg $0xC0  }
0xab: {  	_ =	task [dreg:s7], $0x5FFFF  }
0xac: {  	[dreg:$0x1] =	wrdreg $0xFFFFFFFF  }
0xad: {  	[dreg:$0x0] =	wrdreg $0x60  }
0xae: {  	[dreg:$0x2] =	wrdreg s24  }
0xaf: {  	[dreg:$0x3] =	wrdreg s2  }
0xb0: {  	[dreg:$0x4] =	wrdreg $0x9  }
0xb1: {  	_ =	task.clear_ibuf [dreg:s7], $0x5FFFF;
	_ =	strace $0x90000049  }
0xb2: {  	s29 =	simm.s32 $0x9;
	_ =	strace $0x8000004B  }
0xb3: {  	_ =	swait.ge [sflag:s29], $0x1  }
0xb4: {  	[sflag:s29] =	ssyncadd.s32 $0xFFFFFFFF  }
0xb5: {  	_ =	strace $0x9000004B  }
0xb6: {  	_ =	sfence  }
0xb7: {  	s30 =	sld [smem:$0x0];
	_ =	sdelay $0x2  }
0xb8: {  	s31 =	sshll.u32 s1, $0xD;
	s1 =	sshrl.u32 s1, $0x2  }
0xb9: {  	s3 =	sand.u32 $0x4000, s31;
	s1 =	sadd.s32 s1, s30  }
0xba: {  	s0 =	sor.u32 s3, s0;
	s1 =	sshll.u32 s1, $0x11  }
0xbb: {  	s0 =	sor.u32 s1, s0  }
0xbc: {  	s0 =	sadd.s32 $0x8F2B, s0  }
0xbd: {  	[sflag:s0] =	ssyncadd.remote.s32 $0x1  }
0xbe: {  	_ =	sfence.sel $0xFFFF  }
0xbf: {  	[dreg:$0x0] =	wrdreg $0xFFFFFFFF;
	(pc) =	sbr.abs _section_cstart, $3  }
0xc0: {  	[dreg:$0x1] =	wrdreg $0xFFFFFFFF  }
0xc1: {  	_ =	task.clear_ibuf [dreg:s7], $0x2FFFF;
	_ =	strace $0x9FFFFFFF  }
0xc2: {  	(tm) =	ssettm $0x7FFFFFFF  }
0xc3: {  	_ =	shalt  }
tec
execute0_lowered:
.L_overlay_start_1:
0x0: {  	(tag) =	ssettag $0x1  }
0x1: {  	s0 =	srdreg.scid  }
0x2: {  	s10 =	stileid.u32;
	s1 =	rddreg [dreg:$0x0]  }
0x3: {  	s2 =	rddreg [dreg:$0x1];
	s0 =	sand.u32 $0x1, s0;
	s3 =	sshll.u32 s10, $0x1  }
0x4: {  	s13 =	simm.s32 $0x3;
	s15 =	simm.s32 $0x80;
	s4 =	sor.u32 s0, s3  }
0x5: {  	s17 =	simm.s32 $0x3780;
	s20 =	simm.s32 $0x1;
	s5 =	smul.u32 $0x680, s4  }
0x6: {  	s21 =	simm.s32 $0x2;
	s22 =	simm.s32 $0x0;
	s4 =	smul.u32 $0x68, s4  }
0x7: {  	s8 =	sadd.s32 $0x9EBE00, s1;
	s12 =	smul.u32 $0xD0, s10;
	s3 =	simm.s32 $0x0  }
0x8: {  	v0 =	vlaneseq.u32;
	s7 =	ssub.s32 $0x2, s0;
	s0 =	smul.u32 $0x68, s0;
	s6 =	sshrl.u32 s4, $0x7  }
0x9: {  	s10 =	sadd.s32 $0xC000, s2;
	v0 =	vmul.u32 $0x80, v0;
	[smem:$0x7FF] =	sst s3;
	s9 =	smul.u32 $0x186A0, s6  }
0xa: {  	s29 =	sshrl.u32 s7, $0x1;
	_ =	strace $0x8000004A;
	[dreg:$0x3] =	wrdreg s8  }
0xb: {  	v2 =	vor.u32 $0x800, v0;
	v3 =	vor.u32 $0x1000, v0;
	s30 =	ssub.s32 s7, s29;
	s8 =	sadd.s32 $0x4000, s2;
	s31 =	scvt.s32.f32 s9  }
0xc: {  	v4 =	vor.u32 $0x1800, v0;
	v5 =	vor.u32 $0x2000, v0;
	v6 =	vor.u32 $0x2800, v0;
	s12 =	sadd.s32 s0, s12;
	s5 =	sadd.s32 s5, s1;
	s11 =	smax.u32 s30, $0x1  }
0xd: {  	v7 =	vor.u32 $0x3000, v0;
	v8 =	vor.u32 $0x3800, v0;
	s6 =	sadd.s32 $0xC00, s1;
	s7 =	sadd.s32 $0x9EC600, s5;
	s9 =	sadd.s32 $0x8000, s2;
	v1 =	vmov s31  }
.LBB2_1:
0xe: {  	[tilespmem:s3], [sflag:$0x3] =	stream.linear.gather [hbm4b:s7+s3], $0x3400, $0x38;
	[tilespmem:$0x14B80] =	vst v63  }
0xf: {  	_ =	swait.ge [sflag:s13], $0x3400  }
0x10: {  	[sflag:s13] =	ssyncset.done $0x0  }
0x11: {  	s1 =	simm.s32 $0x11780;
	s0 =	rddreg [dreg:$0x3];
	[sflag:s13] =	ssyncadd.s32 $0xFFFFCC00  }
0x12: {  	[tilespmem:s1], [sflag:$0x3] =	stream.linear.gather [hbm4b:s0+s3], $0x3400, $0x38;
	[tilespmem:$0x14B80] =	vst v63  }
0x13: {  	_ =	swait.ge [sflag:s13], $0x3400  }
0x14: {  	[sflag:s13] =	ssyncset.done $0x0  }
0x15: {  	[sflag:s13] =	ssyncadd.s32 $0xFFFFCC00  }
0x16: {  	v9 =	vld [tilespmem:$0x0];
	_ =	sdelay $0x1  }
0x17: {  	v10 =	vld [tilespmem:$0x10];
	_ =	sdelay $0x1  }
0x18: {  	v11 =	vld [tilespmem:$0x20]  }
0x19: {  	v9 =	vadd.f32 v9, v1  }
0x1a: {  	v12 =	vld [tilespmem:$0x30]  }
0x1b: {  	v10 =	vadd.f32 v10, v1;
	v9 =	vtrunc.f32 v9  }
0x1c: {  	v13 =	vld [tilespmem:$0x40];
	v9 =	vcvt.f32.s32 v9  }
0x1d: {  	v11 =	vadd.f32 v11, v1;
	v10 =	vtrunc.f32 v10  }
0x1e: {  	v15 =	vld [tilespmem:$0x50];
	v10 =	vcvt.f32.s32 v10;
	v14 =	vshra.s32 v9, $0x2;
	v9 =	vshll.u32 v9, $0x5  }
0x1f: {  	v12 =	vadd.f32 v12, v1;
	v11 =	vtrunc.f32 v11;
	[tilespmem:$0x3400] =	vst v14;
	v9 =	vand.u32 $0x60, v9  }
0x20: {  	v48 =	vld [tilespmem:$0x60];
	v11 =	vcvt.f32.s32 v11;
	[tilespmem:$0x3600] =	vst v9;
	v9 =	vshra.s32 v10, $0x2;
	v10 =	vshll.u32 v10, $0x5  }
0x21: {  	v49 =	vadd.f32 v13, v1;
	[tilespmem:$0x3410] =	vst v9;
	v9 =	vand.u32 $0x60, v10;
	v10 =	vtrunc.f32 v12  }
0x22: {  	v50 =	vld [tilespmem:$0x70];
	[tilespmem:$0x3610] =	vst v9;
	v9 =	vshra.s32 v11, $0x2;
	v11 =	vshll.u32 v11, $0x5;
	v10 =	vcvt.f32.s32 v10  }
0x23: {  	v51 =	vadd.f32 v15, v1;
	[tilespmem:$0x3420] =	vst v9;
	v9 =	vand.u32 $0x60, v11;
	v11 =	vtrunc.f32 v49  }
0x24: {  	[tilespmem:$0x3620] =	vst v9;
	v9 =	vshra.s32 v10, $0x2;
	v10 =	vshll.u32 v10, $0x5;
	v11 =	vcvt.f32.s32 v11  }
0x25: {  	v52 =	vadd.f32 v48, v1;
	[tilespmem:$0x3430] =	vst v9;
	v9 =	vand.u32 $0x60, v10;
	v10 =	vtrunc.f32 v51  }
0x26: {  	[tilespmem:$0x3630] =	vst v9;
	v9 =	vshra.s32 v11, $0x2;
	v11 =	vshll.u32 v11, $0x5;
	v10 =	vcvt.f32.s32 v10  }
0x27: {  	v53 =	vadd.f32 v50, v1;
	[tilespmem:$0x3440] =	vst v9;
	v9 =	vand.u32 $0x60, v11;
	v11 =	vtrunc.f32 v52  }
0x28: {  	[tilespmem:$0x3640] =	vst v9;
	v9 =	vshra.s32 v10, $0x2;
	v10 =	vshll.u32 v10, $0x5;
	v11 =	vcvt.f32.s32 v11  }
0x29: {  	[tilespmem:$0x3450] =	vst v9;
	v9 =	vand.u32 $0x60, v10;
	v10 =	vtrunc.f32 v53  }
0x2a: {  	[tilespmem:$0x3650] =	vst v9;
	v9 =	vshra.s32 v11, $0x2;
	v11 =	vshll.u32 v11, $0x5;
	v10 =	vcvt.f32.s32 v10  }
0x2b: {  	[tilespmem:$0x3460] =	vst v9;
	v9 =	vand.u32 $0x60, v11  }
0x2c: {  	[tilespmem:$0x3660] =	vst v9;
	v9 =	vshra.s32 v10, $0x2;
	v10 =	vshll.u32 v10, $0x5  }
0x2d: {  	[tilespmem:$0x3470] =	vst v9;
	v9 =	vand.u32 $0x60, v10  }
0x2e: {  	s29 =	simm.s32 $0x3400;
	[tilespmem:$0x3670] =	vst v9  }
0x2f: {  	[tilespmem:s17], [sflag:$0x1] =	stream.indirect.gather [hbm4b:s6+s15], $0x80, s29, s15, $0xb8;
	[tilespmem:$0x14B80] =	vst v63  }
0x30: {  	v9 =	vld [tilespmem:$0x80];
	_ =	sdelay $0x1  }
0x31: {  	v10 =	vld [tilespmem:$0x90];
	_ =	sdelay $0x1  }
0x32: {  	v11 =	vld [tilespmem:$0xA0]  }
0x33: {  	v9 =	vadd.f32 v9, v1  }
0x34: {  	v54 =	vld [tilespmem:$0xB0]  }
0x35: {  	v10 =	vadd.f32 v10, v1;
	v9 =	vtrunc.f32 v9  }
0x36: {  	v55 =	vld [tilespmem:$0xC0];
	v9 =	vcvt.f32.s32 v9  }
0x37: {  	v11 =	vadd.f32 v11, v1;
	v10 =	vtrunc.f32 v10  }
0x38: {  	v57 =	vld [tilespmem:$0xD0];
	v10 =	vcvt.f32.s32 v10;
	v56 =	vshra.s32 v9, $0x2;
	v9 =	vshll.u32 v9, $0x5  }
0x39: {  	v12 =	vadd.f32 v54, v1;
	v11 =	vtrunc.f32 v11;
	[tilespmem:$0x3480] =	vst v56;
	v9 =	vand.u32 $0x60, v9  }
0x3a: {  	v58 =	vld [tilespmem:$0xE0];
	v11 =	vcvt.f32.s32 v11;
	[tilespmem:$0x3680] =	vst v9;
	v9 =	vshra.s32 v10, $0x2;
	v10 =	vshll.u32 v10, $0x5  }
0x3b: {  	v59 =	vadd.f32 v55, v1;
	[tilespmem:$0x3490] =	vst v9;
	v9 =	vand.u32 $0x60, v10;
	v10 =	vtrunc.f32 v12  }
0x3c: {  	v60 =	vld [tilespmem:$0xF0];
	[tilespmem:$0x3690] =	vst v9;
	v9 =	vshra.s32 v11, $0x2;
	v11 =	vshll.u32 v11, $0x5;
	v10 =	vcvt.f32.s32 v10  }
0x3d: {  	v61 =	vadd.f32 v57, v1;
	[tilespmem:$0x34A0] =	vst v9;
	v9 =	vand.u32 $0x60, v11;
	v11 =	vtrunc.f32 v59  }
0x3e: {  	[tilespmem:$0x36A0] =	vst v9;
	v9 =	vshra.s32 v10, $0x2;
	v10 =	vshll.u32 v10, $0x5;
	v11 =	vcvt.f32.s32 v11  }
0x3f: {  	v62 =	vadd.f32 v58, v1;
	[tilespmem:$0x34B0] =	vst v9;
	v9 =	vand.u32 $0x60, v10;
	v10 =	vtrunc.f32 v61  }
0x40: {  	[tilespmem:$0x36B0] =	vst v9;
	v9 =	vshra.s32 v11, $0x2;
	v11 =	vshll.u32 v11, $0x5;
	v10 =	vcvt.f32.s32 v10  }
0x41: {  	v63 =	vadd.f32 v60, v1;
	[tilespmem:$0x34C0] =	vst v9;
	v9 =	vand.u32 $0x60, v11;
	v11 =	vtrunc.f32 v62  }
0x42: {  	[tilespmem:$0x36C0] =	vst v9;
	v9 =	vshra.s32 v10, $0x2;
	v10 =	vshll.u32 v10, $0x5;
	v11 =	vcvt.f32.s32 v11  }
0x43: {  	[tilespmem:$0x34D0] =	vst v9;
	v9 =	vand.u32 $0x60, v10;
	v10 =	vtrunc.f32 v63  }
0x44: {  	[tilespmem:$0x36D0] =	vst v9;
	v9 =	vshra.s32 v11, $0x2;
	v11 =	vshll.u32 v11, $0x5;
	v10 =	vcvt.f32.s32 v10  }
0x45: {  	[tilespmem:$0x34E0] =	vst v9;
	v9 =	vand.u32 $0x60, v11  }
0x46: {  	[tilespmem:$0x36E0] =	vst v9;
	v9 =	vshra.s32 v10, $0x2;
	v10 =	vshll.u32 v10, $0x5  }
0x47: {  	s30 =	simm.s32 $0x3480;
	s31 =	simm.s32 $0x7780;
	[tilespmem:$0x34F0] =	vst v9;
	v9 =	vand.u32 $0x60, v10  }
0x48: {  	p0 =	por $0x0, $0x0;
	s23 =	smov.u32 s12;
	s24 =	simm.s32 $0x0;
	[tilespmem:$0x36F0] =	vst v9  }
0x49: {  	[tilespmem:s31], [sflag:$0x1] =	stream.indirect.gather [hbm4b:s6+s15], $0x80, s30, s15, $0xb8;
	[tilespmem:$0x14B80] =	vst v63  }
.LBB2_2:
0x4a: {  	p1 =	sgt.u32 s24, $0x65  }
.Ltmp0:
0x4b: {  	_ = 	snop;
	(pc) =	sbr.rel @p1 .LBB2_4-.Ltmp0, $1  }
0x4c: {  	_ =	sdelay $0x3  }
0x4d: {  	s1 =	sadd.s32 $0x2, s24  }
0x4e: {  	s0 =	sadd.s32 s4, s1;
	s5 =	sshll.u32 s1, $0x7  }
0x4f: {  	s14 =	sshrl.u32 s0, $0x7;
	s0 =	sand.u32 $0x3FFFFF80, s5  }
0x50: {  	s16 =	smul.u32 $0xAB, s1;
	v9 =	vld [tilespmem:s0+$0x0]  }
0x51: {  	s29 =	smul.u32 $0x186A0, s14;
	_ =	sdelay $0x1  }
0x52: {  	s30 =	sshrl.u32 s16, $0x9;
	s14 =	scvt.s32.f32 s29  }
0x53: {  	s5 =	sand.u32 $0x7F, s30  }
0x54: {  	s5 =	smul.u32 $0x3, s5;
	v9 =	vadd.f32 s14, v9;
	_ =	sdelay $0x1  }
0x55: {  	s1 =	ssub.s32 s1, s5;
	v9 =	vtrunc.f32 v9  }
0x56: {  	s1 =	sand.u32 $0xFF, s1;
	v9 =	vcvt.f32.s32 v9  }
0x57: {  	s16 =	sshll.u32 s1, $0x7  }
0x58: {  	s5 =	sor.u32 $0x3400, s16;
	v10 =	vshra.s32 v9, $0x2;
	v9 =	vshll.u32 v9, $0x5  }
0x59: {  	s18 =	sor.u32 $0x3600, s16;
	[tilespmem:s5+$0x0] =	vst v10;
	v9 =	vand.u32 $0x60, v9  }
0x5a: {  	[tilespmem:s18+$0x0] =	vst v9  }
0x5b: {  	v9 =	vld [tilespmem:s0+$0x10];
	_ =	sdelay $0x4  }
0x5c: {  	v9 =	vadd.f32 s14, v9;
	_ =	sdelay $0x1  }
0x5d: {  	v9 =	vtrunc.f32 v9  }
0x5e: {  	v9 =	vcvt.f32.s32 v9;
	_ =	sdelay $0x1  }
0x5f: {  	s31 =	sor.u32 $0x3410, s16;
	v10 =	vshra.s32 v9, $0x2;
	v9 =	vshll.u32 v9, $0x5  }
0x60: {  	s19 =	sor.u32 $0x3610, s16;
	[tilespmem:s31+$0x0] =	vst v10;
	v9 =	vand.u32 $0x60, v9  }
0x61: {  	[tilespmem:s19+$0x0] =	vst v9  }
0x62: {  	v9 =	vld [tilespmem:s0+$0x20];
	_ =	sdelay $0x4  }
0x63: {  	v9 =	vadd.f32 s14, v9;
	_ =	sdelay $0x1  }
0x64: {  	v9 =	vtrunc.f32 v9  }
0x65: {  	v9 =	vcvt.f32.s32 v9;
	_ =	sdelay $0x1  }
0x66: {  	s25 =	sor.u32 $0x3420, s16;
	v10 =	vshra.s32 v9, $0x2;
	v9 =	vshll.u32 v9, $0x5  }
0x67: {  	s26 =	sor.u32 $0x3620, s16;
	[tilespmem:s25+$0x0] =	vst v10;
	v9 =	vand.u32 $0x60, v9  }
0x68: {  	[tilespmem:s26+$0x0] =	vst v9  }
0x69: {  	v9 =	vld [tilespmem:s0+$0x30];
	_ =	sdelay $0x4  }
0x6a: {  	v9 =	vadd.f32 s14, v9;
	_ =	sdelay $0x1  }
0x6b: {  	v9 =	vtrunc.f32 v9  }
0x6c: {  	v9 =	vcvt.f32.s32 v9;
	_ =	sdelay $0x1  }
0x6d: {  	s28 =	sor.u32 $0x3430, s16;
	v10 =	vshra.s32 v9, $0x2;
	v9 =	vshll.u32 v9, $0x5  }
0x6e: {  	s29 =	sor.u32 $0x3630, s16;
	[tilespmem:s28+$0x0] =	vst v10;
	v9 =	vand.u32 $0x60, v9  }
0x6f: {  	[tilespmem:s29+$0x0] =	vst v9  }
0x70: {  	v9 =	vld [tilespmem:s0+$0x40];
	_ =	sdelay $0x4  }
0x71: {  	v9 =	vadd.f32 s14, v9;
	_ =	sdelay $0x1  }
0x72: {  	v9 =	vtrunc.f32 v9  }
0x73: {  	v9 =	vcvt.f32.s32 v9;
	_ =	sdelay $0x1  }
0x74: {  	s30 =	sor.u32 $0x3440, s16;
	v10 =	vshra.s32 v9, $0x2;
	v9 =	vshll.u32 v9, $0x5  }
0x75: {  	s31 =	sor.u32 $0x3640, s16;
	[tilespmem:s30+$0x0] =	vst v10;
	v9 =	vand.u32 $0x60, v9  }
0x76: {  	[tilespmem:s31+$0x0] =	vst v9  }
0x77: {  	v9 =	vld [tilespmem:s0+$0x50];
	_ =	sdelay $0x4  }
0x78: {  	v9 =	vadd.f32 s14, v9;
	_ =	sdelay $0x1  }
0x79: {  	v9 =	vtrunc.f32 v9  }
0x7a: {  	v9 =	vcvt.f32.s32 v9;
	_ =	sdelay $0x1  }
0x7b: {  	s19 =	sor.u32 $0x3450, s16;
	v10 =	vshra.s32 v9, $0x2;
	v9 =	vshll.u32 v9, $0x5  }
0x7c: {  	s25 =	sor.u32 $0x3650, s16;
	[tilespmem:s19+$0x0] =	vst v10;
	v9 =	vand.u32 $0x60, v9  }
0x7d: {  	[tilespmem:s25+$0x0] =	vst v9  }
0x7e: {  	v9 =	vld [tilespmem:s0+$0x60];
	_ =	sdelay $0x4  }
0x7f: {  	v9 =	vadd.f32 s14, v9;
	_ =	sdelay $0x1  }
0x80: {  	v9 =	vtrunc.f32 v9  }
0x81: {  	v9 =	vcvt.f32.s32 v9;
	_ =	sdelay $0x1  }
0x82: {  	s26 =	sor.u32 $0x3460, s16;
	v10 =	vshra.s32 v9, $0x2;
	v9 =	vshll.u32 v9, $0x5  }
0x83: {  	s28 =	sor.u32 $0x3660, s16;
	[tilespmem:s26+$0x0] =	vst v10;
	v9 =	vand.u32 $0x60, v9  }
0x84: {  	[tilespmem:s28+$0x0] =	vst v9  }
0x85: {  	v9 =	vld [tilespmem:s0+$0x70];
	_ =	sdelay $0x4  }
0x86: {  	v9 =	vadd.f32 s14, v9;
	_ =	sdelay $0x1  }
0x87: {  	v9 =	vtrunc.f32 v9  }
0x88: {  	v9 =	vcvt.f32.s32 v9;
	_ =	sdelay $0x1  }
0x89: {  	s29 =	sor.u32 $0x3470, s16;
	v10 =	vshra.s32 v9, $0x2;
	v9 =	vshll.u32 v9, $0x5  }
0x8a: {  	s1 =	sshll.u32 s1, $0xE;
	s30 =	sor.u32 $0x3670, s16;
	[tilespmem:s29+$0x0] =	vst v10;
	v9 =	vand.u32 $0x60, v9  }
0x8b: {  	s31 =	sor.u32 $0x3780, s1;
	[tilespmem:s30+$0x0] =	vst v9  }
0x8c: {  	[tilespmem:s31], [sflag:$0x1] =	stream.indirect.gather [hbm4b:s6+s15], $0x80, s5, s15, $0xb8;
	[tilespmem:$0x14B80] =	vst v63  }
.LBB2_4:
0x8d: {  	_ =	swait.ge [sflag:s20], $0x4000  }
0x8e: {  	p1 =	slt.u32 s24, $0x2;
	[sflag:s20] =	ssyncset.done $0x0  }
0x8f: {  	s0 =	simm.s32 @!p1 $0x2;
	[sflag:s20] =	ssyncadd.s32 $0xFFFFC000  }
0x90: {  	_ =	swait.ge @!p1 [sflag:s0], $0x400  }
0x91: {  	[sflag:s0] =	ssyncset.done @!p1 $0x0  }
0x92: {  	[sflag:s0] =	ssyncadd.s32 @!p1 $0xFFFFFC00  }
0x93: {  	s1 =	smul.u32 $0xAB, s24;
	_ =	swait.ge @!p1 [sflag:s0], $0x400  }
0x94: {  	[sflag:s0] =	ssyncset.done @!p1 $0x0  }
0x95: {  	s1 =	sshrl.u32 s1, $0x9;
	[sflag:s0] =	ssyncadd.s32 @!p1 $0xFFFFFC00  }
0x96: {  	s1 =	sand.u32 $0x7F, s1;
	_ =	swait.ge @!p1 [sflag:s0], $0x400  }
0x97: {  	s1 =	smul.u32 $0x3, s1;
	[sflag:s0] =	ssyncset.done @!p1 $0x0  }
0x98: {  	[sflag:s0] =	ssyncadd.s32 @!p1 $0xFFFFFC00  }
0x99: {  	s1 =	ssub.s32 s24, s1;
	_ =	swait.ge @!p1 [sflag:s0], $0x400  }
0x9a: {  	s1 =	sand.u32 $0xFF, s1;
	[sflag:s0] =	ssyncset.done @!p1 $0x0  }
0x9b: {  	s18 =	sshll.u32 s1, $0x7;
	[sflag:s0] =	ssyncadd.s32 @!p1 $0xFFFFFC00  }
0x9c: {  	v28 =	vld [tilespmem:s18+$0x3600]  }
0x9d: {  	v26 =	vld [tilespmem:s18+$0x3610]  }
0x9e: {  	s19 =	sshll.u32 s1, $0xE;
	v24 =	vld [tilespmem:s18+$0x3620]  }
0x9f: {  	v27 =	vor.u32 s19, v0;
	v25 =	vor.u32 s19, v2;
	v23 =	vor.u32 s19, v3  }
0xa0: {  	s5 =	simm.s32 $0x0;
	s1 =	simm.s32 $0x1;
	v21 =	vor.u32 s19, v4;
	v18 =	vor.u32 s19, v5;
	v16 =	vor.u32 s19, v6;
	s0 =	simm.s32 $0x2  }
0xa1: {  	v9 =	vadd.s32 s5, v28;
	v11 =	vadd.s32 s1, v28;
	v12 =	vadd.s32 s0, v28  }
0xa2: {  	v17 =	vadd.s32 s0, v26;
	v10 =	vand.u32 $0x7F, v9;
	v9 =	vand.u32 $0xFFFFFF80, v9  }
0xa3: {  	v50 =	vadd.s32 s5, v24;
	v13 =	vand.u32 $0x7F, v11;
	v9 =	vadd.s32 v27, v9  }
0xa4: {  	s14 =	simm.s32 $0x3;
	v22 =	vld [tilespmem:s18+$0x3630];
	v14 =	vand.u32 $0x7F, v12;
	v9 =	vor.u32 v10, v9;
	v10 =	vand.u32 $0xFFFFFF80, v11  }
0xa5: {  	v19 =	vld [tilespmem:s18+$0x3640];
	v11 =	vand.u32 $0xFFFFFF80, v12;
	v12 =	vadd.s32 s14, v28;
	v10 =	vadd.s32 v27, v10  }
0xa6: {  	s16 =	sshll.u32 s23, $0x2;
	v11 =	vadd.s32 v27, v11;
	v10 =	vor.u32 v13, v10;
	v13 =	vand.u32 $0xFFFFFF80, v12  }
0xa7: {  	s16 =	sand.u32 $0x3FFFFE00, s16;
	v11 =	vor.u32 v14, v11;
	v12 =	vand.u32 $0x7F, v12;
	v13 =	vadd.s32 v27, v13  }
0xa8: {  	s16 =	sadd.s32 $0x117A0, s16;
	v52 =	vadd.s32 s14, v24;
	v39 =	vadd.s32 s0, v24;
	v12 =	vor.u32 v12, v13  }
0xa9: {  	v56 =	vadd.s32 s5, v22;
	v59 =	vadd.s32 s1, v22;
	v41 =	vadd.s32 s14, v22;
	v13 =	vld [tilespmem:s16+$0x10]  }
0xaa: {  	v42 =	vadd.s32 s0, v22;
	v47 =	vadd.s32 s5, v19;
	v44 =	vadd.s32 s14, v19;
	v29 =	vld.idx.msk [tilespmem:v9+s17+$0x0], $0xffff  }
0xab: {  	v37 =	vand.u32 $0xFFFFFF80, v17;
	v38 =	vand.u32 $0x7F, v17;
	v9 =	vadd.s32 s5, v26;
	v30 =	vld.idx.msk [tilespmem:v10+s17+$0x0], $0xffff  }
0xac: {  	v51 =	vand.u32 $0xFFFFFF80, v50;
	v53 =	vand.u32 $0x7F, v52;
	v32 =	vand.u32 $0x7F, v9;
	v31 =	vld.idx.msk [tilespmem:v11+s17+$0x0], $0xffff  }
0xad: {  	v33 =	vand.u32 $0xFFFFFF80, v9;
	v9 =	vadd.s32 s1, v26;
	v15 =	vld.idx.msk [tilespmem:v12+s17+$0x0], $0xffff;
	v12 =	vadd.s32 s14, v26  }
0xae: {  	v14 =	vor.u32 s19, v7;
	v34 =	vand.u32 $0x7F, v9;
	v10 =	vld [tilespmem:s16+$0xFFFFFFF0];
	v20 =	vand.u32 $0xFFFFFF80, v12  }
0xaf: {  	v35 =	vand.u32 $0xFFFFFF80, v9;
	v9 =	vld [tilespmem:s16+$0x0];
	v36 =	vand.u32 $0x7F, v12;
	v20 =	vadd.s32 v25, v20  }
0xb0: {  	v11 =	vor.u32 s19, v8;
	s19 =	simm.s32 $0x1;
	v35 =	vadd.s32 v25, v35;
	v12 =	vld [tilespmem:s16+$0xFFFFFFE0];
	v36 =	vor.u32 v36, v20  }
0xb1: {  	v54 =	vand.u32 $0xFFFFFF80, v39;
	v48 =	vadd.s32 v25, v37;
	s19 =	simm.s32 @!p0 $0x0;
	v34 =	vor.u32 v34, v35  }
0xb2: {  	v17 =	vld [tilespmem:s18+$0x3660];
	v33 =	vadd.s32 v25, v33;
	s19 =	sshll.u32 s19, $0xC;
	v35 =	vor.u32 v38, v48;
	v49 =	vadd.f32 v15, v13  }
0xb3: {  	v55 =	vand.u32 $0x7F, v39;
	v32 =	vor.u32 v32, v33;
	s25 =	sadd.s32 $0xF880, s19;
	v20 =	vld [tilespmem:s18+$0x3650];
	v30 =	vadd.f32 v30, v10  }
0xb4: {  	v57 =	vand.u32 $0x7F, v56;
	v58 =	vand.u32 $0xFFFFFF80, v56;
	v31 =	vadd.f32 v31, v9;
	v15 =	vld [tilespmem:s18+$0x3670];
	[tilespmem:s25+$0x80] =	vst v49  }
0xb5: {  	v43 =	vand.u32 $0xFFFFFF80, v41;
	v61 =	vand.u32 $0xFFFFFF80, v59;
	[tilespmem:s25+$0xFFFFFF80] =	vst v30;
	v29 =	vadd.f32 v29, v12;
	v36 =	vld.idx.msk [tilespmem:v36+s17+$0x0], $0xffff  }
0xb6: {  	v62 =	vand.u32 $0x7F, v41;
	v30 =	vadd.s32 s1, v24;
	[tilespmem:s25+$0x0] =	vst v31;
	v31 =	vand.u32 $0xFFFFFF80, v52;
	v34 =	vld.idx.msk [tilespmem:v34+s17+$0x0], $0xffff  }
0xb7: {  	v45 =	vand.u32 $0xFFFFFF80, v42;
	v40 =	vand.u32 $0xFFFFFF80, v30;
	v31 =	vadd.s32 v23, v31;
	[tilespmem:s25+$0xFFFFFF00] =	vst v29;
	v29 =	vld.idx.msk [tilespmem:v35+s17+$0x0], $0xffff  }
0xb8: {  	v30 =	vand.u32 $0x7F, v30;
	v40 =	vadd.s32 v23, v40;
	v31 =	vor.u32 v53, v31;
	v32 =	vld.idx.msk [tilespmem:v32+s17+$0x0], $0xffff  }
0xb9: {  	v37 =	vadd.s32 v23, v54;
	v33 =	vand.u32 $0x7F, v50;
	v30 =	vor.u32 v30, v40  }
0xba: {  	v38 =	vadd.s32 v23, v51;
	v35 =	vor.u32 v55, v37;
	v36 =	vadd.f32 v36, v13  }
0xbb: {  	v63 =	vadd.s32 v21, v43;
	v33 =	vor.u32 v33, v38;
	v34 =	vadd.f32 v34, v10  }
0xbc: {  	v46 =	vadd.s32 v21, v45;
	v45 =	vadd.s32 s0, v19;
	v29 =	vadd.f32 v29, v9;
	[tilespmem:s25+$0x90] =	vst v36  }
0xbd: {  	v54 =	vand.u32 $0x7F, v44;
	v39 =	vadd.s32 s5, v17;
	s19 =	simm.s32 $0x6;
	[tilespmem:s25+$0xFFFFFF90] =	vst v34;
	v32 =	vadd.f32 v32, v12;
	v31 =	vld.idx.msk [tilespmem:v31+s17+$0x0], $0xffff  }
0xbe: {  	v51 =	vadd.s32 s1, v19;
	v38 =	vor.u32 v62, v63;
	v43 =	vadd.s32 s19, v28;
	v30 =	vld.idx.msk [tilespmem:v30+s17+$0x0], $0xffff;
	[tilespmem:s25+$0x10] =	vst v29  }
0xbf: {  	v52 =	vand.u32 $0x7F, v51;
	v49 =	vand.u32 $0x7F, v47;
	v40 =	vadd.s32 s5, v20;
	[tilespmem:s25+$0xFFFFFF10] =	vst v32;
	v60 =	vld.idx.msk [tilespmem:v35+s17+$0x0], $0xffff  }
0xc0: {  	v63 =	vadd.s32 s1, v20;
	v29 =	vand.u32 $0x7F, v59;
	v35 =	vadd.s32 v21, v61;
	v33 =	vld.idx.msk [tilespmem:v33+s17+$0x0], $0xffff  }
0xc1: {  	v37 =	vadd.s32 s5, v15;
	v35 =	vor.u32 v29, v35;
	v29 =	vand.u32 $0x7F, v42  }
0xc2: {  	v34 =	vadd.s32 v21, v58;
	v41 =	vor.u32 v29, v46;
	v29 =	vadd.f32 v31, v13  }
0xc3: {  	s26 =	simm.s32 $0x4;
	v61 =	vand.u32 $0x7F, v40;
	v48 =	vadd.f32 v30, v10;
	v31 =	vor.u32 v57, v34  }
0xc4: {  	v40 =	vand.u32 $0xFFFFFF80, v40;
	v42 =	vadd.s32 s26, v28;
	v32 =	vadd.f32 v60, v9;
	[tilespmem:s25+$0xA0] =	vst v29  }
0xc5: {  	v40 =	vadd.s32 v16, v40;
	v46 =	vand.u32 $0xFFFFFF80, v44;
	[tilespmem:s25+$0xFFFFFFA0] =	vst v48;
	v33 =	vadd.f32 v33, v12;
	v50 =	vld.idx.msk [tilespmem:v38+s17+$0x0], $0xffff  }
0xc6: {  	v40 =	vor.u32 v61, v40;
	v61 =	vand.u32 $0xFFFFFF80, v42;
	v30 =	vadd.s32 s26, v26;
	v35 =	vld.idx.msk [tilespmem:v35+s17+$0x0], $0xffff;
	[tilespmem:s25+$0x20] =	vst v32  }
0xc7: {  	v55 =	vadd.s32 v18, v46;
	v34 =	vand.u32 $0xFFFFFF80, v47;
	[tilespmem:s25+$0xFFFFFF20] =	vst v33;
	v53 =	vld.idx.msk [tilespmem:v41+s17+$0x0], $0xffff;
	v38 =	vand.u32 $0xFFFFFF80, v51  }
0xc8: {  	v57 =	vand.u32 $0xFFFFFF80, v45;
	v41 =	vor.u32 v54, v55;
	v56 =	vld.idx.msk [tilespmem:v31+s17+$0x0], $0xffff;
	v31 =	vadd.s32 v18, v38  }
0xc9: {  	v59 =	vadd.s32 v18, v57;
	v58 =	vor.u32 v52, v31;
	v31 =	vand.u32 $0x7F, v45  }
0xca: {  	v34 =	vadd.s32 v18, v34;
	v38 =	vor.u32 v31, v59;
	v36 =	vadd.f32 v50, v13  }
0xcb: {  	v48 =	vadd.s32 s14, v20;
	v34 =	vor.u32 v49, v34;
	v35 =	vadd.f32 v35, v10  }
0xcc: {  	v47 =	vand.u32 $0xFFFFFF80, v48;
	v29 =	vand.u32 $0x7F, v37;
	v33 =	vadd.f32 v53, v9;
	[tilespmem:s25+$0xB0] =	vst v36  }
0xcd: {  	v32 =	vadd.s32 s1, v15;
	v49 =	vand.u32 $0x7F, v63;
	[tilespmem:s25+$0xFFFFFFB0] =	vst v35;
	v60 =	vadd.f32 v56, v12;
	v62 =	vld.idx.msk [tilespmem:v41+s17+$0x0], $0xffff  }
0xce: {  	v54 =	vadd.s32 v16, v47;
	v52 =	vand.u32 $0xFFFFFF80, v63;
	v45 =	vand.u32 $0x7F, v42;
	[tilespmem:s25+$0x30] =	vst v33;
	v44 =	vld.idx.msk [tilespmem:v58+s17+$0x0], $0xffff  }
0xcf: {  	v31 =	vand.u32 $0xFFFFFF80, v37;
	v50 =	vadd.s32 s0, v20;
	v53 =	vand.u32 $0x7F, v48;
	[tilespmem:s25+$0xFFFFFF30] =	vst v60;
	v51 =	vld.idx.msk [tilespmem:v38+s17+$0x0], $0xffff  }
0xd0: {  	v55 =	vand.u32 $0xFFFFFF80, v50;
	v41 =	vor.u32 v53, v54;
	v38 =	vadd.s32 v16, v52;
	v34 =	vld.idx.msk [tilespmem:v34+s17+$0x0], $0xffff  }
0xd1: {  	v56 =	vand.u32 $0x7F, v50;
	v57 =	vadd.s32 v16, v55;
	v33 =	vor.u32 v49, v38  }
0xd2: {  	v37 =	vand.u32 $0x7F, v39;
	v38 =	vor.u32 v56, v57;
	v35 =	vadd.f32 v62, v13  }
0xd3: {  	v39 =	vand.u32 $0xFFFFFF80, v39;
	v59 =	vadd.s32 s1, v17;
	v58 =	vadd.f32 v44, v10  }
0xd4: {  	v63 =	vadd.s32 v14, v39;
	v55 =	vand.u32 $0xFFFFFF80, v59;
	v36 =	vadd.f32 v51, v9;
	[tilespmem:s25+$0xC0] =	vst v35  }
0xd5: {  	v60 =	vadd.s32 s0, v17;
	v52 =	vadd.s32 s14, v17;
	v34 =	vadd.f32 v34, v12;
	[tilespmem:s25+$0xFFFFFFC0] =	vst v58;
	v41 =	vld.idx.msk [tilespmem:v41+s17+$0x0], $0xffff  }
0xd6: {  	v53 =	vand.u32 $0x7F, v59;
	v54 =	vand.u32 $0x7F, v60;
	v49 =	vand.u32 $0xFFFFFF80, v52;
	v48 =	vld.idx.msk [tilespmem:v33+s17+$0x0], $0xffff;
	[tilespmem:s25+$0x40] =	vst v36  }
0xd7: {  	s1 =	simm.s32 $0x5;
	v39 =	vand.u32 $0x7F, v52;
	v46 =	vand.u32 $0xFFFFFF80, v60;
	v56 =	vadd.s32 v14, v49;
	[tilespmem:s25+$0xFFFFFF40] =	vst v34;
	v38 =	vld.idx.msk [tilespmem:v38+s17+$0x0], $0xffff  }
0xd8: {  	v62 =	vadd.s32 s1, v28;
	v44 =	vor.u32 v39, v56;
	v34 =	vadd.s32 v14, v55;
	v40 =	vld.idx.msk [tilespmem:v40+s17+$0x0], $0xffff  }
0xd9: {  	v39 =	vand.u32 $0x7F, v43;
	v58 =	vadd.s32 v14, v46;
	v57 =	vor.u32 v53, v34  }
0xda: {  	v59 =	vand.u32 $0x7F, v62;
	v33 =	vor.u32 v54, v58;
	v41 =	vadd.f32 v41, v13  }
0xdb: {  	v35 =	vadd.s32 v27, v61;
	v36 =	vor.u32 v37, v63;
	v60 =	vadd.f32 v48, v10  }
0xdc: {  	s29 =	sadd.s32 s4, s24;
	s18 =	sshll.u32 s24, $0xC;
	v61 =	vand.u32 $0xFFFFFF80, v62;
	v34 =	vor.u32 v45, v35;
	v62 =	vadd.f32 v38, v9;
	[tilespmem:s25+$0xD0] =	vst v41  }
0xdd: {  	s30 =	sshrl.u32 s29, $0x7;
	s28 =	sand.u32 $0x1000, s18;
	s18 =	simm.s32 $0x7;
	v63 =	vand.u32 $0xFFFFFF80, v43;
	v35 =	vadd.s32 v27, v61;
	v40 =	vadd.f32 v40, v12;
	[tilespmem:s25+$0xFFFFFFD0] =	vst v60;
	v37 =	vld.idx.msk [tilespmem:v44+s17+$0x0], $0xffff  }
0xde: {  	s31 =	sadd.s32 $0xF780, s28;
	s5 =	simm.s32 $0x8;
	v42 =	vadd.s32 v27, v63;
	v38 =	vor.u32 v59, v35;
	v41 =	vadd.s32 s14, v15;
	s14 =	smov.u32 s25;
	v35 =	vld.idx.msk [tilespmem:v57+s17+$0x0], $0xffff;
	[tilespmem:s25+$0x50] =	vst v62  }
.LBB2_5:
0xdf: {  	p1 =	slt.u32 s5, $0x1C;
	v39 =	vor.u32 v39, v42;
	v42 =	vadd.s32 s18, v28;
	[tilespmem:s25+$0xFFFFFF50] =	vst v40;
	v33 =	vld.idx.msk [tilespmem:v33+s17+$0x0], $0xffff;
	v40 =	vand.u32 $0xFFFFFF80, v41  }
0xe0: {  	v41 =	vand.u32 $0x7F, v41;
	v43 =	vand.u32 $0xFFFFFF80, v42;
	v36 =	vld.idx.msk [tilespmem:v36+s17+$0x0], $0xffff;
	v40 =	vadd.s32 v11, v40  }
0xe1: {  	v42 =	vand.u32 $0x7F, v42;
	v43 =	vadd.s32 v27, v43;
	v40 =	vor.u32 v41, v40  }
0xe2: {  	v41 =	vand.u32 $0x7F, v30;
	v42 =	vor.u32 v42, v43;
	v43 =	vadd.s32 s0, v15;
	s0 =	smov.u32 s19  }
0xe3: {  	v44 =	vadd.s32 s1, v26;
	v30 =	vand.u32 $0xFFFFFF80, v30;
	v37 =	vadd.f32 v37, v13;
	v34 =	vld.idx.msk [tilespmem:v34+s17+$0x0], $0xffff  }
0xe4: {  	v31 =	vadd.s32 v11, v31;
	v45 =	vadd.s32 s0, v26;
	v35 =	vadd.f32 v35, v10;
	v38 =	vld.idx.msk [tilespmem:v38+s17+$0x0], $0xffff  }
0xe5: {  	v46 =	vand.u32 $0xFFFFFF80, v32;
	v32 =	vand.u32 $0x7F, v32;
	v33 =	vadd.f32 v33, v9;
	v39 =	vld.idx.msk [tilespmem:v39+s17+$0x0], $0xffff;
	[tilespmem:s25+$0xE0] =	vst v37  }
0xe6: {  	v36 =	vadd.f32 v36, v12;
	v37 =	vand.u32 $0xFFFFFF80, v43;
	[tilespmem:s25+$0xFFFFFFE0] =	vst v35;
	v35 =	vadd.s32 v11, v46;
	v40 =	vld.idx.msk [tilespmem:v40+s17+$0x0], $0xffff  }
0xe7: {  	s16 =	sadd.s32 $0x40, s16;
	v42 =	vld.idx.msk [tilespmem:v42+s17+$0x0], $0xffff;
	v32 =	vor.u32 v32, v35;
	[tilespmem:s25+$0x60] =	vst v33;
	v33 =	vand.u32 $0x7F, v43;
	v35 =	vadd.s32 v11, v37  }
0xe8: {  	v46 =	vadd.s32 s18, v26;
	v37 =	vand.u32 $0x7F, v44;
	v43 =	vld [tilespmem:s16+$0x10];
	[tilespmem:s25+$0xFFFFFF60] =	vst v36;
	v33 =	vor.u32 v33, v35  }
0xe9: {  	v29 =	vor.u32 v29, v31;
	v47 =	vand.u32 $0xFFFFFF80, v46;
	v36 =	vand.u32 $0x7F, v45;
	v35 =	vld [tilespmem:s16+$0xFFFFFFF0]  }
0xea: {  	v31 =	vand.u32 $0xFFFFFF80, v44;
	v46 =	vand.u32 $0x7F, v46;
	v47 =	vadd.s32 v25, v47;
	v44 =	vld [tilespmem:s16+$0x0]  }
0xeb: {  	v31 =	vadd.s32 v25, v31;
	v45 =	vand.u32 $0xFFFFFF80, v45;
	v46 =	vor.u32 v46, v47;
	v48 =	vld [tilespmem:s16+$0xFFFFFFE0]  }
0xec: {  	v31 =	vor.u32 v37, v31;
	v37 =	vadd.s32 v25, v45;
	v45 =	vadd.f32 v40, v13;
	v32 =	vld.idx.msk [tilespmem:v32+s17+$0x0], $0xffff  }
0xed: {  	v30 =	vadd.s32 v25, v30;
	v36 =	vor.u32 v36, v37;
	v37 =	vadd.f32 v42, v43;
	v33 =	vld.idx.msk [tilespmem:v33+s17+$0x0], $0xffff  }
0xee: {  	v30 =	vor.u32 v41, v30;
	s25 =	sadd.s32 $0x200, s25;
	v40 =	vadd.s32 s26, v24;
	v38 =	vadd.f32 v38, v35;
	v29 =	vld.idx.msk [tilespmem:v29+s17+$0x0], $0xffff;
	[tilespmem:s14+$0xF0] =	vst v45  }
0xef: {  	v41 =	vand.u32 $0xFFFFFF80, v40;
	v40 =	vand.u32 $0x7F, v40;
	v13 =	vmovc v43;
	v39 =	vadd.f32 v39, v44;
	[tilespmem:s25+$0x80] =	vst v37  }
0xf0: {  	v37 =	vadd.s32 s1, v24;
	v34 =	vadd.f32 v34, v48;
	[tilespmem:s25+$0xFFFFFF80] =	vst v38;
	v38 =	vadd.s32 s0, v24;
	v42 =	vld.idx.msk [tilespmem:v46+s17+$0x0], $0xffff  }
0xf1: {  	v43 =	vand.u32 $0xFFFFFF80, v37;
	v37 =	vand.u32 $0x7F, v37;
	v31 =	vld.idx.msk [tilespmem:v31+s17+$0x0], $0xffff;
	[tilespmem:s25+$0x0] =	vst v39;
	v39 =	vadd.s32 s18, v24  }
0xf2: {  	v32 =	vadd.f32 v32, v10;
	v10 =	vmovc v35;
	[tilespmem:s25+$0xFFFFFF00] =	vst v34;
	v34 =	vld.idx.msk [tilespmem:v36+s17+$0x0], $0xffff;
	v36 =	vand.u32 $0xFFFFFF80, v38;
	v45 =	vand.u32 $0xFFFFFF80, v39  }
0xf3: {  	v35 =	vand.u32 $0x7F, v39;
	v33 =	vadd.f32 v33, v9;
	v9 =	vmovc v44;
	v30 =	vld.idx.msk [tilespmem:v30+s17+$0x0], $0xffff;
	v39 =	vadd.s32 v23, v45  }
0xf4: {  	v43 =	vadd.s32 v23, v43;
	v29 =	vadd.f32 v29, v12;
	v35 =	vor.u32 v35, v39;
	[tilespmem:s14+$0xFFFFFFF0] =	vst v32  }
0xf5: {  	v36 =	vadd.s32 v23, v36;
	v12 =	vmovc v48;
	v32 =	vor.u32 v37, v43;
	v37 =	vand.u32 $0x7F, v38;
	[tilespmem:s14+$0x70] =	vst v33  }
0xf6: {  	v33 =	vadd.s32 v23, v41;
	v36 =	vor.u32 v37, v36;
	v37 =	vadd.f32 v42, v13;
	[tilespmem:s14+$0xFFFFFF70] =	vst v29;
	s14 =	smov.u32 s25  }
0xf7: {  	v29 =	vor.u32 v40, v33;
	v33 =	vadd.s32 s26, v15;
	v31 =	vadd.f32 v31, v10  }
0xf8: {  	v38 =	vadd.s32 s26, v22;
	v39 =	vadd.s32 s26, v17;
	v34 =	vadd.f32 v34, v9;
	[tilespmem:s25+$0x90] =	vst v37  }
0xf9: {  	v40 =	vadd.s32 s26, v20;
	v30 =	vadd.f32 v30, v12;
	v37 =	vand.u32 $0x7F, v38;
	[tilespmem:s25+$0xFFFFFF90] =	vst v31;
	v31 =	vld.idx.msk [tilespmem:v35+s17+$0x0], $0xffff  }
0xfa: {  	v35 =	vand.u32 $0xFFFFFF80, v38;
	v38 =	vadd.s32 s1, v22;
	v32 =	vld.idx.msk [tilespmem:v32+s17+$0x0], $0xffff;
	[tilespmem:s25+$0x10] =	vst v34;
	v34 =	vadd.s32 s18, v22  }
0xfb: {  	v41 =	vadd.s32 s0, v22;
	[tilespmem:s25+$0xFFFFFF10] =	vst v30;
	v30 =	vand.u32 $0x7F, v38;
	v36 =	vld.idx.msk [tilespmem:v36+s17+$0x0], $0xffff;
	v42 =	vand.u32 $0xFFFFFF80, v34  }
0xfc: {  	v38 =	vand.u32 $0xFFFFFF80, v38;
	v34 =	vand.u32 $0x7F, v34;
	v29 =	vld.idx.msk [tilespmem:v29+s17+$0x0], $0xffff;
	v42 =	vadd.s32 v21, v42  }
0xfd: {  	v43 =	vand.u32 $0xFFFFFF80, v41;
	v38 =	vadd.s32 v21, v38;
	v34 =	vor.u32 v34, v42  }
0xfe: {  	v38 =	vor.u32 v30, v38;
	v30 =	vand.u32 $0x7F, v41;
	v41 =	vadd.s32 v21, v43  }
0xff: {  	v35 =	vadd.s32 v21, v35;
	v41 =	vor.u32 v30, v41;
	v31 =	vadd.f32 v31, v13  }
0x100: {  	v35 =	vor.u32 v37, v35;
	v37 =	vadd.s32 s26, v19;
	s26 =	smov.u32 s5;
	v32 =	vadd.f32 v32, v10  }
0x101: {  	v42 =	vadd.s32 s5, v28;
	v30 =	vadd.s32 s5, v26;
	v36 =	vadd.f32 v36, v9;
	[tilespmem:s25+$0xA0] =	vst v31  }
0x102: {  	v43 =	vand.u32 $0x7F, v37;
	v31 =	vadd.f32 v29, v12;
	v29 =	vand.u32 $0x7F, v33;
	[tilespmem:s25+$0xFFFFFFA0] =	vst v32;
	v32 =	vld.idx.msk [tilespmem:v34+s17+$0x0], $0xffff  }
0x103: {  	v34 =	vand.u32 $0xFFFFFF80, v37;
	v37 =	vld.idx.msk [tilespmem:v38+s17+$0x0], $0xffff;
	v38 =	vadd.s32 s1, v19;
	[tilespmem:s25+$0x20] =	vst v36;
	v36 =	vadd.s32 s18, v19  }
0x104: {  	v44 =	vadd.s32 s0, v19;
	[tilespmem:s25+$0xFFFFFF20] =	vst v31;
	v31 =	vand.u32 $0x7F, v38;
	v41 =	vld.idx.msk [tilespmem:v41+s17+$0x0], $0xffff;
	v45 =	vand.u32 $0xFFFFFF80, v36  }
0x105: {  	v38 =	vand.u32 $0xFFFFFF80, v38;
	v36 =	vand.u32 $0x7F, v36;
	v35 =	vld.idx.msk [tilespmem:v35+s17+$0x0], $0xffff;
	v45 =	vadd.s32 v18, v45  }
0x106: {  	v46 =	vand.u32 $0xFFFFFF80, v44;
	v38 =	vadd.s32 v18, v38;
	v36 =	vor.u32 v36, v45  }
0x107: {  	v38 =	vor.u32 v31, v38;
	v31 =	vand.u32 $0x7F, v44;
	v44 =	vadd.s32 v18, v46  }
0x108: {  	v34 =	vadd.s32 v18, v34;
	v44 =	vor.u32 v31, v44;
	v45 =	vadd.f32 v32, v13  }
0x109: {  	v34 =	vor.u32 v43, v34;
	v31 =	vand.u32 $0xFFFFFF80, v33;
	v33 =	vadd.f32 v37, v10  }
0x10a: {  	v32 =	vadd.s32 s1, v15;
	v37 =	vand.u32 $0x7F, v39;
	v41 =	vadd.f32 v41, v9;
	[tilespmem:s25+$0xB0] =	vst v45  }
0x10b: {  	v43 =	vand.u32 $0x7F, v40;
	v39 =	vand.u32 $0xFFFFFF80, v39;
	v35 =	vadd.f32 v35, v12;
	[tilespmem:s25+$0xFFFFFFB0] =	vst v33;
	v33 =	vld.idx.msk [tilespmem:v36+s17+$0x0], $0xffff  }
0x10c: {  	v36 =	vand.u32 $0xFFFFFF80, v40;
	v40 =	vadd.s32 s1, v20;
	v38 =	vld.idx.msk [tilespmem:v38+s17+$0x0], $0xffff;
	[tilespmem:s25+$0x30] =	vst v41;
	v41 =	vadd.s32 s18, v20  }
0x10d: {  	v45 =	vadd.s32 s0, v20;
	[tilespmem:s25+$0xFFFFFF30] =	vst v35;
	v35 =	vand.u32 $0x7F, v40;
	v44 =	vld.idx.msk [tilespmem:v44+s17+$0x0], $0xffff;
	v46 =	vand.u32 $0xFFFFFF80, v41  }
0x10e: {  	v40 =	vand.u32 $0xFFFFFF80, v40;
	v41 =	vand.u32 $0x7F, v41;
	v34 =	vld.idx.msk [tilespmem:v34+s17+$0x0], $0xffff;
	v46 =	vadd.s32 v16, v46  }
0x10f: {  	v47 =	vand.u32 $0xFFFFFF80, v45;
	v40 =	vadd.s32 v16, v40;
	v41 =	vor.u32 v41, v46  }
0x110: {  	v35 =	vor.u32 v35, v40;
	v40 =	vand.u32 $0x7F, v45;
	v45 =	vadd.s32 v16, v47  }
0x111: {  	v36 =	vadd.s32 v16, v36;
	v40 =	vor.u32 v40, v45;
	v33 =	vadd.f32 v33, v13  }
0x112: {  	v36 =	vor.u32 v43, v36;
	v43 =	vadd.s32 s1, v17;
	v38 =	vadd.f32 v38, v10  }
0x113: {  	s1 =	sadd.s32 $0x1, s5;
	v46 =	vadd.s32 s0, v17;
	v45 =	vand.u32 $0x7F, v42;
	v44 =	vadd.f32 v44, v9;
	[tilespmem:s25+$0xC0] =	vst v33  }
0x114: {  	s19 =	sadd.s32 $0x2, s5;
	v33 =	vand.u32 $0xFFFFFF80, v42;
	v42 =	vadd.s32 s1, v28;
	v34 =	vadd.f32 v34, v12;
	[tilespmem:s25+$0xFFFFFFC0] =	vst v38;
	v38 =	vld.idx.msk [tilespmem:v41+s17+$0x0], $0xffff  }
0x115: {  	v47 =	vadd.s32 v14, v39;
	v39 =	vadd.s32 s18, v17;
	v41 =	vadd.s32 s19, v28;
	v35 =	vld.idx.msk [tilespmem:v35+s17+$0x0], $0xffff;
	[tilespmem:s25+$0x40] =	vst v44  }
0x116: {  	v48 =	vand.u32 $0xFFFFFF80, v39;
	v44 =	vand.u32 $0x7F, v46;
	[tilespmem:s25+$0xFFFFFF40] =	vst v34;
	v34 =	vand.u32 $0x7F, v43;
	v40 =	vld.idx.msk [tilespmem:v40+s17+$0x0], $0xffff  }
0x117: {  	v39 =	vand.u32 $0x7F, v39;
	v49 =	vld.idx.msk [tilespmem:v36+s17+$0x0], $0xffff;
	v36 =	vand.u32 $0xFFFFFF80, v43;
	v43 =	vadd.s32 v14, v48  }
0x118: {  	v46 =	vand.u32 $0xFFFFFF80, v46;
	v36 =	vadd.s32 v14, v36;
	v43 =	vor.u32 v39, v43  }
0x119: {  	v48 =	vadd.s32 v27, v33;
	v33 =	vadd.s32 v14, v46;
	v50 =	vor.u32 v34, v36  }
.Ltmp1:
0x11a: {  	v46 =	vand.u32 $0x7F, v42;
	v33 =	vor.u32 v44, v33;
	v38 =	vadd.f32 v38, v13;
	(pc) =	sbr.rel @p1 .LBB2_5-.Ltmp1, $4  }
0x11b: {  	v39 =	vand.u32 $0x7F, v41;
	v36 =	vor.u32 v37, v47;
	v35 =	vadd.f32 v35, v10  }
0x11c: {  	v34 =	vor.u32 v45, v48;
	v37 =	vand.u32 $0xFFFFFF80, v42;
	v44 =	vadd.f32 v40, v9;
	[tilespmem:s25+$0xD0] =	vst v38  }
0x11d: {  	v41 =	vand.u32 $0xFFFFFF80, v41;
	v38 =	vadd.s32 v27, v37;
	v40 =	vadd.f32 v49, v12;
	[tilespmem:s25+$0xFFFFFFD0] =	vst v35;
	v37 =	vld.idx.msk [tilespmem:v43+s17+$0x0], $0xffff  }
0x11e: {  	s5 =	sadd.s32 $0x4, s5;
	v42 =	vadd.s32 v27, v41;
	v41 =	vadd.s32 s18, v15;
	s18 =	sadd.s32 $0x3, s26;
	v38 =	vor.u32 v46, v38;
	v35 =	vld.idx.msk [tilespmem:v50+s17+$0x0], $0xffff;
	[tilespmem:s25+$0x50] =	vst v44  }
0x11f: {  	_ =	sdelay $0x1  }
0x120: {  	v28 =	vadd.s32 s18, v28;
	v39 =	vor.u32 v39, v42  }
0x121: {  	v57 =	vand.u32 $0xFFFFFF80, v41;
	v59 =	vand.u32 $0x7F, v41;
	v60 =	vand.u32 $0x7F, v30  }
0x122: {  	v56 =	vld.idx.msk [tilespmem:v33+s17+$0x0], $0xffff;
	v44 =	vadd.s32 s0, v15;
	v45 =	vand.u32 $0xFFFFFF80, v30;
	v62 =	vadd.s32 s1, v26  }
0x123: {  	v61 =	vld.idx.msk [tilespmem:v34+s17+$0x0], $0xffff;
	v63 =	vadd.s32 s19, v26;
	v51 =	vand.u32 $0xFFFFFF80, v32;
	v43 =	vand.u32 $0xFFFFFF80, v28  }
0x124: {  	[tilespmem:s25+$0xFFFFFF50] =	vst v40;
	v38 =	vld.idx.msk [tilespmem:v38+s17+$0x0], $0xffff;
	v46 =	vadd.s32 v11, v31;
	v28 =	vand.u32 $0x7F, v28;
	v27 =	vadd.s32 v27, v43  }
0x125: {  	v52 =	vand.u32 $0x7F, v32;
	s5 =	sadd.s32 $0x40, s16;
	v53 =	vadd.s32 s18, v26;
	v58 =	vld.idx.msk [tilespmem:v36+s17+$0x0], $0xffff;
	v27 =	vor.u32 v28, v27  }
0x126: {  	v33 =	vadd.s32 v11, v57;
	v30 =	vadd.s32 v11, v51;
	v54 =	vand.u32 $0x7F, v62;
	v26 =	vld [tilespmem:s5+$0xFFFFFFF0]  }
0x127: {  	v55 =	vand.u32 $0xFFFFFF80, v53;
	v48 =	vand.u32 $0xFFFFFF80, v62;
	v31 =	vor.u32 v52, v30;
	v28 =	vld [tilespmem:s5+$0x0]  }
0x128: {  	v30 =	vand.u32 $0x7F, v53;
	v32 =	vadd.f32 v35, v10;
	v35 =	vadd.s32 v25, v55;
	v39 =	vld.idx.msk [tilespmem:v39+s17+$0x0], $0xffff  }
0x129: {  	v50 =	vand.u32 $0xFFFFFF80, v63;
	v57 =	vadd.s32 v25, v45;
	v49 =	vor.u32 v30, v35;
	v30 =	vld [tilespmem:s5+$0xFFFFFFE0]  }
0x12a: {  	v42 =	vand.u32 $0xFFFFFF80, v44;
	v44 =	vand.u32 $0x7F, v44;
	v36 =	vadd.f32 v37, v13;
	v47 =	vld.idx.msk [tilespmem:v27+s17+$0x0], $0xffff  }
0x12b: {  	v37 =	vand.u32 $0x7F, v63;
	v35 =	vadd.f32 v56, v9;
	v56 =	vadd.s32 v25, v50;
	v27 =	vld [tilespmem:s5+$0x10]  }
0x12c: {  	v62 =	vadd.s32 s1, v24;
	v33 =	vor.u32 v59, v33;
	v37 =	vor.u32 v37, v56  }
0x12d: {  	v48 =	vadd.s32 v25, v48;
	v25 =	vor.u32 v60, v57;
	v38 =	vadd.f32 v38, v26  }
0x12e: {  	s16 =	sadd.s32 $0x200, s25;
	v59 =	vadd.s32 s26, v24;
	v48 =	vor.u32 v54, v48;
	v39 =	vadd.f32 v39, v28  }
0x12f: {  	v63 =	vadd.s32 s19, v24;
	v54 =	vand.u32 $0xFFFFFF80, v62;
	[tilespmem:s16+$0xFFFFFF80] =	vst v38;
	v60 =	vadd.f32 v61, v30  }
0x130: {  	v41 =	vand.u32 $0x7F, v59;
	v34 =	vadd.f32 v58, v12;
	[tilespmem:s16+$0x0] =	vst v39;
	v58 =	vadd.f32 v47, v27  }
0x131: {  	v57 =	vand.u32 $0xFFFFFF80, v63;
	v56 =	vand.u32 $0xFFFFFF80, v59;
	v38 =	vand.u32 $0x7F, v62;
	[tilespmem:s16+$0xFFFFFF00] =	vst v60;
	v37 =	vld.idx.msk [tilespmem:v37+s17+$0x0], $0xffff  }
0x132: {  	v62 =	vadd.s32 s1, v22;
	v61 =	vadd.s32 s18, v24;
	v39 =	vadd.s32 v23, v54;
	v25 =	vld.idx.msk [tilespmem:v25+s17+$0x0], $0xffff;
	[tilespmem:s16+$0x80] =	vst v58  }
0x133: {  	v24 =	vand.u32 $0x7F, v63;
	v38 =	vor.u32 v38, v39;
	v39 =	vadd.s32 v23, v57;
	v52 =	vld.idx.msk [tilespmem:v49+s17+$0x0], $0xffff  }
0x134: {  	v48 =	vld.idx.msk [tilespmem:v48+s17+$0x0], $0xffff;
	v53 =	vand.u32 $0xFFFFFF80, v61;
	v24 =	vor.u32 v24, v39;
	v58 =	vadd.s32 v23, v56  }
0x135: {  	v43 =	vand.u32 $0x7F, v61;
	v47 =	vadd.s32 v23, v53;
	v23 =	vor.u32 v41, v58  }
0x136: {  	v51 =	vand.u32 $0xFFFFFF80, v62;
	v55 =	vor.u32 v43, v47;
	v37 =	vadd.f32 v37, v28  }
0x137: {  	v63 =	vadd.s32 s18, v22;
	v61 =	vadd.s32 s26, v22;
	v25 =	vadd.f32 v25, v30  }
0x138: {  	v54 =	vadd.s32 s19, v22;
	v57 =	vand.u32 $0x7F, v61;
	[tilespmem:s16+$0x10] =	vst v37;
	v59 =	vadd.f32 v52, v27  }
0x139: {  	v22 =	vand.u32 $0x7F, v54;
	v60 =	vadd.f32 v48, v26;
	v48 =	vand.u32 $0x7F, v62;
	[tilespmem:s16+$0xFFFFFF10] =	vst v25;
	v24 =	vld.idx.msk [tilespmem:v24+s17+$0x0], $0xffff  }
0x13a: {  	v43 =	vand.u32 $0xFFFFFF80, v61;
	v61 =	vadd.s32 v11, v42;
	v58 =	vand.u32 $0xFFFFFF80, v54;
	v23 =	vld.idx.msk [tilespmem:v23+s17+$0x0], $0xffff;
	[tilespmem:s16+$0x90] =	vst v59  }
0x13b: {  	v62 =	vadd.s32 s26, v19;
	v47 =	vadd.s32 s1, v19;
	[tilespmem:s16+$0xFFFFFF90] =	vst v60;
	v41 =	vadd.s32 v21, v58;
	v40 =	vld.idx.msk [tilespmem:v55+s17+$0x0], $0xffff  }
0x13c: {  	v49 =	vand.u32 $0xFFFFFF80, v63;
	v50 =	vld.idx.msk [tilespmem:v38+s17+$0x0], $0xffff;
	v41 =	vor.u32 v22, v41;
	v59 =	vadd.s32 v21, v43  }
0x13d: {  	v53 =	vadd.s32 v21, v49;
	v52 =	vand.u32 $0x7F, v63;
	v39 =	vor.u32 v57, v59  }
0x13e: {  	v56 =	vor.u32 v52, v53;
	v55 =	vadd.s32 v21, v51;
	v24 =	vadd.f32 v24, v28  }
0x13f: {  	v49 =	vand.u32 $0x7F, v47;
	v25 =	vor.u32 v48, v55;
	v23 =	vadd.f32 v23, v30  }
0x140: {  	v22 =	vor.u32 v29, v46;
	v46 =	vand.u32 $0xFFFFFF80, v62;
	[tilespmem:s16+$0x20] =	vst v24;
	v60 =	vadd.f32 v40, v27  }
0x141: {  	v54 =	vadd.s32 v18, v46;
	v37 =	vadd.f32 v50, v26;
	v50 =	vadd.s32 s19, v19;
	[tilespmem:s16+$0xFFFFFF20] =	vst v23;
	v41 =	vld.idx.msk [tilespmem:v41+s17+$0x0], $0xffff  }
0x142: {  	v63 =	vand.u32 $0x7F, v62;
	v52 =	vand.u32 $0xFFFFFF80, v50;
	v48 =	vadd.s32 s18, v19;
	v39 =	vld.idx.msk [tilespmem:v39+s17+$0x0], $0xffff;
	[tilespmem:s16+$0xA0] =	vst v60  }
0x143: {  	[tilespmem:s16+$0xFFFFFFA0] =	vst v37;
	v19 =	vand.u32 $0x7F, v50;
	v53 =	vadd.s32 v18, v52;
	v51 =	vand.u32 $0xFFFFFF80, v48;
	v45 =	vld.idx.msk [tilespmem:v56+s17+$0x0], $0xffff  }
0x144: {  	v19 =	vor.u32 v19, v53;
	v42 =	vadd.s32 v18, v51;
	v40 =	vand.u32 $0xFFFFFF80, v47;
	v25 =	vld.idx.msk [tilespmem:v25+s17+$0x0], $0xffff  }
0x145: {  	v24 =	vand.u32 $0x7F, v48;
	v40 =	vadd.s32 v18, v40;
	v18 =	vor.u32 v63, v54  }
0x146: {  	v21 =	vor.u32 v44, v61;
	v24 =	vor.u32 v24, v42;
	v56 =	vadd.f32 v41, v28  }
0x147: {  	v61 =	vadd.s32 s18, v20;
	v23 =	vor.u32 v49, v40;
	v57 =	vadd.f32 v39, v30  }
0x148: {  	v55 =	vadd.s32 s26, v20;
	v44 =	vand.u32 $0xFFFFFF80, v61;
	[tilespmem:s16+$0x30] =	vst v56;
	v37 =	vadd.f32 v45, v27  }
0x149: {  	v46 =	vand.u32 $0x7F, v61;
	v63 =	vadd.s32 s19, v20;
	v25 =	vadd.f32 v25, v26;
	[tilespmem:s16+$0xFFFFFF30] =	vst v57;
	v19 =	vld.idx.msk [tilespmem:v19+s17+$0x0], $0xffff  }
0x14a: {  	v58 =	vand.u32 $0x7F, v55;
	v59 =	vand.u32 $0xFFFFFF80, v55;
	v48 =	vand.u32 $0xFFFFFF80, v63;
	v18 =	vld.idx.msk [tilespmem:v18+s17+$0x0], $0xffff;
	[tilespmem:s16+$0xB0] =	vst v37  }
0x14b: {  	v60 =	vadd.s32 s1, v20;
	v20 =	vand.u32 $0x7F, v63;
	v49 =	vadd.s32 v16, v48;
	[tilespmem:s16+$0xFFFFFFB0] =	vst v25;
	v24 =	vld.idx.msk [tilespmem:v24+s17+$0x0], $0xffff  }
0x14c: {  	v50 =	vadd.s32 v16, v59;
	v20 =	vor.u32 v20, v49;
	v45 =	vand.u32 $0xFFFFFF80, v60;
	v23 =	vld.idx.msk [tilespmem:v23+s17+$0x0], $0xffff  }
0x14d: {  	v47 =	vadd.s32 v16, v44;
	v37 =	vadd.s32 v16, v45;
	v16 =	vor.u32 v58, v50  }
0x14e: {  	v38 =	vor.u32 v46, v47;
	v62 =	vand.u32 $0x7F, v60;
	v19 =	vadd.f32 v19, v28  }
0x14f: {  	v29 =	vor.u32 v62, v37;
	v18 =	vadd.f32 v18, v30  }
0x150: {  	v53 =	vadd.s32 s1, v17;
	v55 =	vadd.s32 s18, v17;
	[tilespmem:s16+$0x40] =	vst v19;
	v24 =	vadd.f32 v24, v27  }
0x151: {  	v51 =	vadd.s32 s26, v17;
	v61 =	vand.u32 $0x7F, v55;
	v23 =	vadd.f32 v23, v26;
	[tilespmem:s16+$0xFFFFFF40] =	vst v18;
	v59 =	vld.idx.msk [tilespmem:v20+s17+$0x0], $0xffff  }
0x152: {  	v52 =	vand.u32 $0x7F, v51;
	v44 =	vadd.s32 s18, v15;
	v56 =	vadd.s32 s19, v17;
	v16 =	vld.idx.msk [tilespmem:v16+s17+$0x0], $0xffff;
	[tilespmem:s16+$0xC0] =	vst v24  }
0x153: {  	v25 =	vand.u32 $0xFFFFFF80, v51;
	v60 =	vand.u32 $0xFFFFFF80, v53;
	v58 =	vand.u32 $0xFFFFFF80, v55;
	[tilespmem:s16+$0xFFFFFFC0] =	vst v23;
	v54 =	vld.idx.msk [tilespmem:v38+s17+$0x0], $0xffff  }
0x154: {  	v63 =	vand.u32 $0xFFFFFF80, v56;
	v39 =	vadd.s32 v14, v25;
	v62 =	vadd.s32 v14, v58;
	v29 =	vld.idx.msk [tilespmem:v29+s17+$0x0], $0xffff  }
0x155: {  	v20 =	vadd.s32 v14, v60;
	v38 =	vadd.s32 v14, v63;
	v14 =	vor.u32 v52, v39  }
0x156: {  	v57 =	vand.u32 $0x7F, v53;
	v24 =	vor.u32 v61, v62;
	v18 =	vadd.f32 v59, v28  }
0x157: {  	v17 =	vand.u32 $0x7F, v56;
	v19 =	vor.u32 v57, v20;
	v16 =	vadd.f32 v16, v30  }
0x158: {  	v46 =	vadd.s32 s1, v15;
	v17 =	vor.u32 v17, v38;
	[tilespmem:s16+$0x50] =	vst v18;
	v40 =	vadd.f32 v54, v27  }
0x159: {  	v41 =	vadd.s32 s26, v15;
	v45 =	vand.u32 $0xFFFFFF80, v44;
	v42 =	vadd.f32 v29, v26;
	[tilespmem:s16+$0xFFFFFF50] =	vst v16  }
0x15a: {  	v43 =	vand.u32 $0x7F, v41;
	v51 =	vadd.s32 s19, v15;
	v48 =	vadd.s32 v11, v45;
	v14 =	vld.idx.msk [tilespmem:v14+s17+$0x0], $0xffff;
	[tilespmem:s16+$0xD0] =	vst v40  }
0x15b: {  	v23 =	vand.u32 $0xFFFFFF80, v41;
	v52 =	vand.u32 $0xFFFFFF80, v46;
	[tilespmem:s16+$0xFFFFFFD0] =	vst v42;
	v54 =	vand.u32 $0xFFFFFF80, v51;
	v24 =	vld.idx.msk [tilespmem:v24+s17+$0x0], $0xffff  }
0x15c: {  	v18 =	vadd.s32 v11, v52;
	v19 =	vld.idx.msk [tilespmem:v19+s17+$0x0], $0xffff;
	v56 =	vadd.s32 v11, v54;
	v11 =	vadd.s32 v11, v23  }
0x15d: {  	[tilespmem:s25+$0xE0] =	vst v36;
	v47 =	vand.u32 $0x7F, v44;
	v49 =	vld.idx.msk [tilespmem:v17+s17+$0x0], $0xffff;
	v11 =	vor.u32 v43, v11  }
0x15e: {  	[tilespmem:s25+$0x60] =	vst v35;
	v53 =	vand.u32 $0x7F, v46;
	v55 =	vld.idx.msk [tilespmem:v33+s17+$0x0], $0xffff;
	v50 =	vor.u32 v47, v48  }
0x15f: {  	[tilespmem:s25+$0xFFFFFFE0] =	vst v32;
	v15 =	vand.u32 $0x7F, v51;
	v58 =	vld.idx.msk [tilespmem:v21+s17+$0x0], $0xffff;
	v18 =	vor.u32 v53, v18;
	v14 =	vadd.f32 v14, v30  }
0x160: {  	[tilespmem:s25+$0xFFFFFF60] =	vst v34;
	v57 =	vld.idx.msk [tilespmem:v31+s17+$0x0], $0xffff;
	v15 =	vor.u32 v15, v56;
	v24 =	vadd.f32 v24, v27  }
0x161: {  	v59 =	vld.idx.msk [tilespmem:v22+s17+$0x0], $0xffff;
	v19 =	vadd.f32 v19, v26;
	[tilespmem:s16+$0xFFFFFF60] =	vst v14  }
0x162: {  	v16 =	vadd.f32 v49, v28;
	v11 =	vld.idx.msk [tilespmem:v11+s17+$0x0], $0xffff;
	[tilespmem:s16+$0xE0] =	vst v24  }
0x163: {  	v60 =	vadd.f32 v55, v13;
	[tilespmem:s16+$0xFFFFFFE0] =	vst v19;
	v17 =	vld.idx.msk [tilespmem:v50+s17+$0x0], $0xffff  }
0x164: {  	v9 =	vadd.f32 v58, v9;
	[tilespmem:s16+$0x60] =	vst v16;
	v61 =	vld.idx.msk [tilespmem:v18+s17+$0x0], $0xffff  }
0x165: {  	[tilespmem:s14+$0xF0] =	vst v60;
	v10 =	vadd.f32 v57, v10;
	v62 =	vld.idx.msk [tilespmem:v15+s17+$0x0], $0xffff  }
0x166: {  	[tilespmem:s14+$0x70] =	vst v9;
	v63 =	vadd.f32 v59, v12  }
0x167: {  	[tilespmem:s14+$0xFFFFFFF0] =	vst v10;
	v11 =	vadd.f32 v11, v30  }
0x168: {  	[tilespmem:s14+$0xFFFFFF70] =	vst v63;
	v9 =	vadd.f32 v17, v27  }
0x169: {  	s19 =	sshll.u32 s29, $0x7;
	v10 =	vadd.f32 v61, v26;
	[tilespmem:s16+$0xFFFFFF70] =	vst v11  }
0x16a: {  	s5 =	sshll.u32 s30, $0x10;
	s1 =	sand.u32 $0x3F80, s19;
	[tilespmem:s16+$0xF0] =	vst v9;
	v9 =	vadd.f32 v62, v28  }
0x16b: {  	s1 =	sor.u32 s1, s5;
	[tilespmem:s16+$0xFFFFFFF0] =	vst v10  }
0x16c: {  	s24 =	sadd.s32 $0x1, s24;
	s25 =	sadd.s32 s2, s1;
	[tilespmem:s16+$0x70] =	vst v9  }
0x16d: {  	[hbm4b:s25+s3] =	stream.linear.scatter [tilespmem:s31], [sflag:$0x2], $0x400, $0x38;
	[tilespmem:$0x14B80] =	vst v63  }
0x16e: {  	p1 =	sne.s32 s24, $0x68;
	s26 =	sadd.s32 $0xFB80, s28;
	s5 =	sadd.s32 s1, s8  }
0x16f: {  	[hbm4b:s5+s3] =	stream.linear.scatter [tilespmem:s26], [sflag:$0x2], $0x400, $0x38;
	[tilespmem:$0x14B80] =	vst v63  }
.Ltmp2:
0x170: {  	_ = 	snop;
	(pc) =	sbr.rel @p1 .LBB2_2-.Ltmp2, $4  }
0x171: {  	p0 =	por !p0, !p0;
	s29 =	sadd.s32 $0xFF80, s28;
	s30 =	sadd.s32 s1, s9  }
0x172: {  	[hbm4b:s30+s3] =	stream.linear.scatter [tilespmem:s29], [sflag:$0x2], $0x400, $0x38;
	[tilespmem:$0x14B80] =	vst v63  }
0x173: {  	s23 =	sadd.s32 $0x1, s23;
	s1 =	sadd.s32 s1, s10;
	s31 =	sadd.s32 $0x10380, s28  }
0x174: {  	[hbm4b:s1+s3] =	stream.linear.scatter [tilespmem:s31], [sflag:$0x2], $0x400, $0x38;
	[tilespmem:$0x14B80] =	vst v63  }
0x175: {  	_ =	swait.ge [sflag:s21], $0x400  }
0x176: {  	[sflag:s21] =	ssyncset.done $0x0  }
0x177: {  	[sflag:s21] =	ssyncadd.s32 $0xFFFFFC00  }
0x178: {  	_ =	swait.ge [sflag:s21], $0x400  }
0x179: {  	[sflag:s21] =	ssyncset.done $0x0  }
0x17a: {  	[sflag:s21] =	ssyncadd.s32 $0xFFFFFC00  }
0x17b: {  	_ =	swait.ge [sflag:s21], $0x400  }
0x17c: {  	[sflag:s21] =	ssyncset.done $0x0  }
0x17d: {  	[sflag:s21] =	ssyncadd.s32 $0xFFFFFC00  }
0x17e: {  	_ =	swait.ge [sflag:s21], $0x400  }
0x17f: {  	[sflag:s21] =	ssyncset.done $0x0  }
0x180: {  	[sflag:s21] =	ssyncadd.s32 $0xFFFFFC00  }
0x181: {  	_ =	swait.ge [sflag:s21], $0x400  }
0x182: {  	[sflag:s21] =	ssyncset.done $0x0  }
0x183: {  	[sflag:s21] =	ssyncadd.s32 $0xFFFFFC00  }
0x184: {  	_ =	swait.ge [sflag:s21], $0x400  }
0x185: {  	[sflag:s21] =	ssyncset.done $0x0  }
0x186: {  	s22 =	sadd.s32 $0x1, s22;
	[sflag:s21] =	ssyncadd.s32 $0xFFFFFC00  }
0x187: {  	p0 =	sne.s32 s22, s11;
	_ =	swait.ge [sflag:s21], $0x400  }
.Ltmp3:
0x188: {  	[sflag:s21] =	ssyncset.done $0x0;
	(pc) =	sbr.rel @p0 .LBB2_1-.Ltmp3, $4  }
0x189: {  	[sflag:s21] =	ssyncadd.s32 $0xFFFFFC00  }
0x18a: {  	_ =	swait.ge [sflag:s21], $0x400  }
0x18b: {  	[sflag:s21] =	ssyncset.done $0x0  }
0x18c: {  	[sflag:s21] =	ssyncadd.s32 $0xFFFFFC00  }
0x18d: {  	_ =	sfence.sel $0x180000  }
0x18e: {  	[bflag:$0x0] =	sbarrier.arrive $0xFFFF  }
0x18f: {  	_ =	strace $0x9000004A  }
0x190: {  	s0 =	stileid.u32;
	[bflag:$0x2] =	sbarrier.arrive $0xFFFF  }
0x191: {  	p0 =	sne.s32 s0, $0x0;
	s0 =	rddreg [dreg:$0x2]  }
0x192: {  	s0 =	sadd.s32 @!p0 $0x100000, s0  }
0x193: {  	[sflag:s0] =	ssyncadd.tile.s32 @!p0 $0x1;
	_ =	shalt  }
.Lfunc_end2:
_tile_overlayer_lowered:
.L_overlay_start_2:
0x194: {  	(tag) =	ssettag $0x2  }
0x195: {  	s0 =	rddreg [dreg:$0x0];
	s2 =	stileid.u32  }
0x196: {  	s1 =	rddreg [dreg:$0x1];
	p0 =	sne.s32 s2, $0x0  }
0x197: {  	s3 =	rddreg [dreg:$0x2];
	[bflag:$0x3] =	sbarrier.arrive $0xFFFF;
	s2 =	simm.s32 @!p0 $0x1C03  }
0x198: {  	[timem:s3], [sflag:s2] =	dma.local @!p0 [hbm:s0], s1  }
0x199: {  	s0 =	simm.s32 @!p0 $0x3  }
0x19a: {  	_ =	swait.ge @!p0 [sflag:s0], s1  }
0x19b: {  	s1 =	ssub.s32 @!p0 $0x0, s1;
	[sflag:s0] =	ssyncset.done @!p0 $0x0  }
0x19c: {  	[sflag:s0] =	ssyncadd.s32 @!p0 s1  }
0x19d: {  	[bflag:$0x3] =	sbarrier.arrive $0xFFFF  }
0x19e: {  	_ =	shalt  }

</sc_bundles>
